<compile_context>
chip_gen: v7x
topology: tpu7x:2x2x1
jax: 0.10.2.dev20260603
libtpu: 0.0.44.dev20260713+nightly
codegen_flags: <defaults>
</compile_context>

<pallas_src>
import functools

import jax
import jax.numpy as jnp
from jax import lax
from jax.experimental import pallas as pl
from jax.experimental.pallas import tpu as pltpu
from jax.experimental.pallas import tpu_sc as plsc

_B = 64
_S = 512
_DIM = 768
_NTOK = _B * _S

_NC = 2
_NS = 16
_NW = _NC * _NS
_CHUNK = 64
_SIZES = (16, 16, 16, 16)
_TB = 2048


def _sc_gather(table, ids, ntok):
  mesh = plsc.VectorSubcoreMesh(core_axis_name="c", subcore_axis_name="s")
  tok_per_w = ntok // _NW
  nchunk = tok_per_w // _CHUNK

  @functools.partial(
      pl.kernel,
      out_type=jax.ShapeDtypeStruct((ntok, _DIM), jnp.float32),
      mesh=mesh,
      scratch_types=[
          pltpu.VMEM((tok_per_w,), jnp.int32),
          pltpu.VMEM((2, _CHUNK, _DIM), jnp.float32),
          pltpu.SemaphoreType.DMA,
          pltpu.SemaphoreType.DMA,
          pltpu.SemaphoreType.DMA,
          pltpu.SemaphoreType.DMA,
      ],
  )
  def k(table_hbm, idx_hbm, out_hbm, idx_v, rows_v, g0, g1, o0, o1):
    wid = lax.axis_index("s") * _NC + lax.axis_index("c")
    base = wid * tok_per_w
    pltpu.sync_copy(idx_hbm.at[pl.ds(base, tok_per_w)], idx_v)

    gsem = [g0, g1]
    osem = [o0, o1]

    def gather(i):
      return pltpu.async_copy(
          table_hbm.at[idx_v.at[pl.ds(i * _CHUNK, _CHUNK)]],
          rows_v.at[i % 2],
          gsem[i % 2],
      )

    pend_g = [None, None]
    pend_o = [None, None]
    pend_g[0] = gather(0)
    for i in range(nchunk):
      b = i % 2
      nb = (i + 1) % 2
      if i + 1 < nchunk:
        if pend_o[nb] is not None:
          pend_o[nb].wait()
        pend_g[nb] = gather(i + 1)
      pend_g[b].wait()
      pend_o[b] = pltpu.async_copy(
          rows_v.at[b],
          out_hbm.at[pl.ds(base + i * _CHUNK, _CHUNK)],
          osem[b],
      )
    pend_o[0].wait()
    pend_o[1].wait()

  return k(table, ids)


def _tc_addln_chunk(words, ptt, gamma, beta, b0, nb, prev):

  def body(*refs):
    w_ref, p_ref, g_ref, b_ref = refs[:4]
    o_ref = refs[-1]
    x = w_ref[...] + p_ref[...]
    m = jnp.mean(x, axis=-1, keepdims=True)
    v = jnp.mean(x * x, axis=-1, keepdims=True) - m * m
    r = 1.0 / jnp.sqrt(v + 1e-12)
    o_ref[...] = (x - m) * (r * g_ref[...]) + b_ref[...]

  in_specs = [
      pl.BlockSpec((_TB, _DIM), lambda i: (i, 0)),
      pl.BlockSpec((_TB, _DIM), lambda i: (0, 0)),
      pl.BlockSpec((1, _DIM), lambda i: (0, 0)),
      pl.BlockSpec((1, _DIM), lambda i: (0, 0)),
  ]
  args = [words, ptt, gamma, beta]
  aliases = {}
  if prev is not None:
    in_specs.append(pl.BlockSpec(memory_space=pl.ANY))
    args.append(prev)
    aliases = {4: 0}

  return pl.pallas_call(
      body,
      grid=(nb * _S // _TB,),
      in_specs=in_specs,
      out_specs=pl.BlockSpec((_TB, _DIM), lambda i, b0=b0: (b0 * _S // _TB + i, 0)),
      out_shape=jax.ShapeDtypeStruct((_NTOK, _DIM), jnp.float32),
      input_output_aliases=aliases,
  )(*args)


def kernel(input_ids, word_embeddings, position_embeddings,
           token_type_embeddings, ln_gamma, ln_beta):
  ids = input_ids.reshape(-1).astype(jnp.int32)
  ptt1 = position_embeddings + token_type_embeddings[0][None, :]
  ptt = jnp.concatenate([ptt1] * (_TB // _S), axis=0)
  gamma = ln_gamma.reshape(1, _DIM)
  beta = ln_beta.reshape(1, _DIM)

  offsets = [sum(_SIZES[:k]) for k in range(len(_SIZES))]
  words = [
      _sc_gather(word_embeddings,
                 lax.dynamic_slice_in_dim(ids, b0 * _S, nb * _S), nb * _S)
      for b0, nb in zip(offsets, _SIZES)
  ]
  out = None
  for w, b0, nb in zip(words, offsets, _SIZES):
    out = _tc_addln_chunk(w, ptt, gamma, beta, b0, nb, out)
  return out.reshape(_B, _S, _DIM)

# --- scband reference (transcript-rebuilt; emitter-appended) ---
"""Pipeline reference for scband-embed-53386443489786 (READ-ONLY COPY).

The authoritative reference and input builder live on the scoring server;
editing this copy changes nothing except your own understanding.
"""

import jax, jax.numpy as jnp
import numpy as np

VOCAB = 30522
DIM = 768
MAX_POS = 512
TYPE_VOCAB = 2
B = 64
S = 512
LN_EPS = 1e-12


def setup_inputs(seed: int = 0) -> dict:
    key = jax.random.key(seed)
    k1, k2, k3, k4 = jax.random.split(key, 4)
    input_ids = jax.random.randint(k1, (B, S), 0, VOCAB, dtype=jnp.int64 if jax.config.jax_enable_x64 else jnp.int32)
    word_embeddings = jax.random.normal(k2, (VOCAB, DIM), dtype=jnp.float32) * 0.02
    position_embeddings = jax.random.normal(k3, (MAX_POS, DIM), dtype=jnp.float32) * 0.02
    token_type_embeddings = jax.random.normal(k4, (TYPE_VOCAB, DIM), dtype=jnp.float32) * 0.02
    ln_gamma = jnp.ones((DIM,), dtype=jnp.float32)
    ln_beta = jnp.zeros((DIM,), dtype=jnp.float32)
    return {
        "input_ids": input_ids,
        "word_embeddings": word_embeddings,
        "position_embeddings": position_embeddings,
        "token_type_embeddings": token_type_embeddings,
        "ln_gamma": ln_gamma,
        "ln_beta": ln_beta,
    }


def reference(input_ids, word_embeddings, position_embeddings, token_type_embeddings, ln_gamma, ln_beta):
    # BertEmbeddings forward (eval mode, dropout is identity):
    # word_emb[input_ids] + pos_emb[0:S] + token_type_emb[token_type_ids=0], then LayerNorm(eps=1e-12)
    seq_len = input_ids.shape[1]
    words = jnp.take(word_embeddings, input_ids, axis=0)              # [B, S, DIM] gather
    position_ids = jnp.arange(seq_len)
    positions = jnp.take(position_embeddings, position_ids, axis=0)  # [S, DIM]
    token_types = token_type_embeddings[0]                            # [DIM] (token_type_ids default to zeros)
    emb = words + positions[None, :, :] + token_types[None, None, :]
    mean = jnp.mean(emb, axis=-1, keepdims=True)
    var = jnp.mean(jnp.square(emb - mean), axis=-1, keepdims=True)
    normed = (emb - mean) / jnp.sqrt(var + LN_EPS)
    out = normed * ln_gamma + ln_beta
    return out

if __name__ == "__main__":
    import jax
    _d = setup_inputs()
    print(jax.jit(kernel)(*tuple(_d.values())))

</pallas_src>

<mosaic_0001>
#map = affine_map<(d0, d1) -> (0, 0)>
#map1 = affine_map<(d0, d1) -> (0)>
module attributes {stable_mosaic.version = 14 : i64} {
  func.func @k(%arg0: i32, %arg1: i32, %arg2: memref<30522x768xf32, #tpu.memory_space<hbm>>, %arg3: memref<8192xi32, #tpu.memory_space<hbm>>, %arg4: memref<8192x768xf32, #tpu.memory_space<hbm>>, %arg5: memref<256xi32, #tpu.memory_space<vmem>>, %arg6: memref<2x64x768xf32, #tpu.memory_space<vmem>>, %arg7: memref<!tpu.dma_semaphore, #tpu.memory_space<semaphore_mem>>, %arg8: memref<!tpu.dma_semaphore, #tpu.memory_space<semaphore_mem>>, %arg9: memref<!tpu.dma_semaphore, #tpu.memory_space<semaphore_mem>>, %arg10: memref<!tpu.dma_semaphore, #tpu.memory_space<semaphore_mem>>) attributes {dimension_semantics = [#tpu.dimension_semantics<core_parallel>, #tpu.dimension_semantics<subcore_parallel>], iteration_bounds = array<i64: 2, 16>, scalar_prefetch = 0 : i64, scratch_operands = 6 : i64, tpu.core_type = #tpu.core_type<sc_vector_subcore>, window_params = [{transform_indices = #map}, {transform_indices = #map1}, {transform_indices = #map}]} {
    %mul3A = arith.constant 2 : i32
    %mul3A_0 = arith.muli %arg1, %mul3A : i32
    %add3A = arith.addi %mul3A_0, %arg0 : i32
    %mul3A_1 = arith.constant 256 : i32
    %mul3A_2 = arith.muli %add3A, %mul3A_1 : i32
    "tpu.region"() ({
      %run_scoped3A = tpu.sem_alloc : memref<!tpu.dma_semaphore, #tpu.memory_space<semaphore_mem>>
      %dma_start3A_193 = tpu.memref_slice %arg3[%mul3A_2] : memref<8192xi32, #tpu.memory_space<hbm>> -> memref<256xi32, #tpu.memory_space<hbm>>
      %dma_start3A_194 = tpu.memref_slice %arg3[%mul3A_2] : memref<8192xi32, #tpu.memory_space<hbm>> -> memref<256xi32, #tpu.memory_space<hbm>>
      tpu.enqueue_dma source(%dma_start3A_194 : memref<256xi32, #tpu.memory_space<hbm>>) target(%arg5 : memref<256xi32, #tpu.memory_space<vmem>>) target_semaphore(%run_scoped3A : memref<!tpu.dma_semaphore, #tpu.memory_space<semaphore_mem>>)
      %dma_wait3A_195 = tpu.memref_slice %arg3[%mul3A_2] : memref<8192xi32, #tpu.memory_space<hbm>> -> memref<256xi32, #tpu.memory_space<hbm>>
      %dma_wait3A_196 = tpu.memref_slice %arg3[%mul3A_2] : memref<8192xi32, #tpu.memory_space<hbm>> -> memref<256xi32, #tpu.memory_space<hbm>>
      tpu.wait_dma2 semaphore(%run_scoped3A : memref<!tpu.dma_semaphore, #tpu.memory_space<semaphore_mem>>) src(%dma_wait3A_196 : memref<256xi32, #tpu.memory_space<hbm>>) dst(%arg5 : memref<256xi32, #tpu.memory_space<vmem>>)
      tpu.yield
    }) : () -> ()
    %dma_start3A = arith.constant 0 : i32
    %dma_start3A_3 = arith.constant 0 : i32
    %dma_start3A_4 = arith.constant 0 : i32
    %dma_start3A_5 = tpu.memref_slice %arg6[%dma_start3A, %dma_start3A_3, %dma_start3A_4] : memref<2x64x768xf32, #tpu.memory_space<vmem>> -> memref<1x64x768xf32, #tpu.memory_space<vmem>>
    %dma_start3A_6 = tpu.memref_squeeze %dma_start3A_5 : memref<1x64x768xf32, #tpu.memory_space<vmem>> -> memref<64x768xf32, #tpu.memory_space<vmem>>
    %dma_start3A_7 = arith.constant 0 : i32
    %dma_start3A_8 = tpu.memref_slice %arg5[%dma_start3A_7] : memref<256xi32, #tpu.memory_space<vmem>> -> memref<64xi32, #tpu.memory_space<vmem>>
    %dma_start3A_9 = arith.constant 0 : i32
    %dma_start3A_10 = arith.constant 0 : i32
    %dma_start3A_11 = tpu.memref_slice %arg2[%dma_start3A_9, %dma_start3A_10] : memref<30522x768xf32, #tpu.memory_space<hbm>> -> memref<30522x768xf32, #tpu.memory_space<hbm>>
    tpu.enqueue_indirect_dma source(%dma_start3A_11 : memref<30522x768xf32, #tpu.memory_space<hbm>>) target(%dma_start3A_6 : memref<64x768xf32, #tpu.memory_space<vmem>>) offsets(%dma_start3A_8 : memref<64xi32, #tpu.memory_space<vmem>>) semaphore(%arg7 : memref<!tpu.dma_semaphore, #tpu.memory_space<semaphore_mem>>)
    %dma_start3A_12 = arith.constant 1 : i32
    %dma_start3A_13 = arith.constant 0 : i32
    %dma_start3A_14 = arith.constant 0 : i32
    %dma_start3A_15 = tpu.memref_slice %arg6[%dma_start3A_12, %dma_start3A_13, %dma_start3A_14] : memref<2x64x768xf32, #tpu.memory_space<vmem>> -> memref<1x64x768xf32, #tpu.memory_space<vmem>>
    %dma_start3A_16 = tpu.memref_squeeze %dma_start3A_15 : memref<1x64x768xf32, #tpu.memory_space<vmem>> -> memref<64x768xf32, #tpu.memory_space<vmem>>
    %dma_start3A_17 = arith.constant 64 : i32
    %dma_start3A_18 = tpu.memref_slice %arg5[%dma_start3A_17] : memref<256xi32, #tpu.memory_space<vmem>> -> memref<64xi32, #tpu.memory_space<vmem>>
    %dma_start3A_19 = arith.constant 0 : i32
    %dma_start3A_20 = arith.constant 0 : i32
    %dma_start3A_21 = tpu.memref_slice %arg2[%dma_start3A_19, %dma_start3A_20] : memref<30522x768xf32, #tpu.memory_space<hbm>> -> memref<30522x768xf32, #tpu.memory_space<hbm>>
    tpu.enqueue_indirect_dma source(%dma_start3A_21 : memref<30522x768xf32, #tpu.memory_space<hbm>>) target(%dma_start3A_16 : memref<64x768xf32, #tpu.memory_space<vmem>>) offsets(%dma_start3A_18 : memref<64xi32, #tpu.memory_space<vmem>>) semaphore(%arg8 : memref<!tpu.dma_semaphore, #tpu.memory_space<semaphore_mem>>)
    %dma_wait3A = arith.constant 0 : i32
    %dma_wait3A_22 = arith.constant 0 : i32
    %dma_wait3A_23 = arith.constant 0 : i32
    %dma_wait3A_24 = tpu.memref_slice %arg6[%dma_wait3A, %dma_wait3A_22, %dma_wait3A_23] : memref<2x64x768xf32, #tpu.memory_space<vmem>> -> memref<1x64x768xf32, #tpu.memory_space<vmem>>
    %dma_wait3A_25 = tpu.memref_squeeze %dma_wait3A_24 : memref<1x64x768xf32, #tpu.memory_space<vmem>> -> memref<64x768xf32, #tpu.memory_space<vmem>>
    %dma_wait3A_26 = arith.constant 0 : i32
    %dma_wait3A_27 = tpu.memref_slice %arg5[%dma_wait3A_26] : memref<256xi32, #tpu.memory_space<vmem>> -> memref<64xi32, #tpu.memory_space<vmem>>
    %dma_wait3A_28 = arith.constant 0 : i32
    %dma_wait3A_29 = arith.constant 0 : i32
    %dma_wait3A_30 = tpu.memref_slice %arg2[%dma_wait3A_28, %dma_wait3A_29] : memref<30522x768xf32, #tpu.memory_space<hbm>> -> memref<30522x768xf32, #tpu.memory_space<hbm>>
    tpu.wait_indirect_dma semaphore(%arg7 : memref<!tpu.dma_semaphore, #tpu.memory_space<semaphore_mem>>) src(%dma_wait3A_30 : memref<30522x768xf32, #tpu.memory_space<hbm>>) dst(%dma_wait3A_25 : memref<64x768xf32, #tpu.memory_space<vmem>>)
    %add3A_31 = arith.constant 0 : i32
    %add3A_32 = arith.addi %mul3A_2, %add3A_31 : i32
    %dma_start3A_33 = arith.constant 0 : i32
    %dma_start3A_34 = arith.constant 0 : i32
    %dma_start3A_35 = arith.constant 0 : i32
    %dma_start3A_36 = tpu.memref_slice %arg6[%dma_start3A_33, %dma_start3A_34, %dma_start3A_35] : memref<2x64x768xf32, #tpu.memory_space<vmem>> -> memref<1x64x768xf32, #tpu.memory_space<vmem>>
    %dma_start3A_37 = tpu.memref_squeeze %dma_start3A_36 : memref<1x64x768xf32, #tpu.memory_space<vmem>> -> memref<64x768xf32, #tpu.memory_space<vmem>>
    %dma_start3A_38 = arith.constant 0 : i32
    %dma_start3A_39 = tpu.memref_slice %arg4[%add3A_32, %dma_start3A_38] : memref<8192x768xf32, #tpu.memory_space<hbm>> -> memref<64x768xf32, #tpu.memory_space<hbm>>
    %dma_start3A_40 = arith.constant 0 : i32
    %dma_start3A_41 = tpu.memref_slice %arg4[%add3A_32, %dma_start3A_40] : memref<8192x768xf32, #tpu.memory_space<hbm>> -> memref<64x768xf32, #tpu.memory_space<hbm>>
    %dma_start3A_42 = arith.constant 0 : i32
    %dma_start3A_43 = arith.constant 0 : i32
    %dma_start3A_44 = tpu.memref_slice %arg6[%dma_start3A_33, %dma_start3A_42, %dma_start3A_43] : memref<2x64x768xf32, #tpu.memory_space<vmem>> -> memref<1x64x768xf32, #tpu.memory_space<vmem>>
    %dma_start3A_45 = tpu.memref_squeeze %dma_start3A_44 : memref<1x64x768xf32, #tpu.memory_space<vmem>> -> memref<64x768xf32, #tpu.memory_space<vmem>>
    tpu.enqueue_dma source(%dma_start3A_45 : memref<64x768xf32, #tpu.memory_space<vmem>>) target(%dma_start3A_41 : memref<64x768xf32, #tpu.memory_space<hbm>>) target_semaphore(%arg9 : memref<!tpu.dma_semaphore, #tpu.memory_space<semaphore_mem>>)
    %dma_wait3A_46 = arith.constant 0 : i32
    %dma_wait3A_47 = arith.constant 0 : i32
    %dma_wait3A_48 = arith.constant 0 : i32
    %dma_wait3A_49 = tpu.memref_slice %arg6[%dma_wait3A_46, %dma_wait3A_47, %dma_wait3A_48] : memref<2x64x768xf32, #tpu.memory_space<vmem>> -> memref<1x64x768xf32, #tpu.memory_space<vmem>>
    %dma_wait3A_50 = tpu.memref_squeeze %dma_wait3A_49 : memref<1x64x768xf32, #tpu.memory_space<vmem>> -> memref<64x768xf32, #tpu.memory_space<vmem>>
    %dma_wait3A_51 = arith.constant 0 : i32
    %dma_wait3A_52 = tpu.memref_slice %arg4[%add3A_32, %dma_wait3A_51] : memref<8192x768xf32, #tpu.memory_space<hbm>> -> memref<64x768xf32, #tpu.memory_space<hbm>>
    %dma_wait3A_53 = arith.constant 0 : i32
    %dma_wait3A_54 = tpu.memref_slice %arg4[%add3A_32, %dma_wait3A_53] : memref<8192x768xf32, #tpu.memory_space<hbm>> -> memref<64x768xf32, #tpu.memory_space<hbm>>
    %dma_wait3A_55 = arith.constant 0 : i32
    %dma_wait3A_56 = arith.constant 0 : i32
    %dma_wait3A_57 = tpu.memref_slice %arg6[%dma_wait3A_46, %dma_wait3A_55, %dma_wait3A_56] : memref<2x64x768xf32, #tpu.memory_space<vmem>> -> memref<1x64x768xf32, #tpu.memory_space<vmem>>
    %dma_wait3A_58 = tpu.memref_squeeze %dma_wait3A_57 : memref<1x64x768xf32, #tpu.memory_space<vmem>> -> memref<64x768xf32, #tpu.memory_space<vmem>>
    tpu.wait_dma2 semaphore(%arg9 : memref<!tpu.dma_semaphore, #tpu.memory_space<semaphore_mem>>) src(%dma_wait3A_58 : memref<64x768xf32, #tpu.memory_space<vmem>>) dst(%dma_wait3A_54 : memref<64x768xf32, #tpu.memory_space<hbm>>)
    %dma_start3A_59 = arith.constant 0 : i32
    %dma_start3A_60 = arith.constant 0 : i32
    %dma_start3A_61 = arith.constant 0 : i32
    %dma_start3A_62 = tpu.memref_slice %arg6[%dma_start3A_59, %dma_start3A_60, %dma_start3A_61] : memref<2x64x768xf32, #tpu.memory_space<vmem>> -> memref<1x64x768xf32, #tpu.memory_space<vmem>>
    %dma_start3A_63 = tpu.memref_squeeze %dma_start3A_62 : memref<1x64x768xf32, #tpu.memory_space<vmem>> -> memref<64x768xf32, #tpu.memory_space<vmem>>
    %dma_start3A_64 = arith.constant 128 : i32
    %dma_start3A_65 = tpu.memref_slice %arg5[%dma_start3A_64] : memref<256xi32, #tpu.memory_space<vmem>> -> memref<64xi32, #tpu.memory_space<vmem>>
    %dma_start3A_66 = arith.constant 0 : i32
    %dma_start3A_67 = arith.constant 0 : i32
    %dma_start3A_68 = tpu.memref_slice %arg2[%dma_start3A_66, %dma_start3A_67] : memref<30522x768xf32, #tpu.memory_space<hbm>> -> memref<30522x768xf32, #tpu.memory_space<hbm>>
    tpu.enqueue_indirect_dma source(%dma_start3A_68 : memref<30522x768xf32, #tpu.memory_space<hbm>>) target(%dma_start3A_63 : memref<64x768xf32, #tpu.memory_space<vmem>>) offsets(%dma_start3A_65 : memref<64xi32, #tpu.memory_space<vmem>>) semaphore(%arg7 : memref<!tpu.dma_semaphore, #tpu.memory_space<semaphore_mem>>)
    %dma_wait3A_69 = arith.constant 1 : i32
    %dma_wait3A_70 = arith.constant 0 : i32
    %dma_wait3A_71 = arith.constant 0 : i32
    %dma_wait3A_72 = tpu.memref_slice %arg6[%dma_wait3A_69, %dma_wait3A_70, %dma_wait3A_71] : memref<2x64x768xf32, #tpu.memory_space<vmem>> -> memref<1x64x768xf32, #tpu.memory_space<vmem>>
    %dma_wait3A_73 = tpu.memref_squeeze %dma_wait3A_72 : memref<1x64x768xf32, #tpu.memory_space<vmem>> -> memref<64x768xf32, #tpu.memory_space<vmem>>
    %dma_wait3A_74 = arith.constant 64 : i32
    %dma_wait3A_75 = tpu.memref_slice %arg5[%dma_wait3A_74] : memref<256xi32, #tpu.memory_space<vmem>> -> memref<64xi32, #tpu.memory_space<vmem>>
    %dma_wait3A_76 = arith.constant 0 : i32
    %dma_wait3A_77 = arith.constant 0 : i32
    %dma_wait3A_78 = tpu.memref_slice %arg2[%dma_wait3A_76, %dma_wait3A_77] : memref<30522x768xf32, #tpu.memory_space<hbm>> -> memref<30522x768xf32, #tpu.memory_space<hbm>>
    tpu.wait_indirect_dma semaphore(%arg8 : memref<!tpu.dma_semaphore, #tpu.memory_space<semaphore_mem>>) src(%dma_wait3A_78 : memref<30522x768xf32, #tpu.memory_space<hbm>>) dst(%dma_wait3A_73 : memref<64x768xf32, #tpu.memory_space<vmem>>)
    %add3A_79 = arith.constant 64 : i32
    %add3A_80 = arith.addi %mul3A_2, %add3A_79 : i32
    %dma_start3A_81 = arith.constant 1 : i32
    %dma_start3A_82 = arith.constant 0 : i32
    %dma_start3A_83 = arith.constant 0 : i32
    %dma_start3A_84 = tpu.memref_slice %arg6[%dma_start3A_81, %dma_start3A_82, %dma_start3A_83] : memref<2x64x768xf32, #tpu.memory_space<vmem>> -> memref<1x64x768xf32, #tpu.memory_space<vmem>>
    %dma_start3A_85 = tpu.memref_squeeze %dma_start3A_84 : memref<1x64x768xf32, #tpu.memory_space<vmem>> -> memref<64x768xf32, #tpu.memory_space<vmem>>
    %dma_start3A_86 = arith.constant 0 : i32
    %dma_start3A_87 = tpu.memref_slice %arg4[%add3A_80, %dma_start3A_86] : memref<8192x768xf32, #tpu.memory_space<hbm>> -> memref<64x768xf32, #tpu.memory_space<hbm>>
    %dma_start3A_88 = arith.constant 0 : i32
    %dma_start3A_89 = tpu.memref_slice %arg4[%add3A_80, %dma_start3A_88] : memref<8192x768xf32, #tpu.memory_space<hbm>> -> memref<64x768xf32, #tpu.memory_space<hbm>>
    %dma_start3A_90 = arith.constant 0 : i32
    %dma_start3A_91 = arith.constant 0 : i32
    %dma_start3A_92 = tpu.memref_slice %arg6[%dma_start3A_81, %dma_start3A_90, %dma_start3A_91] : memref<2x64x768xf32, #tpu.memory_space<vmem>> -> memref<1x64x768xf32, #tpu.memory_space<vmem>>
    %dma_start3A_93 = tpu.memref_squeeze %dma_start3A_92 : memref<1x64x768xf32, #tpu.memory_space<vmem>> -> memref<64x768xf32, #tpu.memory_space<vmem>>
    tpu.enqueue_dma source(%dma_start3A_93 : memref<64x768xf32, #tpu.memory_space<vmem>>) target(%dma_start3A_89 : memref<64x768xf32, #tpu.memory_space<hbm>>) target_semaphore(%arg10 : memref<!tpu.dma_semaphore, #tpu.memory_space<semaphore_mem>>)
    %dma_wait3A_94 = arith.constant 1 : i32
    %dma_wait3A_95 = arith.constant 0 : i32
    %dma_wait3A_96 = arith.constant 0 : i32
    %dma_wait3A_97 = tpu.memref_slice %arg6[%dma_wait3A_94, %dma_wait3A_95, %dma_wait3A_96] : memref<2x64x768xf32, #tpu.memory_space<vmem>> -> memref<1x64x768xf32, #tpu.memory_space<vmem>>
    %dma_wait3A_98 = tpu.memref_squeeze %dma_wait3A_97 : memref<1x64x768xf32, #tpu.memory_space<vmem>> -> memref<64x768xf32, #tpu.memory_space<vmem>>
    %dma_wait3A_99 = arith.constant 0 : i32
    %dma_wait3A_100 = tpu.memref_slice %arg4[%add3A_80, %dma_wait3A_99] : memref<8192x768xf32, #tpu.memory_space<hbm>> -> memref<64x768xf32, #tpu.memory_space<hbm>>
    %dma_wait3A_101 = arith.constant 0 : i32
    %dma_wait3A_102 = tpu.memref_slice %arg4[%add3A_80, %dma_wait3A_101] : memref<8192x768xf32, #tpu.memory_space<hbm>> -> memref<64x768xf32, #tpu.memory_space<hbm>>
    %dma_wait3A_103 = arith.constant 0 : i32
    %dma_wait3A_104 = arith.constant 0 : i32
    %dma_wait3A_105 = tpu.memref_slice %arg6[%dma_wait3A_94, %dma_wait3A_103, %dma_wait3A_104] : memref<2x64x768xf32, #tpu.memory_space<vmem>> -> memref<1x64x768xf32, #tpu.memory_space<vmem>>
    %dma_wait3A_106 = tpu.memref_squeeze %dma_wait3A_105 : memref<1x64x768xf32, #tpu.memory_space<vmem>> -> memref<64x768xf32, #tpu.memory_space<vmem>>
    tpu.wait_dma2 semaphore(%arg10 : memref<!tpu.dma_semaphore, #tpu.memory_space<semaphore_mem>>) src(%dma_wait3A_106 : memref<64x768xf32, #tpu.memory_space<vmem>>) dst(%dma_wait3A_102 : memref<64x768xf32, #tpu.memory_space<hbm>>)
    %dma_start3A_107 = arith.constant 1 : i32
    %dma_start3A_108 = arith.constant 0 : i32
    %dma_start3A_109 = arith.constant 0 : i32
    %dma_start3A_110 = tpu.memref_slice %arg6[%dma_start3A_107, %dma_start3A_108, %dma_start3A_109] : memref<2x64x768xf32, #tpu.memory_space<vmem>> -> memref<1x64x768xf32, #tpu.memory_space<vmem>>
    %dma_start3A_111 = tpu.memref_squeeze %dma_start3A_110 : memref<1x64x768xf32, #tpu.memory_space<vmem>> -> memref<64x768xf32, #tpu.memory_space<vmem>>
    %dma_start3A_112 = arith.constant 192 : i32
    %dma_start3A_113 = tpu.memref_slice %arg5[%dma_start3A_112] : memref<256xi32, #tpu.memory_space<vmem>> -> memref<64xi32, #tpu.memory_space<vmem>>
    %dma_start3A_114 = arith.constant 0 : i32
    %dma_start3A_115 = arith.constant 0 : i32
    %dma_start3A_116 = tpu.memref_slice %arg2[%dma_start3A_114, %dma_start3A_115] : memref<30522x768xf32, #tpu.memory_space<hbm>> -> memref<30522x768xf32, #tpu.memory_space<hbm>>
    tpu.enqueue_indirect_dma source(%dma_start3A_116 : memref<30522x768xf32, #tpu.memory_space<hbm>>) target(%dma_start3A_111 : memref<64x768xf32, #tpu.memory_space<vmem>>) offsets(%dma_start3A_113 : memref<64xi32, #tpu.memory_space<vmem>>) semaphore(%arg8 : memref<!tpu.dma_semaphore, #tpu.memory_space<semaphore_mem>>)
    %dma_wait3A_117 = arith.constant 0 : i32
    %dma_wait3A_118 = arith.constant 0 : i32
    %dma_wait3A_119 = arith.constant 0 : i32
    %dma_wait3A_120 = tpu.memref_slice %arg6[%dma_wait3A_117, %dma_wait3A_118, %dma_wait3A_119] : memref<2x64x768xf32, #tpu.memory_space<vmem>> -> memref<1x64x768xf32, #tpu.memory_space<vmem>>
    %dma_wait3A_121 = tpu.memref_squeeze %dma_wait3A_120 : memref<1x64x768xf32, #tpu.memory_space<vmem>> -> memref<64x768xf32, #tpu.memory_space<vmem>>
    %dma_wait3A_122 = arith.constant 128 : i32
    %dma_wait3A_123 = tpu.memref_slice %arg5[%dma_wait3A_122] : memref<256xi32, #tpu.memory_space<vmem>> -> memref<64xi32, #tpu.memory_space<vmem>>
    %dma_wait3A_124 = arith.constant 0 : i32
    %dma_wait3A_125 = arith.constant 0 : i32
    %dma_wait3A_126 = tpu.memref_slice %arg2[%dma_wait3A_124, %dma_wait3A_125] : memref<30522x768xf32, #tpu.memory_space<hbm>> -> memref<30522x768xf32, #tpu.memory_space<hbm>>
    tpu.wait_indirect_dma semaphore(%arg7 : memref<!tpu.dma_semaphore, #tpu.memory_space<semaphore_mem>>) src(%dma_wait3A_126 : memref<30522x768xf32, #tpu.memory_space<hbm>>) dst(%dma_wait3A_121 : memref<64x768xf32, #tpu.memory_space<vmem>>)
    %add3A_127 = arith.constant 128 : i32
    %add3A_128 = arith.addi %mul3A_2, %add3A_127 : i32
    %dma_start3A_129 = arith.constant 0 : i32
    %dma_start3A_130 = arith.constant 0 : i32
    %dma_start3A_131 = arith.constant 0 : i32
    %dma_start3A_132 = tpu.memref_slice %arg6[%dma_start3A_129, %dma_start3A_130, %dma_start3A_131] : memref<2x64x768xf32, #tpu.memory_space<vmem>> -> memref<1x64x768xf32, #tpu.memory_space<vmem>>
    %dma_start3A_133 = tpu.memref_squeeze %dma_start3A_132 : memref<1x64x768xf32, #tpu.memory_space<vmem>> -> memref<64x768xf32, #tpu.memory_space<vmem>>
    %dma_start3A_134 = arith.constant 0 : i32
    %dma_start3A_135 = tpu.memref_slice %arg4[%add3A_128, %dma_start3A_134] : memref<8192x768xf32, #tpu.memory_space<hbm>> -> memref<64x768xf32, #tpu.memory_space<hbm>>
    %dma_start3A_136 = arith.constant 0 : i32
    %dma_start3A_137 = tpu.memref_slice %arg4[%add3A_128, %dma_start3A_136] : memref<8192x768xf32, #tpu.memory_space<hbm>> -> memref<64x768xf32, #tpu.memory_space<hbm>>
    %dma_start3A_138 = arith.constant 0 : i32
    %dma_start3A_139 = arith.constant 0 : i32
    %dma_start3A_140 = tpu.memref_slice %arg6[%dma_start3A_129, %dma_start3A_138, %dma_start3A_139] : memref<2x64x768xf32, #tpu.memory_space<vmem>> -> memref<1x64x768xf32, #tpu.memory_space<vmem>>
    %dma_start3A_141 = tpu.memref_squeeze %dma_start3A_140 : memref<1x64x768xf32, #tpu.memory_space<vmem>> -> memref<64x768xf32, #tpu.memory_space<vmem>>
    tpu.enqueue_dma source(%dma_start3A_141 : memref<64x768xf32, #tpu.memory_space<vmem>>) target(%dma_start3A_137 : memref<64x768xf32, #tpu.memory_space<hbm>>) target_semaphore(%arg9 : memref<!tpu.dma_semaphore, #tpu.memory_space<semaphore_mem>>)
    %dma_wait3A_142 = arith.constant 1 : i32
    %dma_wait3A_143 = arith.constant 0 : i32
    %dma_wait3A_144 = arith.constant 0 : i32
    %dma_wait3A_145 = tpu.memref_slice %arg6[%dma_wait3A_142, %dma_wait3A_143, %dma_wait3A_144] : memref<2x64x768xf32, #tpu.memory_space<vmem>> -> memref<1x64x768xf32, #tpu.memory_space<vmem>>
    %dma_wait3A_146 = tpu.memref_squeeze %dma_wait3A_145 : memref<1x64x768xf32, #tpu.memory_space<vmem>> -> memref<64x768xf32, #tpu.memory_space<vmem>>
    %dma_wait3A_147 = arith.constant 192 : i32
    %dma_wait3A_148 = tpu.memref_slice %arg5[%dma_wait3A_147] : memref<256xi32, #tpu.memory_space<vmem>> -> memref<64xi32, #tpu.memory_space<vmem>>
    %dma_wait3A_149 = arith.constant 0 : i32
    %dma_wait3A_150 = arith.constant 0 : i32
    %dma_wait3A_151 = tpu.memref_slice %arg2[%dma_wait3A_149, %dma_wait3A_150] : memref<30522x768xf32, #tpu.memory_space<hbm>> -> memref<30522x768xf32, #tpu.memory_space<hbm>>
    tpu.wait_indirect_dma semaphore(%arg8 : memref<!tpu.dma_semaphore, #tpu.memory_space<semaphore_mem>>) src(%dma_wait3A_151 : memref<30522x768xf32, #tpu.memory_space<hbm>>) dst(%dma_wait3A_146 : memref<64x768xf32, #tpu.memory_space<vmem>>)
    %add3A_152 = arith.constant 192 : i32
    %add3A_153 = arith.addi %mul3A_2, %add3A_152 : i32
    %dma_start3A_154 = arith.constant 1 : i32
    %dma_start3A_155 = arith.constant 0 : i32
    %dma_start3A_156 = arith.constant 0 : i32
    %dma_start3A_157 = tpu.memref_slice %arg6[%dma_start3A_154, %dma_start3A_155, %dma_start3A_156] : memref<2x64x768xf32, #tpu.memory_space<vmem>> -> memref<1x64x768xf32, #tpu.memory_space<vmem>>
    %dma_start3A_158 = tpu.memref_squeeze %dma_start3A_157 : memref<1x64x768xf32, #tpu.memory_space<vmem>> -> memref<64x768xf32, #tpu.memory_space<vmem>>
    %dma_start3A_159 = arith.constant 0 : i32
    %dma_start3A_160 = tpu.memref_slice %arg4[%add3A_153, %dma_start3A_159] : memref<8192x768xf32, #tpu.memory_space<hbm>> -> memref<64x768xf32, #tpu.memory_space<hbm>>
    %dma_start3A_161 = arith.constant 0 : i32
    %dma_start3A_162 = tpu.memref_slice %arg4[%add3A_153, %dma_start3A_161] : memref<8192x768xf32, #tpu.memory_space<hbm>> -> memref<64x768xf32, #tpu.memory_space<hbm>>
    %dma_start3A_163 = arith.constant 0 : i32
    %dma_start3A_164 = arith.constant 0 : i32
    %dma_start3A_165 = tpu.memref_slice %arg6[%dma_start3A_154, %dma_start3A_163, %dma_start3A_164] : memref<2x64x768xf32, #tpu.memory_space<vmem>> -> memref<1x64x768xf32, #tpu.memory_space<vmem>>
    %dma_start3A_166 = tpu.memref_squeeze %dma_start3A_165 : memref<1x64x768xf32, #tpu.memory_space<vmem>> -> memref<64x768xf32, #tpu.memory_space<vmem>>
    tpu.enqueue_dma source(%dma_start3A_166 : memref<64x768xf32, #tpu.memory_space<vmem>>) target(%dma_start3A_162 : memref<64x768xf32, #tpu.memory_space<hbm>>) target_semaphore(%arg10 : memref<!tpu.dma_semaphore, #tpu.memory_space<semaphore_mem>>)
    %dma_wait3A_167 = arith.constant 0 : i32
    %dma_wait3A_168 = arith.constant 0 : i32
    %dma_wait3A_169 = arith.constant 0 : i32
    %dma_wait3A_170 = tpu.memref_slice %arg6[%dma_wait3A_167, %dma_wait3A_168, %dma_wait3A_169] : memref<2x64x768xf32, #tpu.memory_space<vmem>> -> memref<1x64x768xf32, #tpu.memory_space<vmem>>
    %dma_wait3A_171 = tpu.memref_squeeze %dma_wait3A_170 : memref<1x64x768xf32, #tpu.memory_space<vmem>> -> memref<64x768xf32, #tpu.memory_space<vmem>>
    %dma_wait3A_172 = arith.constant 0 : i32
    %dma_wait3A_173 = tpu.memref_slice %arg4[%add3A_128, %dma_wait3A_172] : memref<8192x768xf32, #tpu.memory_space<hbm>> -> memref<64x768xf32, #tpu.memory_space<hbm>>
    %dma_wait3A_174 = arith.constant 0 : i32
    %dma_wait3A_175 = tpu.memref_slice %arg4[%add3A_128, %dma_wait3A_174] : memref<8192x768xf32, #tpu.memory_space<hbm>> -> memref<64x768xf32, #tpu.memory_space<hbm>>
    %dma_wait3A_176 = arith.constant 0 : i32
    %dma_wait3A_177 = arith.constant 0 : i32
    %dma_wait3A_178 = tpu.memref_slice %arg6[%dma_wait3A_167, %dma_wait3A_176, %dma_wait3A_177] : memref<2x64x768xf32, #tpu.memory_space<vmem>> -> memref<1x64x768xf32, #tpu.memory_space<vmem>>
    %dma_wait3A_179 = tpu.memref_squeeze %dma_wait3A_178 : memref<1x64x768xf32, #tpu.memory_space<vmem>> -> memref<64x768xf32, #tpu.memory_space<vmem>>
    tpu.wait_dma2 semaphore(%arg9 : memref<!tpu.dma_semaphore, #tpu.memory_space<semaphore_mem>>) src(%dma_wait3A_179 : memref<64x768xf32, #tpu.memory_space<vmem>>) dst(%dma_wait3A_175 : memref<64x768xf32, #tpu.memory_space<hbm>>)
    %dma_wait3A_180 = arith.constant 1 : i32
    %dma_wait3A_181 = arith.constant 0 : i32
    %dma_wait3A_182 = arith.constant 0 : i32
    %dma_wait3A_183 = tpu.memref_slice %arg6[%dma_wait3A_180, %dma_wait3A_181, %dma_wait3A_182] : memref<2x64x768xf32, #tpu.memory_space<vmem>> -> memref<1x64x768xf32, #tpu.memory_space<vmem>>
    %dma_wait3A_184 = tpu.memref_squeeze %dma_wait3A_183 : memref<1x64x768xf32, #tpu.memory_space<vmem>> -> memref<64x768xf32, #tpu.memory_space<vmem>>
    %dma_wait3A_185 = arith.constant 0 : i32
    %dma_wait3A_186 = tpu.memref_slice %arg4[%add3A_153, %dma_wait3A_185] : memref<8192x768xf32, #tpu.memory_space<hbm>> -> memref<64x768xf32, #tpu.memory_space<hbm>>
    %dma_wait3A_187 = arith.constant 0 : i32
    %dma_wait3A_188 = tpu.memref_slice %arg4[%add3A_153, %dma_wait3A_187] : memref<8192x768xf32, #tpu.memory_space<hbm>> -> memref<64x768xf32, #tpu.memory_space<hbm>>
    %dma_wait3A_189 = arith.constant 0 : i32
    %dma_wait3A_190 = arith.constant 0 : i32
    %dma_wait3A_191 = tpu.memref_slice %arg6[%dma_wait3A_180, %dma_wait3A_189, %dma_wait3A_190] : memref<2x64x768xf32, #tpu.memory_space<vmem>> -> memref<1x64x768xf32, #tpu.memory_space<vmem>>
    %dma_wait3A_192 = tpu.memref_squeeze %dma_wait3A_191 : memref<1x64x768xf32, #tpu.memory_space<vmem>> -> memref<64x768xf32, #tpu.memory_space<vmem>>
    tpu.wait_dma2 semaphore(%arg10 : memref<!tpu.dma_semaphore, #tpu.memory_space<semaphore_mem>>) src(%dma_wait3A_192 : memref<64x768xf32, #tpu.memory_space<vmem>>) dst(%dma_wait3A_188 : memref<64x768xf32, #tpu.memory_space<hbm>>)
    return
  }
}

#map = affine_map<(d0, d1) -> (0, 0)>
#map1 = affine_map<(d0, d1) -> (0)>
module attributes {stable_mosaic.version = 14 : i64} {
  func.func @k(%arg0: i32, %arg1: i32, %arg2: memref<30522x768xf32, #tpu.memory_space<hbm>>, %arg3: memref<8192xi32, #tpu.memory_space<hbm>>, %arg4: memref<8192x768xf32, #tpu.memory_space<hbm>>, %arg5: memref<256xi32, #tpu.memory_space<vmem>>, %arg6: memref<2x64x768xf32, #tpu.memory_space<vmem>>, %arg7: memref<!tpu.dma_semaphore, #tpu.memory_space<semaphore_mem>>, %arg8: memref<!tpu.dma_semaphore, #tpu.memory_space<semaphore_mem>>, %arg9: memref<!tpu.dma_semaphore, #tpu.memory_space<semaphore_mem>>, %arg10: memref<!tpu.dma_semaphore, #tpu.memory_space<semaphore_mem>>) attributes {dimension_semantics = [#tpu.dimension_semantics<core_parallel>, #tpu.dimension_semantics<subcore_parallel>], iteration_bounds = array<i64: 2, 16>, scalar_prefetch = 0 : i64, scratch_operands = 6 : i64, tpu.core_type = #tpu.core_type<sc_vector_subcore>, window_params = [{transform_indices = #map}, {transform_indices = #map1}, {transform_indices = #map}]} {
    %mul3A = arith.constant 2 : i32
    %mul3A_0 = arith.muli %arg1, %mul3A : i32
    %add3A = arith.addi %mul3A_0, %arg0 : i32
    %mul3A_1 = arith.constant 256 : i32
    %mul3A_2 = arith.muli %add3A, %mul3A_1 : i32
    "tpu.region"() ({
      %run_scoped3A = tpu.sem_alloc : memref<!tpu.dma_semaphore, #tpu.memory_space<semaphore_mem>>
      %dma_start3A_193 = tpu.memref_slice %arg3[%mul3A_2] : memref<8192xi32, #tpu.memory_space<hbm>> -> memref<256xi32, #tpu.memory_space<hbm>>
      %dma_start3A_194 = tpu.memref_slice %arg3[%mul3A_2] : memref<8192xi32, #tpu.memory_space<hbm>> -> memref<256xi32, #tpu.memory_space<hbm>>
      tpu.enqueue_dma source(%dma_start3A_194 : memref<256xi32, #tpu.memory_space<hbm>>) target(%arg5 : memref<256xi32, #tpu.memory_space<vmem>>) target_semaphore(%run_scoped3A : memref<!tpu.dma_semaphore, #tpu.memory_space<semaphore_mem>>)
      %dma_wait3A_195 = tpu.memref_slice %arg3[%mul3A_2] : memref<8192xi32, #tpu.memory_space<hbm>> -> memref<256xi32, #tpu.memory_space<hbm>>
      %dma_wait3A_196 = tpu.memref_slice %arg3[%mul3A_2] : memref<8192xi32, #tpu.memory_space<hbm>> -> memref<256xi32, #tpu.memory_space<hbm>>
      tpu.wait_dma2 semaphore(%run_scoped3A : memref<!tpu.dma_semaphore, #tpu.memory_space<semaphore_mem>>) src(%dma_wait3A_196 : memref<256xi32, #tpu.memory_space<hbm>>) dst(%arg5 : memref<256xi32, #tpu.memory_space<vmem>>)
      tpu.yield
    }) : () -> ()
    %dma_start3A = arith.constant 0 : i32
    %dma_start3A_3 = arith.constant 0 : i32
    %dma_start3A_4 = arith.constant 0 : i32
    %dma_start3A_5 = tpu.memref_slice %arg6[%dma_start3A, %dma_start3A_3, %dma_start3A_4] : memref<2x64x768xf32, #tpu.memory_space<vmem>> -> memref<1x64x768xf32, #tpu.memory_space<vmem>>
    %dma_start3A_6 = tpu.memref_squeeze %dma_start3A_5 : memref<1x64x768xf32, #tpu.memory_space<vmem>> -> memref<64x768xf32, #tpu.memory_space<vmem>>
    %dma_start3A_7 = arith.constant 0 : i32
    %dma_start3A_8 = tpu.memref_slice %arg5[%dma_start3A_7] : memref<256xi32, #tpu.memory_space<vmem>> -> memref<64xi32, #tpu.memory_space<vmem>>
    %dma_start3A_9 = arith.constant 0 : i32
    %dma_start3A_10 = arith.constant 0 : i32
    %dma_start3A_11 = tpu.memref_slice %arg2[%dma_start3A_9, %dma_start3A_10] : memref<30522x768xf32, #tpu.memory_space<hbm>> -> memref<30522x768xf32, #tpu.memory_space<hbm>>
    tpu.enqueue_indirect_dma source(%dma_start3A_11 : memref<30522x768xf32, #tpu.memory_space<hbm>>) target(%dma_start3A_6 : memref<64x768xf32, #tpu.memory_space<vmem>>) offsets(%dma_start3A_8 : memref<64xi32, #tpu.memory_space<vmem>>) semaphore(%arg7 : memref<!tpu.dma_semaphore, #tpu.memory_space<semaphore_mem>>)
    %dma_start3A_12 = arith.constant 1 : i32
    %dma_start3A_13 = arith.constant 0 : i32
    %dma_start3A_14 = arith.constant 0 : i32
    %dma_start3A_15 = tpu.memref_slice %arg6[%dma_start3A_12, %dma_start3A_13, %dma_start3A_14] : memref<2x64x768xf32, #tpu.memory_space<vmem>> -> memref<1x64x768xf32, #tpu.memory_space<vmem>>
    %dma_start3A_16 = tpu.memref_squeeze %dma_start3A_15 : memref<1x64x768xf32, #tpu.memory_space<vmem>> -> memref<64x768xf32, #tpu.memory_space<vmem>>
    %dma_start3A_17 = arith.constant 64 : i32
    %dma_start3A_18 = tpu.memref_slice %arg5[%dma_start3A_17] : memref<256xi32, #tpu.memory_space<vmem>> -> memref<64xi32, #tpu.memory_space<vmem>>
    %dma_start3A_19 = arith.constant 0 : i32
    %dma_start3A_20 = arith.constant 0 : i32
    %dma_start3A_21 = tpu.memref_slice %arg2[%dma_start3A_19, %dma_start3A_20] : memref<30522x768xf32, #tpu.memory_space<hbm>> -> memref<30522x768xf32, #tpu.memory_space<hbm>>
    tpu.enqueue_indirect_dma source(%dma_start3A_21 : memref<30522x768xf32, #tpu.memory_space<hbm>>) target(%dma_start3A_16 : memref<64x768xf32, #tpu.memory_space<vmem>>) offsets(%dma_start3A_18 : memref<64xi32, #tpu.memory_space<vmem>>) semaphore(%arg8 : memref<!tpu.dma_semaphore, #tpu.memory_space<semaphore_mem>>)
    %dma_wait3A = arith.constant 0 : i32
    %dma_wait3A_22 = arith.constant 0 : i32
    %dma_wait3A_23 = arith.constant 0 : i32
    %dma_wait3A_24 = tpu.memref_slice %arg6[%dma_wait3A, %dma_wait3A_22, %dma_wait3A_23] : memref<2x64x768xf32, #tpu.memory_space<vmem>> -> memref<1x64x768xf32, #tpu.memory_space<vmem>>
    %dma_wait3A_25 = tpu.memref_squeeze %dma_wait3A_24 : memref<1x64x768xf32, #tpu.memory_space<vmem>> -> memref<64x768xf32, #tpu.memory_space<vmem>>
    %dma_wait3A_26 = arith.constant 0 : i32
    %dma_wait3A_27 = tpu.memref_slice %arg5[%dma_wait3A_26] : memref<256xi32, #tpu.memory_space<vmem>> -> memref<64xi32, #tpu.memory_space<vmem>>
    %dma_wait3A_28 = arith.constant 0 : i32
    %dma_wait3A_29 = arith.constant 0 : i32
    %dma_wait3A_30 = tpu.memref_slice %arg2[%dma_wait3A_28, %dma_wait3A_29] : memref<30522x768xf32, #tpu.memory_space<hbm>> -> memref<30522x768xf32, #tpu.memory_space<hbm>>
    tpu.wait_indirect_dma semaphore(%arg7 : memref<!tpu.dma_semaphore, #tpu.memory_space<semaphore_mem>>) src(%dma_wait3A_30 : memref<30522x768xf32, #tpu.memory_space<hbm>>) dst(%dma_wait3A_25 : memref<64x768xf32, #tpu.memory_space<vmem>>)
    %add3A_31 = arith.constant 0 : i32
    %add3A_32 = arith.addi %mul3A_2, %add3A_31 : i32
    %dma_start3A_33 = arith.constant 0 : i32
    %dma_start3A_34 = arith.constant 0 : i32
    %dma_start3A_35 = arith.constant 0 : i32
    %dma_start3A_36 = tpu.memref_slice %arg6[%dma_start3A_33, %dma_start3A_34, %dma_start3A_35] : memref<2x64x768xf32, #tpu.memory_space<vmem>> -> memref<1x64x768xf32, #tpu.memory_space<vmem>>
    %dma_start3A_37 = tpu.memref_squeeze %dma_start3A_36 : memref<1x64x768xf32, #tpu.memory_space<vmem>> -> memref<64x768xf32, #tpu.memory_space<vmem>>
    %dma_start3A_38 = arith.constant 0 : i32
    %dma_start3A_39 = tpu.memref_slice %arg4[%add3A_32, %dma_start3A_38] : memref<8192x768xf32, #tpu.memory_space<hbm>> -> memref<64x768xf32, #tpu.memory_space<hbm>>
    %dma_start3A_40 = arith.constant 0 : i32
    %dma_start3A_41 = tpu.memref_slice %arg4[%add3A_32, %dma_start3A_40] : memref<8192x768xf32, #tpu.memory_space<hbm>> -> memref<64x768xf32, #tpu.memory_space<hbm>>
    %dma_start3A_42 = arith.constant 0 : i32
    %dma_start3A_43 = arith.constant 0 : i32
    %dma_start3A_44 = tpu.memref_slice %arg6[%dma_start3A_33, %dma_start3A_42, %dma_start3A_43] : memref<2x64x768xf32, #tpu.memory_space<vmem>> -> memref<1x64x768xf32, #tpu.memory_space<vmem>>
    %dma_start3A_45 = tpu.memref_squeeze %dma_start3A_44 : memref<1x64x768xf32, #tpu.memory_space<vmem>> -> memref<64x768xf32, #tpu.memory_space<vmem>>
    tpu.enqueue_dma source(%dma_start3A_45 : memref<64x768xf32, #tpu.memory_space<vmem>>) target(%dma_start3A_41 : memref<64x768xf32, #tpu.memory_space<hbm>>) target_semaphore(%arg9 : memref<!tpu.dma_semaphore, #tpu.memory_space<semaphore_mem>>)
    %dma_wait3A_46 = arith.constant 0 : i32
    %dma_wait3A_47 = arith.constant 0 : i32
    %dma_wait3A_48 = arith.constant 0 : i32
    %dma_wait3A_49 = tpu.memref_slice %arg6[%dma_wait3A_46, %dma_wait3A_47, %dma_wait3A_48] : memref<2x64x768xf32, #tpu.memory_space<vmem>> -> memref<1x64x768xf32, #tpu.memory_space<vmem>>
    %dma_wait3A_50 = tpu.memref_squeeze %dma_wait3A_49 : memref<1x64x768xf32, #tpu.memory_space<vmem>> -> memref<64x768xf32, #tpu.memory_space<vmem>>
    %dma_wait3A_51 = arith.constant 0 : i32
    %dma_wait3A_52 = tpu.memref_slice %arg4[%add3A_32, %dma_wait3A_51] : memref<8192x768xf32, #tpu.memory_space<hbm>> -> memref<64x768xf32, #tpu.memory_space<hbm>>
    %dma_wait3A_53 = arith.constant 0 : i32
    %dma_wait3A_54 = tpu.memref_slice %arg4[%add3A_32, %dma_wait3A_53] : memref<8192x768xf32, #tpu.memory_space<hbm>> -> memref<64x768xf32, #tpu.memory_space<hbm>>
    %dma_wait3A_55 = arith.constant 0 : i32
    %dma_wait3A_56 = arith.constant 0 : i32
    %dma_wait3A_57 = tpu.memref_slice %arg6[%dma_wait3A_46, %dma_wait3A_55, %dma_wait3A_56] : memref<2x64x768xf32, #tpu.memory_space<vmem>> -> memref<1x64x768xf32, #tpu.memory_space<vmem>>
    %dma_wait3A_58 = tpu.memref_squeeze %dma_wait3A_57 : memref<1x64x768xf32, #tpu.memory_space<vmem>> -> memref<64x768xf32, #tpu.memory_space<vmem>>
    tpu.wait_dma2 semaphore(%arg9 : memref<!tpu.dma_semaphore, #tpu.memory_space<semaphore_mem>>) src(%dma_wait3A_58 : memref<64x768xf32, #tpu.memory_space<vmem>>) dst(%dma_wait3A_54 : memref<64x768xf32, #tpu.memory_space<hbm>>)
    %dma_start3A_59 = arith.constant 0 : i32
    %dma_start3A_60 = arith.constant 0 : i32
    %dma_start3A_61 = arith.constant 0 : i32
    %dma_start3A_62 = tpu.memref_slice %arg6[%dma_start3A_59, %dma_start3A_60, %dma_start3A_61] : memref<2x64x768xf32, #tpu.memory_space<vmem>> -> memref<1x64x768xf32, #tpu.memory_space<vmem>>
    %dma_start3A_63 = tpu.memref_squeeze %dma_start3A_62 : memref<1x64x768xf32, #tpu.memory_space<vmem>> -> memref<64x768xf32, #tpu.memory_space<vmem>>
    %dma_start3A_64 = arith.constant 128 : i32
    %dma_start3A_65 = tpu.memref_slice %arg5[%dma_start3A_64] : memref<256xi32, #tpu.memory_space<vmem>> -> memref<64xi32, #tpu.memory_space<vmem>>
    %dma_start3A_66 = arith.constant 0 : i32
    %dma_start3A_67 = arith.constant 0 : i32
    %dma_start3A_68 = tpu.memref_slice %arg2[%dma_start3A_66, %dma_start3A_67] : memref<30522x768xf32, #tpu.memory_space<hbm>> -> memref<30522x768xf32, #tpu.memory_space<hbm>>
    tpu.enqueue_indirect_dma source(%dma_start3A_68 : memref<30522x768xf32, #tpu.memory_space<hbm>>) target(%dma_start3A_63 : memref<64x768xf32, #tpu.memory_space<vmem>>) offsets(%dma_start3A_65 : memref<64xi32, #tpu.memory_space<vmem>>) semaphore(%arg7 : memref<!tpu.dma_semaphore, #tpu.memory_space<semaphore_mem>>)
    %dma_wait3A_69 = arith.constant 1 : i32
    %dma_wait3A_70 = arith.constant 0 : i32
    %dma_wait3A_71 = arith.constant 0 : i32
    %dma_wait3A_72 = tpu.memref_slice %arg6[%dma_wait3A_69, %dma_wait3A_70, %dma_wait3A_71] : memref<2x64x768xf32, #tpu.memory_space<vmem>> -> memref<1x64x768xf32, #tpu.memory_space<vmem>>
    %dma_wait3A_73 = tpu.memref_squeeze %dma_wait3A_72 : memref<1x64x768xf32, #tpu.memory_space<vmem>> -> memref<64x768xf32, #tpu.memory_space<vmem>>
    %dma_wait3A_74 = arith.constant 64 : i32
    %dma_wait3A_75 = tpu.memref_slice %arg5[%dma_wait3A_74] : memref<256xi32, #tpu.memory_space<vmem>> -> memref<64xi32, #tpu.memory_space<vmem>>
    %dma_wait3A_76 = arith.constant 0 : i32
    %dma_wait3A_77 = arith.constant 0 : i32
    %dma_wait3A_78 = tpu.memref_slice %arg2[%dma_wait3A_76, %dma_wait3A_77] : memref<30522x768xf32, #tpu.memory_space<hbm>> -> memref<30522x768xf32, #tpu.memory_space<hbm>>
    tpu.wait_indirect_dma semaphore(%arg8 : memref<!tpu.dma_semaphore, #tpu.memory_space<semaphore_mem>>) src(%dma_wait3A_78 : memref<30522x768xf32, #tpu.memory_space<hbm>>) dst(%dma_wait3A_73 : memref<64x768xf32, #tpu.memory_space<vmem>>)
    %add3A_79 = arith.constant 64 : i32
    %add3A_80 = arith.addi %mul3A_2, %add3A_79 : i32
    %dma_start3A_81 = arith.constant 1 : i32
    %dma_start3A_82 = arith.constant 0 : i32
    %dma_start3A_83 = arith.constant 0 : i32
    %dma_start3A_84 = tpu.memref_slice %arg6[%dma_start3A_81, %dma_start3A_82, %dma_start3A_83] : memref<2x64x768xf32, #tpu.memory_space<vmem>> -> memref<1x64x768xf32, #tpu.memory_space<vmem>>
    %dma_start3A_85 = tpu.memref_squeeze %dma_start3A_84 : memref<1x64x768xf32, #tpu.memory_space<vmem>> -> memref<64x768xf32, #tpu.memory_space<vmem>>
    %dma_start3A_86 = arith.constant 0 : i32
    %dma_start3A_87 = tpu.memref_slice %arg4[%add3A_80, %dma_start3A_86] : memref<8192x768xf32, #tpu.memory_space<hbm>> -> memref<64x768xf32, #tpu.memory_space<hbm>>
    %dma_start3A_88 = arith.constant 0 : i32
    %dma_start3A_89 = tpu.memref_slice %arg4[%add3A_80, %dma_start3A_88] : memref<8192x768xf32, #tpu.memory_space<hbm>> -> memref<64x768xf32, #tpu.memory_space<hbm>>
    %dma_start3A_90 = arith.constant 0 : i32
    %dma_start3A_91 = arith.constant 0 : i32
    %dma_start3A_92 = tpu.memref_slice %arg6[%dma_start3A_81, %dma_start3A_90, %dma_start3A_91] : memref<2x64x768xf32, #tpu.memory_space<vmem>> -> memref<1x64x768xf32, #tpu.memory_space<vmem>>
    %dma_start3A_93 = tpu.memref_squeeze %dma_start3A_92 : memref<1x64x768xf32, #tpu.memory_space<vmem>> -> memref<64x768xf32, #tpu.memory_space<vmem>>
    tpu.enqueue_dma source(%dma_start3A_93 : memref<64x768xf32, #tpu.memory_space<vmem>>) target(%dma_start3A_89 : memref<64x768xf32, #tpu.memory_space<hbm>>) target_semaphore(%arg10 : memref<!tpu.dma_semaphore, #tpu.memory_space<semaphore_mem>>)
    %dma_wait3A_94 = arith.constant 1 : i32
    %dma_wait3A_95 = arith.constant 0 : i32
    %dma_wait3A_96 = arith.constant 0 : i32
    %dma_wait3A_97 = tpu.memref_slice %arg6[%dma_wait3A_94, %dma_wait3A_95, %dma_wait3A_96] : memref<2x64x768xf32, #tpu.memory_space<vmem>> -> memref<1x64x768xf32, #tpu.memory_space<vmem>>
    %dma_wait3A_98 = tpu.memref_squeeze %dma_wait3A_97 : memref<1x64x768xf32, #tpu.memory_space<vmem>> -> memref<64x768xf32, #tpu.memory_space<vmem>>
    %dma_wait3A_99 = arith.constant 0 : i32
    %dma_wait3A_100 = tpu.memref_slice %arg4[%add3A_80, %dma_wait3A_99] : memref<8192x768xf32, #tpu.memory_space<hbm>> -> memref<64x768xf32, #tpu.memory_space<hbm>>
    %dma_wait3A_101 = arith.constant 0 : i32
    %dma_wait3A_102 = tpu.memref_slice %arg4[%add3A_80, %dma_wait3A_101] : memref<8192x768xf32, #tpu.memory_space<hbm>> -> memref<64x768xf32, #tpu.memory_space<hbm>>
    %dma_wait3A_103 = arith.constant 0 : i32
    %dma_wait3A_104 = arith.constant 0 : i32
    %dma_wait3A_105 = tpu.memref_slice %arg6[%dma_wait3A_94, %dma_wait3A_103, %dma_wait3A_104] : memref<2x64x768xf32, #tpu.memory_space<vmem>> -> memref<1x64x768xf32, #tpu.memory_space<vmem>>
    %dma_wait3A_106 = tpu.memref_squeeze %dma_wait3A_105 : memref<1x64x768xf32, #tpu.memory_space<vmem>> -> memref<64x768xf32, #tpu.memory_space<vmem>>
    tpu.wait_dma2 semaphore(%arg10 : memref<!tpu.dma_semaphore, #tpu.memory_space<semaphore_mem>>) src(%dma_wait3A_106 : memref<64x768xf32, #tpu.memory_space<vmem>>) dst(%dma_wait3A_102 : memref<64x768xf32, #tpu.memory_space<hbm>>)
    %dma_start3A_107 = arith.constant 1 : i32
    %dma_start3A_108 = arith.constant 0 : i32
    %dma_start3A_109 = arith.constant 0 : i32
    %dma_start3A_110 = tpu.memref_slice %arg6[%dma_start3A_107, %dma_start3A_108, %dma_start3A_109] : memref<2x64x768xf32, #tpu.memory_space<vmem>> -> memref<1x64x768xf32, #tpu.memory_space<vmem>>
    %dma_start3A_111 = tpu.memref_squeeze %dma_start3A_110 : memref<1x64x768xf32, #tpu.memory_space<vmem>> -> memref<64x768xf32, #tpu.memory_space<vmem>>
    %dma_start3A_112 = arith.constant 192 : i32
    %dma_start3A_113 = tpu.memref_slice %arg5[%dma_start3A_112] : memref<256xi32, #tpu.memory_space<vmem>> -> memref<64xi32, #tpu.memory_space<vmem>>
    %dma_start3A_114 = arith.constant 0 : i32
    %dma_start3A_115 = arith.constant 0 : i32
    %dma_start3A_116 = tpu.memref_slice %arg2[%dma_start3A_114, %dma_start3A_115] : memref<30522x768xf32, #tpu.memory_space<hbm>> -> memref<30522x768xf32, #tpu.memory_space<hbm>>
    tpu.enqueue_indirect_dma source(%dma_start3A_116 : memref<30522x768xf32, #tpu.memory_space<hbm>>) target(%dma_start3A_111 : memref<64x768xf32, #tpu.memory_space<vmem>>) offsets(%dma_start3A_113 : memref<64xi32, #tpu.memory_space<vmem>>) semaphore(%arg8 : memref<!tpu.dma_semaphore, #tpu.memory_space<semaphore_mem>>)
    %dma_wait3A_117 = arith.constant 0 : i32
    %dma_wait3A_118 = arith.constant 0 : i32
    %dma_wait3A_119 = arith.constant 0 : i32
    %dma_wait3A_120 = tpu.memref_slice %arg6[%dma_wait3A_117, %dma_wait3A_118, %dma_wait3A_119] : memref<2x64x768xf32, #tpu.memory_space<vmem>> -> memref<1x64x768xf32, #tpu.memory_space<vmem>>
    %dma_wait3A_121 = tpu.memref_squeeze %dma_wait3A_120 : memref<1x64x768xf32, #tpu.memory_space<vmem>> -> memref<64x768xf32, #tpu.memory_space<vmem>>
    %dma_wait3A_122 = arith.constant 128 : i32
    %dma_wait3A_123 = tpu.memref_slice %arg5[%dma_wait3A_122] : memref<256xi32, #tpu.memory_space<vmem>> -> memref<64xi32, #tpu.memory_space<vmem>>
    %dma_wait3A_124 = arith.constant 0 : i32
    %dma_wait3A_125 = arith.constant 0 : i32
    %dma_wait3A_126 = tpu.memref_slice %arg2[%dma_wait3A_124, %dma_wait3A_125] : memref<30522x768xf32, #tpu.memory_space<hbm>> -> memref<30522x768xf32, #tpu.memory_space<hbm>>
    tpu.wait_indirect_dma semaphore(%arg7 : memref<!tpu.dma_semaphore, #tpu.memory_space<semaphore_mem>>) src(%dma_wait3A_126 : memref<30522x768xf32, #tpu.memory_space<hbm>>) dst(%dma_wait3A_121 : memref<64x768xf32, #tpu.memory_space<vmem>>)
    %add3A_127 = arith.constant 128 : i32
    %add3A_128 = arith.addi %mul3A_2, %add3A_127 : i32
    %dma_start3A_129 = arith.constant 0 : i32
    %dma_start3A_130 = arith.constant 0 : i32
    %dma_start3A_131 = arith.constant 0 : i32
    %dma_start3A_132 = tpu.memref_slice %arg6[%dma_start3A_129, %dma_start3A_130, %dma_start3A_131] : memref<2x64x768xf32, #tpu.memory_space<vmem>> -> memref<1x64x768xf32, #tpu.memory_space<vmem>>
    %dma_start3A_133 = tpu.memref_squeeze %dma_start3A_132 : memref<1x64x768xf32, #tpu.memory_space<vmem>> -> memref<64x768xf32, #tpu.memory_space<vmem>>
    %dma_start3A_134 = arith.constant 0 : i32
    %dma_start3A_135 = tpu.memref_slice %arg4[%add3A_128, %dma_start3A_134] : memref<8192x768xf32, #tpu.memory_space<hbm>> -> memref<64x768xf32, #tpu.memory_space<hbm>>
    %dma_start3A_136 = arith.constant 0 : i32
    %dma_start3A_137 = tpu.memref_slice %arg4[%add3A_128, %dma_start3A_136] : memref<8192x768xf32, #tpu.memory_space<hbm>> -> memref<64x768xf32, #tpu.memory_space<hbm>>
    %dma_start3A_138 = arith.constant 0 : i32
    %dma_start3A_139 = arith.constant 0 : i32
    %dma_start3A_140 = tpu.memref_slice %arg6[%dma_start3A_129, %dma_start3A_138, %dma_start3A_139] : memref<2x64x768xf32, #tpu.memory_space<vmem>> -> memref<1x64x768xf32, #tpu.memory_space<vmem>>
    %dma_start3A_141 = tpu.memref_squeeze %dma_start3A_140 : memref<1x64x768xf32, #tpu.memory_space<vmem>> -> memref<64x768xf32, #tpu.memory_space<vmem>>
    tpu.enqueue_dma source(%dma_start3A_141 : memref<64x768xf32, #tpu.memory_space<vmem>>) target(%dma_start3A_137 : memref<64x768xf32, #tpu.memory_space<hbm>>) target_semaphore(%arg9 : memref<!tpu.dma_semaphore, #tpu.memory_space<semaphore_mem>>)
    %dma_wait3A_142 = arith.constant 1 : i32
    %dma_wait3A_143 = arith.constant 0 : i32
    %dma_wait3A_144 = arith.constant 0 : i32
    %dma_wait3A_145 = tpu.memref_slice %arg6[%dma_wait3A_142, %dma_wait3A_143, %dma_wait3A_144] : memref<2x64x768xf32, #tpu.memory_space<vmem>> -> memref<1x64x768xf32, #tpu.memory_space<vmem>>
    %dma_wait3A_146 = tpu.memref_squeeze %dma_wait3A_145 : memref<1x64x768xf32, #tpu.memory_space<vmem>> -> memref<64x768xf32, #tpu.memory_space<vmem>>
    %dma_wait3A_147 = arith.constant 192 : i32
    %dma_wait3A_148 = tpu.memref_slice %arg5[%dma_wait3A_147] : memref<256xi32, #tpu.memory_space<vmem>> -> memref<64xi32, #tpu.memory_space<vmem>>
    %dma_wait3A_149 = arith.constant 0 : i32
    %dma_wait3A_150 = arith.constant 0 : i32
    %dma_wait3A_151 = tpu.memref_slice %arg2[%dma_wait3A_149, %dma_wait3A_150] : memref<30522x768xf32, #tpu.memory_space<hbm>> -> memref<30522x768xf32, #tpu.memory_space<hbm>>
    tpu.wait_indirect_dma semaphore(%arg8 : memref<!tpu.dma_semaphore, #tpu.memory_space<semaphore_mem>>) src(%dma_wait3A_151 : memref<30522x768xf32, #tpu.memory_space<hbm>>) dst(%dma_wait3A_146 : memref<64x768xf32, #tpu.memory_space<vmem>>)
    %add3A_152 = arith.constant 192 : i32
    %add3A_153 = arith.addi %mul3A_2, %add3A_152 : i32
    %dma_start3A_154 = arith.constant 1 : i32
    %dma_start3A_155 = arith.constant 0 : i32
    %dma_start3A_156 = arith.constant 0 : i32
    %dma_start3A_157 = tpu.memref_slice %arg6[%dma_start3A_154, %dma_start3A_155, %dma_start3A_156] : memref<2x64x768xf32, #tpu.memory_space<vmem>> -> memref<1x64x768xf32, #tpu.memory_space<vmem>>
    %dma_start3A_158 = tpu.memref_squeeze %dma_start3A_157 : memref<1x64x768xf32, #tpu.memory_space<vmem>> -> memref<64x768xf32, #tpu.memory_space<vmem>>
    %dma_start3A_159 = arith.constant 0 : i32
    %dma_start3A_160 = tpu.memref_slice %arg4[%add3A_153, %dma_start3A_159] : memref<8192x768xf32, #tpu.memory_space<hbm>> -> memref<64x768xf32, #tpu.memory_space<hbm>>
    %dma_start3A_161 = arith.constant 0 : i32
    %dma_start3A_162 = tpu.memref_slice %arg4[%add3A_153, %dma_start3A_161] : memref<8192x768xf32, #tpu.memory_space<hbm>> -> memref<64x768xf32, #tpu.memory_space<hbm>>
    %dma_start3A_163 = arith.constant 0 : i32
    %dma_start3A_164 = arith.constant 0 : i32
    %dma_start3A_165 = tpu.memref_slice %arg6[%dma_start3A_154, %dma_start3A_163, %dma_start3A_164] : memref<2x64x768xf32, #tpu.memory_space<vmem>> -> memref<1x64x768xf32, #tpu.memory_space<vmem>>
    %dma_start3A_166 = tpu.memref_squeeze %dma_start3A_165 : memref<1x64x768xf32, #tpu.memory_space<vmem>> -> memref<64x768xf32, #tpu.memory_space<vmem>>
    tpu.enqueue_dma source(%dma_start3A_166 : memref<64x768xf32, #tpu.memory_space<vmem>>) target(%dma_start3A_162 : memref<64x768xf32, #tpu.memory_space<hbm>>) target_semaphore(%arg10 : memref<!tpu.dma_semaphore, #tpu.memory_space<semaphore_mem>>)
    %dma_wait3A_167 = arith.constant 0 : i32
    %dma_wait3A_168 = arith.constant 0 : i32
    %dma_wait3A_169 = arith.constant 0 : i32
    %dma_wait3A_170 = tpu.memref_slice %arg6[%dma_wait3A_167, %dma_wait3A_168, %dma_wait3A_169] : memref<2x64x768xf32, #tpu.memory_space<vmem>> -> memref<1x64x768xf32, #tpu.memory_space<vmem>>
    %dma_wait3A_171 = tpu.memref_squeeze %dma_wait3A_170 : memref<1x64x768xf32, #tpu.memory_space<vmem>> -> memref<64x768xf32, #tpu.memory_space<vmem>>
    %dma_wait3A_172 = arith.constant 0 : i32
    %dma_wait3A_173 = tpu.memref_slice %arg4[%add3A_128, %dma_wait3A_172] : memref<8192x768xf32, #tpu.memory_space<hbm>> -> memref<64x768xf32, #tpu.memory_space<hbm>>
    %dma_wait3A_174 = arith.constant 0 : i32
    %dma_wait3A_175 = tpu.memref_slice %arg4[%add3A_128, %dma_wait3A_174] : memref<8192x768xf32, #tpu.memory_space<hbm>> -> memref<64x768xf32, #tpu.memory_space<hbm>>
    %dma_wait3A_176 = arith.constant 0 : i32
    %dma_wait3A_177 = arith.constant 0 : i32
    %dma_wait3A_178 = tpu.memref_slice %arg6[%dma_wait3A_167, %dma_wait3A_176, %dma_wait3A_177] : memref<2x64x768xf32, #tpu.memory_space<vmem>> -> memref<1x64x768xf32, #tpu.memory_space<vmem>>
    %dma_wait3A_179 = tpu.memref_squeeze %dma_wait3A_178 : memref<1x64x768xf32, #tpu.memory_space<vmem>> -> memref<64x768xf32, #tpu.memory_space<vmem>>
    tpu.wait_dma2 semaphore(%arg9 : memref<!tpu.dma_semaphore, #tpu.memory_space<semaphore_mem>>) src(%dma_wait3A_179 : memref<64x768xf32, #tpu.memory_space<vmem>>) dst(%dma_wait3A_175 : memref<64x768xf32, #tpu.memory_space<hbm>>)
    %dma_wait3A_180 = arith.constant 1 : i32
    %dma_wait3A_181 = arith.constant 0 : i32
    %dma_wait3A_182 = arith.constant 0 : i32
    %dma_wait3A_183 = tpu.memref_slice %arg6[%dma_wait3A_180, %dma_wait3A_181, %dma_wait3A_182] : memref<2x64x768xf32, #tpu.memory_space<vmem>> -> memref<1x64x768xf32, #tpu.memory_space<vmem>>
    %dma_wait3A_184 = tpu.memref_squeeze %dma_wait3A_183 : memref<1x64x768xf32, #tpu.memory_space<vmem>> -> memref<64x768xf32, #tpu.memory_space<vmem>>
    %dma_wait3A_185 = arith.constant 0 : i32
    %dma_wait3A_186 = tpu.memref_slice %arg4[%add3A_153, %dma_wait3A_185] : memref<8192x768xf32, #tpu.memory_space<hbm>> -> memref<64x768xf32, #tpu.memory_space<hbm>>
    %dma_wait3A_187 = arith.constant 0 : i32
    %dma_wait3A_188 = tpu.memref_slice %arg4[%add3A_153, %dma_wait3A_187] : memref<8192x768xf32, #tpu.memory_space<hbm>> -> memref<64x768xf32, #tpu.memory_space<hbm>>
    %dma_wait3A_189 = arith.constant 0 : i32
    %dma_wait3A_190 = arith.constant 0 : i32
    %dma_wait3A_191 = tpu.memref_slice %arg6[%dma_wait3A_180, %dma_wait3A_189, %dma_wait3A_190] : memref<2x64x768xf32, #tpu.memory_space<vmem>> -> memref<1x64x768xf32, #tpu.memory_space<vmem>>
    %dma_wait3A_192 = tpu.memref_squeeze %dma_wait3A_191 : memref<1x64x768xf32, #tpu.memory_space<vmem>> -> memref<64x768xf32, #tpu.memory_space<vmem>>
    tpu.wait_dma2 semaphore(%arg10 : memref<!tpu.dma_semaphore, #tpu.memory_space<semaphore_mem>>) src(%dma_wait3A_192 : memref<64x768xf32, #tpu.memory_space<vmem>>) dst(%dma_wait3A_188 : memref<64x768xf32, #tpu.memory_space<hbm>>)
    return
  }
}

#map = affine_map<(d0, d1) -> (0, 0)>
#map1 = affine_map<(d0, d1) -> (0)>
module attributes {stable_mosaic.version = 14 : i64} {
  func.func @k(%arg0: i32, %arg1: i32, %arg2: memref<30522x768xf32, #tpu.memory_space<hbm>>, %arg3: memref<8192xi32, #tpu.memory_space<hbm>>, %arg4: memref<8192x768xf32, #tpu.memory_space<hbm>>, %arg5: memref<256xi32, #tpu.memory_space<vmem>>, %arg6: memref<2x64x768xf32, #tpu.memory_space<vmem>>, %arg7: memref<!tpu.dma_semaphore, #tpu.memory_space<semaphore_mem>>, %arg8: memref<!tpu.dma_semaphore, #tpu.memory_space<semaphore_mem>>, %arg9: memref<!tpu.dma_semaphore, #tpu.memory_space<semaphore_mem>>, %arg10: memref<!tpu.dma_semaphore, #tpu.memory_space<semaphore_mem>>) attributes {dimension_semantics = [#tpu.dimension_semantics<core_parallel>, #tpu.dimension_semantics<subcore_parallel>], iteration_bounds = array<i64: 2, 16>, scalar_prefetch = 0 : i64, scratch_operands = 6 : i64, tpu.core_type = #tpu.core_type<sc_vector_subcore>, window_params = [{transform_indices = #map}, {transform_indices = #map1}, {transform_indices = #map}]} {
    %mul3A = arith.constant 2 : i32
    %mul3A_0 = arith.muli %arg1, %mul3A : i32
    %add3A = arith.addi %mul3A_0, %arg0 : i32
    %mul3A_1 = arith.constant 256 : i32
    %mul3A_2 = arith.muli %add3A, %mul3A_1 : i32
    "tpu.region"() ({
      %run_scoped3A = tpu.sem_alloc : memref<!tpu.dma_semaphore, #tpu.memory_space<semaphore_mem>>
      %dma_start3A_193 = tpu.memref_slice %arg3[%mul3A_2] : memref<8192xi32, #tpu.memory_space<hbm>> -> memref<256xi32, #tpu.memory_space<hbm>>
      %dma_start3A_194 = tpu.memref_slice %arg3[%mul3A_2] : memref<8192xi32, #tpu.memory_space<hbm>> -> memref<256xi32, #tpu.memory_space<hbm>>
      tpu.enqueue_dma source(%dma_start3A_194 : memref<256xi32, #tpu.memory_space<hbm>>) target(%arg5 : memref<256xi32, #tpu.memory_space<vmem>>) target_semaphore(%run_scoped3A : memref<!tpu.dma_semaphore, #tpu.memory_space<semaphore_mem>>)
      %dma_wait3A_195 = tpu.memref_slice %arg3[%mul3A_2] : memref<8192xi32, #tpu.memory_space<hbm>> -> memref<256xi32, #tpu.memory_space<hbm>>
      %dma_wait3A_196 = tpu.memref_slice %arg3[%mul3A_2] : memref<8192xi32, #tpu.memory_space<hbm>> -> memref<256xi32, #tpu.memory_space<hbm>>
      tpu.wait_dma2 semaphore(%run_scoped3A : memref<!tpu.dma_semaphore, #tpu.memory_space<semaphore_mem>>) src(%dma_wait3A_196 : memref<256xi32, #tpu.memory_space<hbm>>) dst(%arg5 : memref<256xi32, #tpu.memory_space<vmem>>)
      tpu.yield
    }) : () -> ()
    %dma_start3A = arith.constant 0 : i32
    %dma_start3A_3 = arith.constant 0 : i32
    %dma_start3A_4 = arith.constant 0 : i32
    %dma_start3A_5 = tpu.memref_slice %arg6[%dma_start3A, %dma_start3A_3, %dma_start3A_4] : memref<2x64x768xf32, #tpu.memory_space<vmem>> -> memref<1x64x768xf32, #tpu.memory_space<vmem>>
    %dma_start3A_6 = tpu.memref_squeeze %dma_start3A_5 : memref<1x64x768xf32, #tpu.memory_space<vmem>> -> memref<64x768xf32, #tpu.memory_space<vmem>>
    %dma_start3A_7 = arith.constant 0 : i32
    %dma_start3A_8 = tpu.memref_slice %arg5[%dma_start3A_7] : memref<256xi32, #tpu.memory_space<vmem>> -> memref<64xi32, #tpu.memory_space<vmem>>
    %dma_start3A_9 = arith.constant 0 : i32
    %dma_start3A_10 = arith.constant 0 : i32
    %dma_start3A_11 = tpu.memref_slice %arg2[%dma_start3A_9, %dma_start3A_10] : memref<30522x768xf32, #tpu.memory_space<hbm>> -> memref<30522x768xf32, #tpu.memory_space<hbm>>
    tpu.enqueue_indirect_dma source(%dma_start3A_11 : memref<30522x768xf32, #tpu.memory_space<hbm>>) target(%dma_start3A_6 : memref<64x768xf32, #tpu.memory_space<vmem>>) offsets(%dma_start3A_8 : memref<64xi32, #tpu.memory_space<vmem>>) semaphore(%arg7 : memref<!tpu.dma_semaphore, #tpu.memory_space<semaphore_mem>>)
    %dma_start3A_12 = arith.constant 1 : i32
    %dma_start3A_13 = arith.constant 0 : i32
    %dma_start3A_14 = arith.constant 0 : i32
    %dma_start3A_15 = tpu.memref_slice %arg6[%dma_start3A_12, %dma_start3A_13, %dma_start3A_14] : memref<2x64x768xf32, #tpu.memory_space<vmem>> -> memref<1x64x768xf32, #tpu.memory_space<vmem>>
    %dma_start3A_16 = tpu.memref_squeeze %dma_start3A_15 : memref<1x64x768xf32, #tpu.memory_space<vmem>> -> memref<64x768xf32, #tpu.memory_space<vmem>>
    %dma_start3A_17 = arith.constant 64 : i32
    %dma_start3A_18 = tpu.memref_slice %arg5[%dma_start3A_17] : memref<256xi32, #tpu.memory_space<vmem>> -> memref<64xi32, #tpu.memory_space<vmem>>
    %dma_start3A_19 = arith.constant 0 : i32
    %dma_start3A_20 = arith.constant 0 : i32
    %dma_start3A_21 = tpu.memref_slice %arg2[%dma_start3A_19, %dma_start3A_20] : memref<30522x768xf32, #tpu.memory_space<hbm>> -> memref<30522x768xf32, #tpu.memory_space<hbm>>
    tpu.enqueue_indirect_dma source(%dma_start3A_21 : memref<30522x768xf32, #tpu.memory_space<hbm>>) target(%dma_start3A_16 : memref<64x768xf32, #tpu.memory_space<vmem>>) offsets(%dma_start3A_18 : memref<64xi32, #tpu.memory_space<vmem>>) semaphore(%arg8 : memref<!tpu.dma_semaphore, #tpu.memory_space<semaphore_mem>>)
    %dma_wait3A = arith.constant 0 : i32
    %dma_wait3A_22 = arith.constant 0 : i32
    %dma_wait3A_23 = arith.constant 0 : i32
    %dma_wait3A_24 = tpu.memref_slice %arg6[%dma_wait3A, %dma_wait3A_22, %dma_wait3A_23] : memref<2x64x768xf32, #tpu.memory_space<vmem>> -> memref<1x64x768xf32, #tpu.memory_space<vmem>>
    %dma_wait3A_25 = tpu.memref_squeeze %dma_wait3A_24 : memref<1x64x768xf32, #tpu.memory_space<vmem>> -> memref<64x768xf32, #tpu.memory_space<vmem>>
    %dma_wait3A_26 = arith.constant 0 : i32
    %dma_wait3A_27 = tpu.memref_slice %arg5[%dma_wait3A_26] : memref<256xi32, #tpu.memory_space<vmem>> -> memref<64xi32, #tpu.memory_space<vmem>>
    %dma_wait3A_28 = arith.constant 0 : i32
    %dma_wait3A_29 = arith.constant 0 : i32
    %dma_wait3A_30 = tpu.memref_slice %arg2[%dma_wait3A_28, %dma_wait3A_29] : memref<30522x768xf32, #tpu.memory_space<hbm>> -> memref<30522x768xf32, #tpu.memory_space<hbm>>
    tpu.wait_indirect_dma semaphore(%arg7 : memref<!tpu.dma_semaphore, #tpu.memory_space<semaphore_mem>>) src(%dma_wait3A_30 : memref<30522x768xf32, #tpu.memory_space<hbm>>) dst(%dma_wait3A_25 : memref<64x768xf32, #tpu.memory_space<vmem>>)
    %add3A_31 = arith.constant 0 : i32
    %add3A_32 = arith.addi %mul3A_2, %add3A_31 : i32
    %dma_start3A_33 = arith.constant 0 : i32
    %dma_start3A_34 = arith.constant 0 : i32
    %dma_start3A_35 = arith.constant 0 : i32
    %dma_start3A_36 = tpu.memref_slice %arg6[%dma_start3A_33, %dma_start3A_34, %dma_start3A_35] : memref<2x64x768xf32, #tpu.memory_space<vmem>> -> memref<1x64x768xf32, #tpu.memory_space<vmem>>
    %dma_start3A_37 = tpu.memref_squeeze %dma_start3A_36 : memref<1x64x768xf32, #tpu.memory_space<vmem>> -> memref<64x768xf32, #tpu.memory_space<vmem>>
    %dma_start3A_38 = arith.constant 0 : i32
    %dma_start3A_39 = tpu.memref_slice %arg4[%add3A_32, %dma_start3A_38] : memref<8192x768xf32, #tpu.memory_space<hbm>> -> memref<64x768xf32, #tpu.memory_space<hbm>>
    %dma_start3A_40 = arith.constant 0 : i32
    %dma_start3A_41 = tpu.memref_slice %arg4[%add3A_32, %dma_start3A_40] : memref<8192x768xf32, #tpu.memory_space<hbm>> -> memref<64x768xf32, #tpu.memory_space<hbm>>
    %dma_start3A_42 = arith.constant 0 : i32
    %dma_start3A_43 = arith.constant 0 : i32
    %dma_start3A_44 = tpu.memref_slice %arg6[%dma_start3A_33, %dma_start3A_42, %dma_start3A_43] : memref<2x64x768xf32, #tpu.memory_space<vmem>> -> memref<1x64x768xf32, #tpu.memory_space<vmem>>
    %dma_start3A_45 = tpu.memref_squeeze %dma_start3A_44 : memref<1x64x768xf32, #tpu.memory_space<vmem>> -> memref<64x768xf32, #tpu.memory_space<vmem>>
    tpu.enqueue_dma source(%dma_start3A_45 : memref<64x768xf32, #tpu.memory_space<vmem>>) target(%dma_start3A_41 : memref<64x768xf32, #tpu.memory_space<hbm>>) target_semaphore(%arg9 : memref<!tpu.dma_semaphore, #tpu.memory_space<semaphore_mem>>)
    %dma_wait3A_46 = arith.constant 0 : i32
    %dma_wait3A_47 = arith.constant 0 : i32
    %dma_wait3A_48 = arith.constant 0 : i32
    %dma_wait3A_49 = tpu.memref_slice %arg6[%dma_wait3A_46, %dma_wait3A_47, %dma_wait3A_48] : memref<2x64x768xf32, #tpu.memory_space<vmem>> -> memref<1x64x768xf32, #tpu.memory_space<vmem>>
    %dma_wait3A_50 = tpu.memref_squeeze %dma_wait3A_49 : memref<1x64x768xf32, #tpu.memory_space<vmem>> -> memref<64x768xf32, #tpu.memory_space<vmem>>
    %dma_wait3A_51 = arith.constant 0 : i32
    %dma_wait3A_52 = tpu.memref_slice %arg4[%add3A_32, %dma_wait3A_51] : memref<8192x768xf32, #tpu.memory_space<hbm>> -> memref<64x768xf32, #tpu.memory_space<hbm>>
    %dma_wait3A_53 = arith.constant 0 : i32
    %dma_wait3A_54 = tpu.memref_slice %arg4[%add3A_32, %dma_wait3A_53] : memref<8192x768xf32, #tpu.memory_space<hbm>> -> memref<64x768xf32, #tpu.memory_space<hbm>>
    %dma_wait3A_55 = arith.constant 0 : i32
    %dma_wait3A_56 = arith.constant 0 : i32
    %dma_wait3A_57 = tpu.memref_slice %arg6[%dma_wait3A_46, %dma_wait3A_55, %dma_wait3A_56] : memref<2x64x768xf32, #tpu.memory_space<vmem>> -> memref<1x64x768xf32, #tpu.memory_space<vmem>>
    %dma_wait3A_58 = tpu.memref_squeeze %dma_wait3A_57 : memref<1x64x768xf32, #tpu.memory_space<vmem>> -> memref<64x768xf32, #tpu.memory_space<vmem>>
    tpu.wait_dma2 semaphore(%arg9 : memref<!tpu.dma_semaphore, #tpu.memory_space<semaphore_mem>>) src(%dma_wait3A_58 : memref<64x768xf32, #tpu.memory_space<vmem>>) dst(%dma_wait3A_54 : memref<64x768xf32, #tpu.memory_space<hbm>>)
    %dma_start3A_59 = arith.constant 0 : i32
    %dma_start3A_60 = arith.constant 0 : i32
    %dma_start3A_61 = arith.constant 0 : i32
    %dma_start3A_62 = tpu.memref_slice %arg6[%dma_start3A_59, %dma_start3A_60, %dma_start3A_61] : memref<2x64x768xf32, #tpu.memory_space<vmem>> -> memref<1x64x768xf32, #tpu.memory_space<vmem>>
    %dma_start3A_63 = tpu.memref_squeeze %dma_start3A_62 : memref<1x64x768xf32, #tpu.memory_space<vmem>> -> memref<64x768xf32, #tpu.memory_space<vmem>>
    %dma_start3A_64 = arith.constant 128 : i32
    %dma_start3A_65 = tpu.memref_slice %arg5[%dma_start3A_64] : memref<256xi32, #tpu.memory_space<vmem>> -> memref<64xi32, #tpu.memory_space<vmem>>
    %dma_start3A_66 = arith.constant 0 : i32
    %dma_start3A_67 = arith.constant 0 : i32
    %dma_start3A_68 = tpu.memref_slice %arg2[%dma_start3A_66, %dma_start3A_67] : memref<30522x768xf32, #tpu.memory_space<hbm>> -> memref<30522x768xf32, #tpu.memory_space<hbm>>
    tpu.enqueue_indirect_dma source(%dma_start3A_68 : memref<30522x768xf32, #tpu.memory_space<hbm>>) target(%dma_start3A_63 : memref<64x768xf32, #tpu.memory_space<vmem>>) offsets(%dma_start3A_65 : memref<64xi32, #tpu.memory_space<vmem>>) semaphore(%arg7 : memref<!tpu.dma_semaphore, #tpu.memory_space<semaphore_mem>>)
    %dma_wait3A_69 = arith.constant 1 : i32
    %dma_wait3A_70 = arith.constant 0 : i32
    %dma_wait3A_71 = arith.constant 0 : i32
    %dma_wait3A_72 = tpu.memref_slice %arg6[%dma_wait3A_69, %dma_wait3A_70, %dma_wait3A_71] : memref<2x64x768xf32, #tpu.memory_space<vmem>> -> memref<1x64x768xf32, #tpu.memory_space<vmem>>
    %dma_wait3A_73 = tpu.memref_squeeze %dma_wait3A_72 : memref<1x64x768xf32, #tpu.memory_space<vmem>> -> memref<64x768xf32, #tpu.memory_space<vmem>>
    %dma_wait3A_74 = arith.constant 64 : i32
    %dma_wait3A_75 = tpu.memref_slice %arg5[%dma_wait3A_74] : memref<256xi32, #tpu.memory_space<vmem>> -> memref<64xi32, #tpu.memory_space<vmem>>
    %dma_wait3A_76 = arith.constant 0 : i32
    %dma_wait3A_77 = arith.constant 0 : i32
    %dma_wait3A_78 = tpu.memref_slice %arg2[%dma_wait3A_76, %dma_wait3A_77] : memref<30522x768xf32, #tpu.memory_space<hbm>> -> memref<30522x768xf32, #tpu.memory_space<hbm>>
    tpu.wait_indirect_dma semaphore(%arg8 : memref<!tpu.dma_semaphore, #tpu.memory_space<semaphore_mem>>) src(%dma_wait3A_78 : memref<30522x768xf32, #tpu.memory_space<hbm>>) dst(%dma_wait3A_73 : memref<64x768xf32, #tpu.memory_space<vmem>>)
    %add3A_79 = arith.constant 64 : i32
    %add3A_80 = arith.addi %mul3A_2, %add3A_79 : i32
    %dma_start3A_81 = arith.constant 1 : i32
    %dma_start3A_82 = arith.constant 0 : i32
    %dma_start3A_83 = arith.constant 0 : i32
    %dma_start3A_84 = tpu.memref_slice %arg6[%dma_start3A_81, %dma_start3A_82, %dma_start3A_83] : memref<2x64x768xf32, #tpu.memory_space<vmem>> -> memref<1x64x768xf32, #tpu.memory_space<vmem>>
    %dma_start3A_85 = tpu.memref_squeeze %dma_start3A_84 : memref<1x64x768xf32, #tpu.memory_space<vmem>> -> memref<64x768xf32, #tpu.memory_space<vmem>>
    %dma_start3A_86 = arith.constant 0 : i32
    %dma_start3A_87 = tpu.memref_slice %arg4[%add3A_80, %dma_start3A_86] : memref<8192x768xf32, #tpu.memory_space<hbm>> -> memref<64x768xf32, #tpu.memory_space<hbm>>
    %dma_start3A_88 = arith.constant 0 : i32
    %dma_start3A_89 = tpu.memref_slice %arg4[%add3A_80, %dma_start3A_88] : memref<8192x768xf32, #tpu.memory_space<hbm>> -> memref<64x768xf32, #tpu.memory_space<hbm>>
    %dma_start3A_90 = arith.constant 0 : i32
    %dma_start3A_91 = arith.constant 0 : i32
    %dma_start3A_92 = tpu.memref_slice %arg6[%dma_start3A_81, %dma_start3A_90, %dma_start3A_91] : memref<2x64x768xf32, #tpu.memory_space<vmem>> -> memref<1x64x768xf32, #tpu.memory_space<vmem>>
    %dma_start3A_93 = tpu.memref_squeeze %dma_start3A_92 : memref<1x64x768xf32, #tpu.memory_space<vmem>> -> memref<64x768xf32, #tpu.memory_space<vmem>>
    tpu.enqueue_dma source(%dma_start3A_93 : memref<64x768xf32, #tpu.memory_space<vmem>>) target(%dma_start3A_89 : memref<64x768xf32, #tpu.memory_space<hbm>>) target_semaphore(%arg10 : memref<!tpu.dma_semaphore, #tpu.memory_space<semaphore_mem>>)
    %dma_wait3A_94 = arith.constant 1 : i32
    %dma_wait3A_95 = arith.constant 0 : i32
    %dma_wait3A_96 = arith.constant 0 : i32
    %dma_wait3A_97 = tpu.memref_slice %arg6[%dma_wait3A_94, %dma_wait3A_95, %dma_wait3A_96] : memref<2x64x768xf32, #tpu.memory_space<vmem>> -> memref<1x64x768xf32, #tpu.memory_space<vmem>>
    %dma_wait3A_98 = tpu.memref_squeeze %dma_wait3A_97 : memref<1x64x768xf32, #tpu.memory_space<vmem>> -> memref<64x768xf32, #tpu.memory_space<vmem>>
    %dma_wait3A_99 = arith.constant 0 : i32
    %dma_wait3A_100 = tpu.memref_slice %arg4[%add3A_80, %dma_wait3A_99] : memref<8192x768xf32, #tpu.memory_space<hbm>> -> memref<64x768xf32, #tpu.memory_space<hbm>>
    %dma_wait3A_101 = arith.constant 0 : i32
    %dma_wait3A_102 = tpu.memref_slice %arg4[%add3A_80, %dma_wait3A_101] : memref<8192x768xf32, #tpu.memory_space<hbm>> -> memref<64x768xf32, #tpu.memory_space<hbm>>
    %dma_wait3A_103 = arith.constant 0 : i32
    %dma_wait3A_104 = arith.constant 0 : i32
    %dma_wait3A_105 = tpu.memref_slice %arg6[%dma_wait3A_94, %dma_wait3A_103, %dma_wait3A_104] : memref<2x64x768xf32, #tpu.memory_space<vmem>> -> memref<1x64x768xf32, #tpu.memory_space<vmem>>
    %dma_wait3A_106 = tpu.memref_squeeze %dma_wait3A_105 : memref<1x64x768xf32, #tpu.memory_space<vmem>> -> memref<64x768xf32, #tpu.memory_space<vmem>>
    tpu.wait_dma2 semaphore(%arg10 : memref<!tpu.dma_semaphore, #tpu.memory_space<semaphore_mem>>) src(%dma_wait3A_106 : memref<64x768xf32, #tpu.memory_space<vmem>>) dst(%dma_wait3A_102 : memref<64x768xf32, #tpu.memory_space<hbm>>)
    %dma_start3A_107 = arith.constant 1 : i32
    %dma_start3A_108 = arith.constant 0 : i32
    %dma_start3A_109 = arith.constant 0 : i32
    %dma_start3A_110 = tpu.memref_slice %arg6[%dma_start3A_107, %dma_start3A_108, %dma_start3A_109] : memref<2x64x768xf32, #tpu.memory_space<vmem>> -> memref<1x64x768xf32, #tpu.memory_space<vmem>>
    %dma_start3A_111 = tpu.memref_squeeze %dma_start3A_110 : memref<1x64x768xf32, #tpu.memory_space<vmem>> -> memref<64x768xf32, #tpu.memory_space<vmem>>
    %dma_start3A_112 = arith.constant 192 : i32
    %dma_start3A_113 = tpu.memref_slice %arg5[%dma_start3A_112] : memref<256xi32, #tpu.memory_space<vmem>> -> memref<64xi32, #tpu.memory_space<vmem>>
    %dma_start3A_114 = arith.constant 0 : i32
    %dma_start3A_115 = arith.constant 0 : i32
    %dma_start3A_116 = tpu.memref_slice %arg2[%dma_start3A_114, %dma_start3A_115] : memref<30522x768xf32, #tpu.memory_space<hbm>> -> memref<30522x768xf32, #tpu.memory_space<hbm>>
    tpu.enqueue_indirect_dma source(%dma_start3A_116 : memref<30522x768xf32, #tpu.memory_space<hbm>>) target(%dma_start3A_111 : memref<64x768xf32, #tpu.memory_space<vmem>>) offsets(%dma_start3A_113 : memref<64xi32, #tpu.memory_space<vmem>>) semaphore(%arg8 : memref<!tpu.dma_semaphore, #tpu.memory_space<semaphore_mem>>)
    %dma_wait3A_117 = arith.constant 0 : i32
    %dma_wait3A_118 = arith.constant 0 : i32
    %dma_wait3A_119 = arith.constant 0 : i32
    %dma_wait3A_120 = tpu.memref_slice %arg6[%dma_wait3A_117, %dma_wait3A_118, %dma_wait3A_119] : memref<2x64x768xf32, #tpu.memory_space<vmem>> -> memref<1x64x768xf32, #tpu.memory_space<vmem>>
    %dma_wait3A_121 = tpu.memref_squeeze %dma_wait3A_120 : memref<1x64x768xf32, #tpu.memory_space<vmem>> -> memref<64x768xf32, #tpu.memory_space<vmem>>
    %dma_wait3A_122 = arith.constant 128 : i32
    %dma_wait3A_123 = tpu.memref_slice %arg5[%dma_wait3A_122] : memref<256xi32, #tpu.memory_space<vmem>> -> memref<64xi32, #tpu.memory_space<vmem>>
    %dma_wait3A_124 = arith.constant 0 : i32
    %dma_wait3A_125 = arith.constant 0 : i32
    %dma_wait3A_126 = tpu.memref_slice %arg2[%dma_wait3A_124, %dma_wait3A_125] : memref<30522x768xf32, #tpu.memory_space<hbm>> -> memref<30522x768xf32, #tpu.memory_space<hbm>>
    tpu.wait_indirect_dma semaphore(%arg7 : memref<!tpu.dma_semaphore, #tpu.memory_space<semaphore_mem>>) src(%dma_wait3A_126 : memref<30522x768xf32, #tpu.memory_space<hbm>>) dst(%dma_wait3A_121 : memref<64x768xf32, #tpu.memory_space<vmem>>)
    %add3A_127 = arith.constant 128 : i32
    %add3A_128 = arith.addi %mul3A_2, %add3A_127 : i32
    %dma_start3A_129 = arith.constant 0 : i32
    %dma_start3A_130 = arith.constant 0 : i32
    %dma_start3A_131 = arith.constant 0 : i32
    %dma_start3A_132 = tpu.memref_slice %arg6[%dma_start3A_129, %dma_start3A_130, %dma_start3A_131] : memref<2x64x768xf32, #tpu.memory_space<vmem>> -> memref<1x64x768xf32, #tpu.memory_space<vmem>>
    %dma_start3A_133 = tpu.memref_squeeze %dma_start3A_132 : memref<1x64x768xf32, #tpu.memory_space<vmem>> -> memref<64x768xf32, #tpu.memory_space<vmem>>
    %dma_start3A_134 = arith.constant 0 : i32
    %dma_start3A_135 = tpu.memref_slice %arg4[%add3A_128, %dma_start3A_134] : memref<8192x768xf32, #tpu.memory_space<hbm>> -> memref<64x768xf32, #tpu.memory_space<hbm>>
    %dma_start3A_136 = arith.constant 0 : i32
    %dma_start3A_137 = tpu.memref_slice %arg4[%add3A_128, %dma_start3A_136] : memref<8192x768xf32, #tpu.memory_space<hbm>> -> memref<64x768xf32, #tpu.memory_space<hbm>>
    %dma_start3A_138 = arith.constant 0 : i32
    %dma_start3A_139 = arith.constant 0 : i32
    %dma_start3A_140 = tpu.memref_slice %arg6[%dma_start3A_129, %dma_start3A_138, %dma_start3A_139] : memref<2x64x768xf32, #tpu.memory_space<vmem>> -> memref<1x64x768xf32, #tpu.memory_space<vmem>>
    %dma_start3A_141 = tpu.memref_squeeze %dma_start3A_140 : memref<1x64x768xf32, #tpu.memory_space<vmem>> -> memref<64x768xf32, #tpu.memory_space<vmem>>
    tpu.enqueue_dma source(%dma_start3A_141 : memref<64x768xf32, #tpu.memory_space<vmem>>) target(%dma_start3A_137 : memref<64x768xf32, #tpu.memory_space<hbm>>) target_semaphore(%arg9 : memref<!tpu.dma_semaphore, #tpu.memory_space<semaphore_mem>>)
    %dma_wait3A_142 = arith.constant 1 : i32
    %dma_wait3A_143 = arith.constant 0 : i32
    %dma_wait3A_144 = arith.constant 0 : i32
    %dma_wait3A_145 = tpu.memref_slice %arg6[%dma_wait3A_142, %dma_wait3A_143, %dma_wait3A_144] : memref<2x64x768xf32, #tpu.memory_space<vmem>> -> memref<1x64x768xf32, #tpu.memory_space<vmem>>
    %dma_wait3A_146 = tpu.memref_squeeze %dma_wait3A_145 : memref<1x64x768xf32, #tpu.memory_space<vmem>> -> memref<64x768xf32, #tpu.memory_space<vmem>>
    %dma_wait3A_147 = arith.constant 192 : i32
    %dma_wait3A_148 = tpu.memref_slice %arg5[%dma_wait3A_147] : memref<256xi32, #tpu.memory_space<vmem>> -> memref<64xi32, #tpu.memory_space<vmem>>
    %dma_wait3A_149 = arith.constant 0 : i32
    %dma_wait3A_150 = arith.constant 0 : i32
    %dma_wait3A_151 = tpu.memref_slice %arg2[%dma_wait3A_149, %dma_wait3A_150] : memref<30522x768xf32, #tpu.memory_space<hbm>> -> memref<30522x768xf32, #tpu.memory_space<hbm>>
    tpu.wait_indirect_dma semaphore(%arg8 : memref<!tpu.dma_semaphore, #tpu.memory_space<semaphore_mem>>) src(%dma_wait3A_151 : memref<30522x768xf32, #tpu.memory_space<hbm>>) dst(%dma_wait3A_146 : memref<64x768xf32, #tpu.memory_space<vmem>>)
    %add3A_152 = arith.constant 192 : i32
    %add3A_153 = arith.addi %mul3A_2, %add3A_152 : i32
    %dma_start3A_154 = arith.constant 1 : i32
    %dma_start3A_155 = arith.constant 0 : i32
    %dma_start3A_156 = arith.constant 0 : i32
    %dma_start3A_157 = tpu.memref_slice %arg6[%dma_start3A_154, %dma_start3A_155, %dma_start3A_156] : memref<2x64x768xf32, #tpu.memory_space<vmem>> -> memref<1x64x768xf32, #tpu.memory_space<vmem>>
    %dma_start3A_158 = tpu.memref_squeeze %dma_start3A_157 : memref<1x64x768xf32, #tpu.memory_space<vmem>> -> memref<64x768xf32, #tpu.memory_space<vmem>>
    %dma_start3A_159 = arith.constant 0 : i32
    %dma_start3A_160 = tpu.memref_slice %arg4[%add3A_153, %dma_start3A_159] : memref<8192x768xf32, #tpu.memory_space<hbm>> -> memref<64x768xf32, #tpu.memory_space<hbm>>
    %dma_start3A_161 = arith.constant 0 : i32
    %dma_start3A_162 = tpu.memref_slice %arg4[%add3A_153, %dma_start3A_161] : memref<8192x768xf32, #tpu.memory_space<hbm>> -> memref<64x768xf32, #tpu.memory_space<hbm>>
    %dma_start3A_163 = arith.constant 0 : i32
    %dma_start3A_164 = arith.constant 0 : i32
    %dma_start3A_165 = tpu.memref_slice %arg6[%dma_start3A_154, %dma_start3A_163, %dma_start3A_164] : memref<2x64x768xf32, #tpu.memory_space<vmem>> -> memref<1x64x768xf32, #tpu.memory_space<vmem>>
    %dma_start3A_166 = tpu.memref_squeeze %dma_start3A_165 : memref<1x64x768xf32, #tpu.memory_space<vmem>> -> memref<64x768xf32, #tpu.memory_space<vmem>>
    tpu.enqueue_dma source(%dma_start3A_166 : memref<64x768xf32, #tpu.memory_space<vmem>>) target(%dma_start3A_162 : memref<64x768xf32, #tpu.memory_space<hbm>>) target_semaphore(%arg10 : memref<!tpu.dma_semaphore, #tpu.memory_space<semaphore_mem>>)
    %dma_wait3A_167 = arith.constant 0 : i32
    %dma_wait3A_168 = arith.constant 0 : i32
    %dma_wait3A_169 = arith.constant 0 : i32
    %dma_wait3A_170 = tpu.memref_slice %arg6[%dma_wait3A_167, %dma_wait3A_168, %dma_wait3A_169] : memref<2x64x768xf32, #tpu.memory_space<vmem>> -> memref<1x64x768xf32, #tpu.memory_space<vmem>>
    %dma_wait3A_171 = tpu.memref_squeeze %dma_wait3A_170 : memref<1x64x768xf32, #tpu.memory_space<vmem>> -> memref<64x768xf32, #tpu.memory_space<vmem>>
    %dma_wait3A_172 = arith.constant 0 : i32
    %dma_wait3A_173 = tpu.memref_slice %arg4[%add3A_128, %dma_wait3A_172] : memref<8192x768xf32, #tpu.memory_space<hbm>> -> memref<64x768xf32, #tpu.memory_space<hbm>>
    %dma_wait3A_174 = arith.constant 0 : i32
    %dma_wait3A_175 = tpu.memref_slice %arg4[%add3A_128, %dma_wait3A_174] : memref<8192x768xf32, #tpu.memory_space<hbm>> -> memref<64x768xf32, #tpu.memory_space<hbm>>
    %dma_wait3A_176 = arith.constant 0 : i32
    %dma_wait3A_177 = arith.constant 0 : i32
    %dma_wait3A_178 = tpu.memref_slice %arg6[%dma_wait3A_167, %dma_wait3A_176, %dma_wait3A_177] : memref<2x64x768xf32, #tpu.memory_space<vmem>> -> memref<1x64x768xf32, #tpu.memory_space<vmem>>
    %dma_wait3A_179 = tpu.memref_squeeze %dma_wait3A_178 : memref<1x64x768xf32, #tpu.memory_space<vmem>> -> memref<64x768xf32, #tpu.memory_space<vmem>>
    tpu.wait_dma2 semaphore(%arg9 : memref<!tpu.dma_semaphore, #tpu.memory_space<semaphore_mem>>) src(%dma_wait3A_179 : memref<64x768xf32, #tpu.memory_space<vmem>>) dst(%dma_wait3A_175 : memref<64x768xf32, #tpu.memory_space<hbm>>)
    %dma_wait3A_180 = arith.constant 1 : i32
    %dma_wait3A_181 = arith.constant 0 : i32
    %dma_wait3A_182 = arith.constant 0 : i32
    %dma_wait3A_183 = tpu.memref_slice %arg6[%dma_wait3A_180, %dma_wait3A_181, %dma_wait3A_182] : memref<2x64x768xf32, #tpu.memory_space<vmem>> -> memref<1x64x768xf32, #tpu.memory_space<vmem>>
    %dma_wait3A_184 = tpu.memref_squeeze %dma_wait3A_183 : memref<1x64x768xf32, #tpu.memory_space<vmem>> -> memref<64x768xf32, #tpu.memory_space<vmem>>
    %dma_wait3A_185 = arith.constant 0 : i32
    %dma_wait3A_186 = tpu.memref_slice %arg4[%add3A_153, %dma_wait3A_185] : memref<8192x768xf32, #tpu.memory_space<hbm>> -> memref<64x768xf32, #tpu.memory_space<hbm>>
    %dma_wait3A_187 = arith.constant 0 : i32
    %dma_wait3A_188 = tpu.memref_slice %arg4[%add3A_153, %dma_wait3A_187] : memref<8192x768xf32, #tpu.memory_space<hbm>> -> memref<64x768xf32, #tpu.memory_space<hbm>>
    %dma_wait3A_189 = arith.constant 0 : i32
    %dma_wait3A_190 = arith.constant 0 : i32
    %dma_wait3A_191 = tpu.memref_slice %arg6[%dma_wait3A_180, %dma_wait3A_189, %dma_wait3A_190] : memref<2x64x768xf32, #tpu.memory_space<vmem>> -> memref<1x64x768xf32, #tpu.memory_space<vmem>>
    %dma_wait3A_192 = tpu.memref_squeeze %dma_wait3A_191 : memref<1x64x768xf32, #tpu.memory_space<vmem>> -> memref<64x768xf32, #tpu.memory_space<vmem>>
    tpu.wait_dma2 semaphore(%arg10 : memref<!tpu.dma_semaphore, #tpu.memory_space<semaphore_mem>>) src(%dma_wait3A_192 : memref<64x768xf32, #tpu.memory_space<vmem>>) dst(%dma_wait3A_188 : memref<64x768xf32, #tpu.memory_space<hbm>>)
    return
  }
}

#map = affine_map<(d0, d1) -> (0, 0)>
#map1 = affine_map<(d0, d1) -> (0)>
module attributes {stable_mosaic.version = 14 : i64} {
  func.func @k(%arg0: i32, %arg1: i32, %arg2: memref<30522x768xf32, #tpu.memory_space<hbm>>, %arg3: memref<8192xi32, #tpu.memory_space<hbm>>, %arg4: memref<8192x768xf32, #tpu.memory_space<hbm>>, %arg5: memref<256xi32, #tpu.memory_space<vmem>>, %arg6: memref<2x64x768xf32, #tpu.memory_space<vmem>>, %arg7: memref<!tpu.dma_semaphore, #tpu.memory_space<semaphore_mem>>, %arg8: memref<!tpu.dma_semaphore, #tpu.memory_space<semaphore_mem>>, %arg9: memref<!tpu.dma_semaphore, #tpu.memory_space<semaphore_mem>>, %arg10: memref<!tpu.dma_semaphore, #tpu.memory_space<semaphore_mem>>) attributes {dimension_semantics = [#tpu.dimension_semantics<core_parallel>, #tpu.dimension_semantics<subcore_parallel>], iteration_bounds = array<i64: 2, 16>, scalar_prefetch = 0 : i64, scratch_operands = 6 : i64, tpu.core_type = #tpu.core_type<sc_vector_subcore>, window_params = [{transform_indices = #map}, {transform_indices = #map1}, {transform_indices = #map}]} {
    %mul3A = arith.constant 2 : i32
    %mul3A_0 = arith.muli %arg1, %mul3A : i32
    %add3A = arith.addi %mul3A_0, %arg0 : i32
    %mul3A_1 = arith.constant 256 : i32
    %mul3A_2 = arith.muli %add3A, %mul3A_1 : i32
    "tpu.region"() ({
      %run_scoped3A = tpu.sem_alloc : memref<!tpu.dma_semaphore, #tpu.memory_space<semaphore_mem>>
      %dma_start3A_193 = tpu.memref_slice %arg3[%mul3A_2] : memref<8192xi32, #tpu.memory_space<hbm>> -> memref<256xi32, #tpu.memory_space<hbm>>
      %dma_start3A_194 = tpu.memref_slice %arg3[%mul3A_2] : memref<8192xi32, #tpu.memory_space<hbm>> -> memref<256xi32, #tpu.memory_space<hbm>>
      tpu.enqueue_dma source(%dma_start3A_194 : memref<256xi32, #tpu.memory_space<hbm>>) target(%arg5 : memref<256xi32, #tpu.memory_space<vmem>>) target_semaphore(%run_scoped3A : memref<!tpu.dma_semaphore, #tpu.memory_space<semaphore_mem>>)
      %dma_wait3A_195 = tpu.memref_slice %arg3[%mul3A_2] : memref<8192xi32, #tpu.memory_space<hbm>> -> memref<256xi32, #tpu.memory_space<hbm>>
      %dma_wait3A_196 = tpu.memref_slice %arg3[%mul3A_2] : memref<8192xi32, #tpu.memory_space<hbm>> -> memref<256xi32, #tpu.memory_space<hbm>>
      tpu.wait_dma2 semaphore(%run_scoped3A : memref<!tpu.dma_semaphore, #tpu.memory_space<semaphore_mem>>) src(%dma_wait3A_196 : memref<256xi32, #tpu.memory_space<hbm>>) dst(%arg5 : memref<256xi32, #tpu.memory_space<vmem>>)
      tpu.yield
    }) : () -> ()
    %dma_start3A = arith.constant 0 : i32
    %dma_start3A_3 = arith.constant 0 : i32
    %dma_start3A_4 = arith.constant 0 : i32
    %dma_start3A_5 = tpu.memref_slice %arg6[%dma_start3A, %dma_start3A_3, %dma_start3A_4] : memref<2x64x768xf32, #tpu.memory_space<vmem>> -> memref<1x64x768xf32, #tpu.memory_space<vmem>>
    %dma_start3A_6 = tpu.memref_squeeze %dma_start3A_5 : memref<1x64x768xf32, #tpu.memory_space<vmem>> -> memref<64x768xf32, #tpu.memory_space<vmem>>
    %dma_start3A_7 = arith.constant 0 : i32
    %dma_start3A_8 = tpu.memref_slice %arg5[%dma_start3A_7] : memref<256xi32, #tpu.memory_space<vmem>> -> memref<64xi32, #tpu.memory_space<vmem>>
    %dma_start3A_9 = arith.constant 0 : i32
    %dma_start3A_10 = arith.constant 0 : i32
    %dma_start3A_11 = tpu.memref_slice %arg2[%dma_start3A_9, %dma_start3A_10] : memref<30522x768xf32, #tpu.memory_space<hbm>> -> memref<30522x768xf32, #tpu.memory_space<hbm>>
    tpu.enqueue_indirect_dma source(%dma_start3A_11 : memref<30522x768xf32, #tpu.memory_space<hbm>>) target(%dma_start3A_6 : memref<64x768xf32, #tpu.memory_space<vmem>>) offsets(%dma_start3A_8 : memref<64xi32, #tpu.memory_space<vmem>>) semaphore(%arg7 : memref<!tpu.dma_semaphore, #tpu.memory_space<semaphore_mem>>)
    %dma_start3A_12 = arith.constant 1 : i32
    %dma_start3A_13 = arith.constant 0 : i32
    %dma_start3A_14 = arith.constant 0 : i32
    %dma_start3A_15 = tpu.memref_slice %arg6[%dma_start3A_12, %dma_start3A_13, %dma_start3A_14] : memref<2x64x768xf32, #tpu.memory_space<vmem>> -> memref<1x64x768xf32, #tpu.memory_space<vmem>>
    %dma_start3A_16 = tpu.memref_squeeze %dma_start3A_15 : memref<1x64x768xf32, #tpu.memory_space<vmem>> -> memref<64x768xf32, #tpu.memory_space<vmem>>
    %dma_start3A_17 = arith.constant 64 : i32
    %dma_start3A_18 = tpu.memref_slice %arg5[%dma_start3A_17] : memref<256xi32, #tpu.memory_space<vmem>> -> memref<64xi32, #tpu.memory_space<vmem>>
    %dma_start3A_19 = arith.constant 0 : i32
    %dma_start3A_20 = arith.constant 0 : i32
    %dma_start3A_21 = tpu.memref_slice %arg2[%dma_start3A_19, %dma_start3A_20] : memref<30522x768xf32, #tpu.memory_space<hbm>> -> memref<30522x768xf32, #tpu.memory_space<hbm>>
    tpu.enqueue_indirect_dma source(%dma_start3A_21 : memref<30522x768xf32, #tpu.memory_space<hbm>>) target(%dma_start3A_16 : memref<64x768xf32, #tpu.memory_space<vmem>>) offsets(%dma_start3A_18 : memref<64xi32, #tpu.memory_space<vmem>>) semaphore(%arg8 : memref<!tpu.dma_semaphore, #tpu.memory_space<semaphore_mem>>)
    %dma_wait3A = arith.constant 0 : i32
    %dma_wait3A_22 = arith.constant 0 : i32
    %dma_wait3A_23 = arith.constant 0 : i32
    %dma_wait3A_24 = tpu.memref_slice %arg6[%dma_wait3A, %dma_wait3A_22, %dma_wait3A_23] : memref<2x64x768xf32, #tpu.memory_space<vmem>> -> memref<1x64x768xf32, #tpu.memory_space<vmem>>
    %dma_wait3A_25 = tpu.memref_squeeze %dma_wait3A_24 : memref<1x64x768xf32, #tpu.memory_space<vmem>> -> memref<64x768xf32, #tpu.memory_space<vmem>>
    %dma_wait3A_26 = arith.constant 0 : i32
    %dma_wait3A_27 = tpu.memref_slice %arg5[%dma_wait3A_26] : memref<256xi32, #tpu.memory_space<vmem>> -> memref<64xi32, #tpu.memory_space<vmem>>
    %dma_wait3A_28 = arith.constant 0 : i32
    %dma_wait3A_29 = arith.constant 0 : i32
    %dma_wait3A_30 = tpu.memref_slice %arg2[%dma_wait3A_28, %dma_wait3A_29] : memref<30522x768xf32, #tpu.memory_space<hbm>> -> memref<30522x768xf32, #tpu.memory_space<hbm>>
    tpu.wait_indirect_dma semaphore(%arg7 : memref<!tpu.dma_semaphore, #tpu.memory_space<semaphore_mem>>) src(%dma_wait3A_30 : memref<30522x768xf32, #tpu.memory_space<hbm>>) dst(%dma_wait3A_25 : memref<64x768xf32, #tpu.memory_space<vmem>>)
    %add3A_31 = arith.constant 0 : i32
    %add3A_32 = arith.addi %mul3A_2, %add3A_31 : i32
    %dma_start3A_33 = arith.constant 0 : i32
    %dma_start3A_34 = arith.constant 0 : i32
    %dma_start3A_35 = arith.constant 0 : i32
    %dma_start3A_36 = tpu.memref_slice %arg6[%dma_start3A_33, %dma_start3A_34, %dma_start3A_35] : memref<2x64x768xf32, #tpu.memory_space<vmem>> -> memref<1x64x768xf32, #tpu.memory_space<vmem>>
    %dma_start3A_37 = tpu.memref_squeeze %dma_start3A_36 : memref<1x64x768xf32, #tpu.memory_space<vmem>> -> memref<64x768xf32, #tpu.memory_space<vmem>>
    %dma_start3A_38 = arith.constant 0 : i32
    %dma_start3A_39 = tpu.memref_slice %arg4[%add3A_32, %dma_start3A_38] : memref<8192x768xf32, #tpu.memory_space<hbm>> -> memref<64x768xf32, #tpu.memory_space<hbm>>
    %dma_start3A_40 = arith.constant 0 : i32
    %dma_start3A_41 = tpu.memref_slice %arg4[%add3A_32, %dma_start3A_40] : memref<8192x768xf32, #tpu.memory_space<hbm>> -> memref<64x768xf32, #tpu.memory_space<hbm>>
    %dma_start3A_42 = arith.constant 0 : i32
    %dma_start3A_43 = arith.constant 0 : i32
    %dma_start3A_44 = tpu.memref_slice %arg6[%dma_start3A_33, %dma_start3A_42, %dma_start3A_43] : memref<2x64x768xf32, #tpu.memory_space<vmem>> -> memref<1x64x768xf32, #tpu.memory_space<vmem>>
    %dma_start3A_45 = tpu.memref_squeeze %dma_start3A_44 : memref<1x64x768xf32, #tpu.memory_space<vmem>> -> memref<64x768xf32, #tpu.memory_space<vmem>>
    tpu.enqueue_dma source(%dma_start3A_45 : memref<64x768xf32, #tpu.memory_space<vmem>>) target(%dma_start3A_41 : memref<64x768xf32, #tpu.memory_space<hbm>>) target_semaphore(%arg9 : memref<!tpu.dma_semaphore, #tpu.memory_space<semaphore_mem>>)
    %dma_wait3A_46 = arith.constant 0 : i32
    %dma_wait3A_47 = arith.constant 0 : i32
    %dma_wait3A_48 = arith.constant 0 : i32
    %dma_wait3A_49 = tpu.memref_slice %arg6[%dma_wait3A_46, %dma_wait3A_47, %dma_wait3A_48] : memref<2x64x768xf32, #tpu.memory_space<vmem>> -> memref<1x64x768xf32, #tpu.memory_space<vmem>>
    %dma_wait3A_50 = tpu.memref_squeeze %dma_wait3A_49 : memref<1x64x768xf32, #tpu.memory_space<vmem>> -> memref<64x768xf32, #tpu.memory_space<vmem>>
    %dma_wait3A_51 = arith.constant 0 : i32
    %dma_wait3A_52 = tpu.memref_slice %arg4[%add3A_32, %dma_wait3A_51] : memref<8192x768xf32, #tpu.memory_space<hbm>> -> memref<64x768xf32, #tpu.memory_space<hbm>>
    %dma_wait3A_53 = arith.constant 0 : i32
    %dma_wait3A_54 = tpu.memref_slice %arg4[%add3A_32, %dma_wait3A_53] : memref<8192x768xf32, #tpu.memory_space<hbm>> -> memref<64x768xf32, #tpu.memory_space<hbm>>
    %dma_wait3A_55 = arith.constant 0 : i32
    %dma_wait3A_56 = arith.constant 0 : i32
    %dma_wait3A_57 = tpu.memref_slice %arg6[%dma_wait3A_46, %dma_wait3A_55, %dma_wait3A_56] : memref<2x64x768xf32, #tpu.memory_space<vmem>> -> memref<1x64x768xf32, #tpu.memory_space<vmem>>
    %dma_wait3A_58 = tpu.memref_squeeze %dma_wait3A_57 : memref<1x64x768xf32, #tpu.memory_space<vmem>> -> memref<64x768xf32, #tpu.memory_space<vmem>>
    tpu.wait_dma2 semaphore(%arg9 : memref<!tpu.dma_semaphore, #tpu.memory_space<semaphore_mem>>) src(%dma_wait3A_58 : memref<64x768xf32, #tpu.memory_space<vmem>>) dst(%dma_wait3A_54 : memref<64x768xf32, #tpu.memory_space<hbm>>)
    %dma_start3A_59 = arith.constant 0 : i32
    %dma_start3A_60 = arith.constant 0 : i32
    %dma_start3A_61 = arith.constant 0 : i32
    %dma_start3A_62 = tpu.memref_slice %arg6[%dma_start3A_59, %dma_start3A_60, %dma_start3A_61] : memref<2x64x768xf32, #tpu.memory_space<vmem>> -> memref<1x64x768xf32, #tpu.memory_space<vmem>>
    %dma_start3A_63 = tpu.memref_squeeze %dma_start3A_62 : memref<1x64x768xf32, #tpu.memory_space<vmem>> -> memref<64x768xf32, #tpu.memory_space<vmem>>
    %dma_start3A_64 = arith.constant 128 : i32
    %dma_start3A_65 = tpu.memref_slice %arg5[%dma_start3A_64] : memref<256xi32, #tpu.memory_space<vmem>> -> memref<64xi32, #tpu.memory_space<vmem>>
    %dma_start3A_66 = arith.constant 0 : i32
    %dma_start3A_67 = arith.constant 0 : i32
    %dma_start3A_68 = tpu.memref_slice %arg2[%dma_start3A_66, %dma_start3A_67] : memref<30522x768xf32, #tpu.memory_space<hbm>> -> memref<30522x768xf32, #tpu.memory_space<hbm>>
    tpu.enqueue_indirect_dma source(%dma_start3A_68 : memref<30522x768xf32, #tpu.memory_space<hbm>>) target(%dma_start3A_63 : memref<64x768xf32, #tpu.memory_space<vmem>>) offsets(%dma_start3A_65 : memref<64xi32, #tpu.memory_space<vmem>>) semaphore(%arg7 : memref<!tpu.dma_semaphore, #tpu.memory_space<semaphore_mem>>)
    %dma_wait3A_69 = arith.constant 1 : i32
    %dma_wait3A_70 = arith.constant 0 : i32
    %dma_wait3A_71 = arith.constant 0 : i32
    %dma_wait3A_72 = tpu.memref_slice %arg6[%dma_wait3A_69, %dma_wait3A_70, %dma_wait3A_71] : memref<2x64x768xf32, #tpu.memory_space<vmem>> -> memref<1x64x768xf32, #tpu.memory_space<vmem>>
    %dma_wait3A_73 = tpu.memref_squeeze %dma_wait3A_72 : memref<1x64x768xf32, #tpu.memory_space<vmem>> -> memref<64x768xf32, #tpu.memory_space<vmem>>
    %dma_wait3A_74 = arith.constant 64 : i32
    %dma_wait3A_75 = tpu.memref_slice %arg5[%dma_wait3A_74] : memref<256xi32, #tpu.memory_space<vmem>> -> memref<64xi32, #tpu.memory_space<vmem>>
    %dma_wait3A_76 = arith.constant 0 : i32
    %dma_wait3A_77 = arith.constant 0 : i32
    %dma_wait3A_78 = tpu.memref_slice %arg2[%dma_wait3A_76, %dma_wait3A_77] : memref<30522x768xf32, #tpu.memory_space<hbm>> -> memref<30522x768xf32, #tpu.memory_space<hbm>>
    tpu.wait_indirect_dma semaphore(%arg8 : memref<!tpu.dma_semaphore, #tpu.memory_space<semaphore_mem>>) src(%dma_wait3A_78 : memref<30522x768xf32, #tpu.memory_space<hbm>>) dst(%dma_wait3A_73 : memref<64x768xf32, #tpu.memory_space<vmem>>)
    %add3A_79 = arith.constant 64 : i32
    %add3A_80 = arith.addi %mul3A_2, %add3A_79 : i32
    %dma_start3A_81 = arith.constant 1 : i32
    %dma_start3A_82 = arith.constant 0 : i32
    %dma_start3A_83 = arith.constant 0 : i32
    %dma_start3A_84 = tpu.memref_slice %arg6[%dma_start3A_81, %dma_start3A_82, %dma_start3A_83] : memref<2x64x768xf32, #tpu.memory_space<vmem>> -> memref<1x64x768xf32, #tpu.memory_space<vmem>>
    %dma_start3A_85 = tpu.memref_squeeze %dma_start3A_84 : memref<1x64x768xf32, #tpu.memory_space<vmem>> -> memref<64x768xf32, #tpu.memory_space<vmem>>
    %dma_start3A_86 = arith.constant 0 : i32
    %dma_start3A_87 = tpu.memref_slice %arg4[%add3A_80, %dma_start3A_86] : memref<8192x768xf32, #tpu.memory_space<hbm>> -> memref<64x768xf32, #tpu.memory_space<hbm>>
    %dma_start3A_88 = arith.constant 0 : i32
    %dma_start3A_89 = tpu.memref_slice %arg4[%add3A_80, %dma_start3A_88] : memref<8192x768xf32, #tpu.memory_space<hbm>> -> memref<64x768xf32, #tpu.memory_space<hbm>>
    %dma_start3A_90 = arith.constant 0 : i32
    %dma_start3A_91 = arith.constant 0 : i32
    %dma_start3A_92 = tpu.memref_slice %arg6[%dma_start3A_81, %dma_start3A_90, %dma_start3A_91] : memref<2x64x768xf32, #tpu.memory_space<vmem>> -> memref<1x64x768xf32, #tpu.memory_space<vmem>>
    %dma_start3A_93 = tpu.memref_squeeze %dma_start3A_92 : memref<1x64x768xf32, #tpu.memory_space<vmem>> -> memref<64x768xf32, #tpu.memory_space<vmem>>
    tpu.enqueue_dma source(%dma_start3A_93 : memref<64x768xf32, #tpu.memory_space<vmem>>) target(%dma_start3A_89 : memref<64x768xf32, #tpu.memory_space<hbm>>) target_semaphore(%arg10 : memref<!tpu.dma_semaphore, #tpu.memory_space<semaphore_mem>>)
    %dma_wait3A_94 = arith.constant 1 : i32
    %dma_wait3A_95 = arith.constant 0 : i32
    %dma_wait3A_96 = arith.constant 0 : i32
    %dma_wait3A_97 = tpu.memref_slice %arg6[%dma_wait3A_94, %dma_wait3A_95, %dma_wait3A_96] : memref<2x64x768xf32, #tpu.memory_space<vmem>> -> memref<1x64x768xf32, #tpu.memory_space<vmem>>
    %dma_wait3A_98 = tpu.memref_squeeze %dma_wait3A_97 : memref<1x64x768xf32, #tpu.memory_space<vmem>> -> memref<64x768xf32, #tpu.memory_space<vmem>>
    %dma_wait3A_99 = arith.constant 0 : i32
    %dma_wait3A_100 = tpu.memref_slice %arg4[%add3A_80, %dma_wait3A_99] : memref<8192x768xf32, #tpu.memory_space<hbm>> -> memref<64x768xf32, #tpu.memory_space<hbm>>
    %dma_wait3A_101 = arith.constant 0 : i32
    %dma_wait3A_102 = tpu.memref_slice %arg4[%add3A_80, %dma_wait3A_101] : memref<8192x768xf32, #tpu.memory_space<hbm>> -> memref<64x768xf32, #tpu.memory_space<hbm>>
    %dma_wait3A_103 = arith.constant 0 : i32
    %dma_wait3A_104 = arith.constant 0 : i32
    %dma_wait3A_105 = tpu.memref_slice %arg6[%dma_wait3A_94, %dma_wait3A_103, %dma_wait3A_104] : memref<2x64x768xf32, #tpu.memory_space<vmem>> -> memref<1x64x768xf32, #tpu.memory_space<vmem>>
    %dma_wait3A_106 = tpu.memref_squeeze %dma_wait3A_105 : memref<1x64x768xf32, #tpu.memory_space<vmem>> -> memref<64x768xf32, #tpu.memory_space<vmem>>
    tpu.wait_dma2 semaphore(%arg10 : memref<!tpu.dma_semaphore, #tpu.memory_space<semaphore_mem>>) src(%dma_wait3A_106 : memref<64x768xf32, #tpu.memory_space<vmem>>) dst(%dma_wait3A_102 : memref<64x768xf32, #tpu.memory_space<hbm>>)
    %dma_start3A_107 = arith.constant 1 : i32
    %dma_start3A_108 = arith.constant 0 : i32
    %dma_start3A_109 = arith.constant 0 : i32
    %dma_start3A_110 = tpu.memref_slice %arg6[%dma_start3A_107, %dma_start3A_108, %dma_start3A_109] : memref<2x64x768xf32, #tpu.memory_space<vmem>> -> memref<1x64x768xf32, #tpu.memory_space<vmem>>
    %dma_start3A_111 = tpu.memref_squeeze %dma_start3A_110 : memref<1x64x768xf32, #tpu.memory_space<vmem>> -> memref<64x768xf32, #tpu.memory_space<vmem>>
    %dma_start3A_112 = arith.constant 192 : i32
    %dma_start3A_113 = tpu.memref_slice %arg5[%dma_start3A_112] : memref<256xi32, #tpu.memory_space<vmem>> -> memref<64xi32, #tpu.memory_space<vmem>>
    %dma_start3A_114 = arith.constant 0 : i32
    %dma_start3A_115 = arith.constant 0 : i32
    %dma_start3A_116 = tpu.memref_slice %arg2[%dma_start3A_114, %dma_start3A_115] : memref<30522x768xf32, #tpu.memory_space<hbm>> -> memref<30522x768xf32, #tpu.memory_space<hbm>>
    tpu.enqueue_indirect_dma source(%dma_start3A_116 : memref<30522x768xf32, #tpu.memory_space<hbm>>) target(%dma_start3A_111 : memref<64x768xf32, #tpu.memory_space<vmem>>) offsets(%dma_start3A_113 : memref<64xi32, #tpu.memory_space<vmem>>) semaphore(%arg8 : memref<!tpu.dma_semaphore, #tpu.memory_space<semaphore_mem>>)
    %dma_wait3A_117 = arith.constant 0 : i32
    %dma_wait3A_118 = arith.constant 0 : i32
    %dma_wait3A_119 = arith.constant 0 : i32
    %dma_wait3A_120 = tpu.memref_slice %arg6[%dma_wait3A_117, %dma_wait3A_118, %dma_wait3A_119] : memref<2x64x768xf32, #tpu.memory_space<vmem>> -> memref<1x64x768xf32, #tpu.memory_space<vmem>>
    %dma_wait3A_121 = tpu.memref_squeeze %dma_wait3A_120 : memref<1x64x768xf32, #tpu.memory_space<vmem>> -> memref<64x768xf32, #tpu.memory_space<vmem>>
    %dma_wait3A_122 = arith.constant 128 : i32
    %dma_wait3A_123 = tpu.memref_slice %arg5[%dma_wait3A_122] : memref<256xi32, #tpu.memory_space<vmem>> -> memref<64xi32, #tpu.memory_space<vmem>>
    %dma_wait3A_124 = arith.constant 0 : i32
    %dma_wait3A_125 = arith.constant 0 : i32
    %dma_wait3A_126 = tpu.memref_slice %arg2[%dma_wait3A_124, %dma_wait3A_125] : memref<30522x768xf32, #tpu.memory_space<hbm>> -> memref<30522x768xf32, #tpu.memory_space<hbm>>
    tpu.wait_indirect_dma semaphore(%arg7 : memref<!tpu.dma_semaphore, #tpu.memory_space<semaphore_mem>>) src(%dma_wait3A_126 : memref<30522x768xf32, #tpu.memory_space<hbm>>) dst(%dma_wait3A_121 : memref<64x768xf32, #tpu.memory_space<vmem>>)
    %add3A_127 = arith.constant 128 : i32
    %add3A_128 = arith.addi %mul3A_2, %add3A_127 : i32
    %dma_start3A_129 = arith.constant 0 : i32
    %dma_start3A_130 = arith.constant 0 : i32
    %dma_start3A_131 = arith.constant 0 : i32
    %dma_start3A_132 = tpu.memref_slice %arg6[%dma_start3A_129, %dma_start3A_130, %dma_start3A_131] : memref<2x64x768xf32, #tpu.memory_space<vmem>> -> memref<1x64x768xf32, #tpu.memory_space<vmem>>
    %dma_start3A_133 = tpu.memref_squeeze %dma_start3A_132 : memref<1x64x768xf32, #tpu.memory_space<vmem>> -> memref<64x768xf32, #tpu.memory_space<vmem>>
    %dma_start3A_134 = arith.constant 0 : i32
    %dma_start3A_135 = tpu.memref_slice %arg4[%add3A_128, %dma_start3A_134] : memref<8192x768xf32, #tpu.memory_space<hbm>> -> memref<64x768xf32, #tpu.memory_space<hbm>>
    %dma_start3A_136 = arith.constant 0 : i32
    %dma_start3A_137 = tpu.memref_slice %arg4[%add3A_128, %dma_start3A_136] : memref<8192x768xf32, #tpu.memory_space<hbm>> -> memref<64x768xf32, #tpu.memory_space<hbm>>
    %dma_start3A_138 = arith.constant 0 : i32
    %dma_start3A_139 = arith.constant 0 : i32
    %dma_start3A_140 = tpu.memref_slice %arg6[%dma_start3A_129, %dma_start3A_138, %dma_start3A_139] : memref<2x64x768xf32, #tpu.memory_space<vmem>> -> memref<1x64x768xf32, #tpu.memory_space<vmem>>
    %dma_start3A_141 = tpu.memref_squeeze %dma_start3A_140 : memref<1x64x768xf32, #tpu.memory_space<vmem>> -> memref<64x768xf32, #tpu.memory_space<vmem>>
    tpu.enqueue_dma source(%dma_start3A_141 : memref<64x768xf32, #tpu.memory_space<vmem>>) target(%dma_start3A_137 : memref<64x768xf32, #tpu.memory_space<hbm>>) target_semaphore(%arg9 : memref<!tpu.dma_semaphore, #tpu.memory_space<semaphore_mem>>)
    %dma_wait3A_142 = arith.constant 1 : i32
    %dma_wait3A_143 = arith.constant 0 : i32
    %dma_wait3A_144 = arith.constant 0 : i32
    %dma_wait3A_145 = tpu.memref_slice %arg6[%dma_wait3A_142, %dma_wait3A_143, %dma_wait3A_144] : memref<2x64x768xf32, #tpu.memory_space<vmem>> -> memref<1x64x768xf32, #tpu.memory_space<vmem>>
    %dma_wait3A_146 = tpu.memref_squeeze %dma_wait3A_145 : memref<1x64x768xf32, #tpu.memory_space<vmem>> -> memref<64x768xf32, #tpu.memory_space<vmem>>
    %dma_wait3A_147 = arith.constant 192 : i32
    %dma_wait3A_148 = tpu.memref_slice %arg5[%dma_wait3A_147] : memref<256xi32, #tpu.memory_space<vmem>> -> memref<64xi32, #tpu.memory_space<vmem>>
    %dma_wait3A_149 = arith.constant 0 : i32
    %dma_wait3A_150 = arith.constant 0 : i32
    %dma_wait3A_151 = tpu.memref_slice %arg2[%dma_wait3A_149, %dma_wait3A_150] : memref<30522x768xf32, #tpu.memory_space<hbm>> -> memref<30522x768xf32, #tpu.memory_space<hbm>>
    tpu.wait_indirect_dma semaphore(%arg8 : memref<!tpu.dma_semaphore, #tpu.memory_space<semaphore_mem>>) src(%dma_wait3A_151 : memref<30522x768xf32, #tpu.memory_space<hbm>>) dst(%dma_wait3A_146 : memref<64x768xf32, #tpu.memory_space<vmem>>)
    %add3A_152 = arith.constant 192 : i32
    %add3A_153 = arith.addi %mul3A_2, %add3A_152 : i32
    %dma_start3A_154 = arith.constant 1 : i32
    %dma_start3A_155 = arith.constant 0 : i32
    %dma_start3A_156 = arith.constant 0 : i32
    %dma_start3A_157 = tpu.memref_slice %arg6[%dma_start3A_154, %dma_start3A_155, %dma_start3A_156] : memref<2x64x768xf32, #tpu.memory_space<vmem>> -> memref<1x64x768xf32, #tpu.memory_space<vmem>>
    %dma_start3A_158 = tpu.memref_squeeze %dma_start3A_157 : memref<1x64x768xf32, #tpu.memory_space<vmem>> -> memref<64x768xf32, #tpu.memory_space<vmem>>
    %dma_start3A_159 = arith.constant 0 : i32
    %dma_start3A_160 = tpu.memref_slice %arg4[%add3A_153, %dma_start3A_159] : memref<8192x768xf32, #tpu.memory_space<hbm>> -> memref<64x768xf32, #tpu.memory_space<hbm>>
    %dma_start3A_161 = arith.constant 0 : i32
    %dma_start3A_162 = tpu.memref_slice %arg4[%add3A_153, %dma_start3A_161] : memref<8192x768xf32, #tpu.memory_space<hbm>> -> memref<64x768xf32, #tpu.memory_space<hbm>>
    %dma_start3A_163 = arith.constant 0 : i32
    %dma_start3A_164 = arith.constant 0 : i32
    %dma_start3A_165 = tpu.memref_slice %arg6[%dma_start3A_154, %dma_start3A_163, %dma_start3A_164] : memref<2x64x768xf32, #tpu.memory_space<vmem>> -> memref<1x64x768xf32, #tpu.memory_space<vmem>>
    %dma_start3A_166 = tpu.memref_squeeze %dma_start3A_165 : memref<1x64x768xf32, #tpu.memory_space<vmem>> -> memref<64x768xf32, #tpu.memory_space<vmem>>
    tpu.enqueue_dma source(%dma_start3A_166 : memref<64x768xf32, #tpu.memory_space<vmem>>) target(%dma_start3A_162 : memref<64x768xf32, #tpu.memory_space<hbm>>) target_semaphore(%arg10 : memref<!tpu.dma_semaphore, #tpu.memory_space<semaphore_mem>>)
    %dma_wait3A_167 = arith.constant 0 : i32
    %dma_wait3A_168 = arith.constant 0 : i32
    %dma_wait3A_169 = arith.constant 0 : i32
    %dma_wait3A_170 = tpu.memref_slice %arg6[%dma_wait3A_167, %dma_wait3A_168, %dma_wait3A_169] : memref<2x64x768xf32, #tpu.memory_space<vmem>> -> memref<1x64x768xf32, #tpu.memory_space<vmem>>
    %dma_wait3A_171 = tpu.memref_squeeze %dma_wait3A_170 : memref<1x64x768xf32, #tpu.memory_space<vmem>> -> memref<64x768xf32, #tpu.memory_space<vmem>>
    %dma_wait3A_172 = arith.constant 0 : i32
    %dma_wait3A_173 = tpu.memref_slice %arg4[%add3A_128, %dma_wait3A_172] : memref<8192x768xf32, #tpu.memory_space<hbm>> -> memref<64x768xf32, #tpu.memory_space<hbm>>
    %dma_wait3A_174 = arith.constant 0 : i32
    %dma_wait3A_175 = tpu.memref_slice %arg4[%add3A_128, %dma_wait3A_174] : memref<8192x768xf32, #tpu.memory_space<hbm>> -> memref<64x768xf32, #tpu.memory_space<hbm>>
    %dma_wait3A_176 = arith.constant 0 : i32
    %dma_wait3A_177 = arith.constant 0 : i32
    %dma_wait3A_178 = tpu.memref_slice %arg6[%dma_wait3A_167, %dma_wait3A_176, %dma_wait3A_177] : memref<2x64x768xf32, #tpu.memory_space<vmem>> -> memref<1x64x768xf32, #tpu.memory_space<vmem>>
    %dma_wait3A_179 = tpu.memref_squeeze %dma_wait3A_178 : memref<1x64x768xf32, #tpu.memory_space<vmem>> -> memref<64x768xf32, #tpu.memory_space<vmem>>
    tpu.wait_dma2 semaphore(%arg9 : memref<!tpu.dma_semaphore, #tpu.memory_space<semaphore_mem>>) src(%dma_wait3A_179 : memref<64x768xf32, #tpu.memory_space<vmem>>) dst(%dma_wait3A_175 : memref<64x768xf32, #tpu.memory_space<hbm>>)
    %dma_wait3A_180 = arith.constant 1 : i32
    %dma_wait3A_181 = arith.constant 0 : i32
    %dma_wait3A_182 = arith.constant 0 : i32
    %dma_wait3A_183 = tpu.memref_slice %arg6[%dma_wait3A_180, %dma_wait3A_181, %dma_wait3A_182] : memref<2x64x768xf32, #tpu.memory_space<vmem>> -> memref<1x64x768xf32, #tpu.memory_space<vmem>>
    %dma_wait3A_184 = tpu.memref_squeeze %dma_wait3A_183 : memref<1x64x768xf32, #tpu.memory_space<vmem>> -> memref<64x768xf32, #tpu.memory_space<vmem>>
    %dma_wait3A_185 = arith.constant 0 : i32
    %dma_wait3A_186 = tpu.memref_slice %arg4[%add3A_153, %dma_wait3A_185] : memref<8192x768xf32, #tpu.memory_space<hbm>> -> memref<64x768xf32, #tpu.memory_space<hbm>>
    %dma_wait3A_187 = arith.constant 0 : i32
    %dma_wait3A_188 = tpu.memref_slice %arg4[%add3A_153, %dma_wait3A_187] : memref<8192x768xf32, #tpu.memory_space<hbm>> -> memref<64x768xf32, #tpu.memory_space<hbm>>
    %dma_wait3A_189 = arith.constant 0 : i32
    %dma_wait3A_190 = arith.constant 0 : i32
    %dma_wait3A_191 = tpu.memref_slice %arg6[%dma_wait3A_180, %dma_wait3A_189, %dma_wait3A_190] : memref<2x64x768xf32, #tpu.memory_space<vmem>> -> memref<1x64x768xf32, #tpu.memory_space<vmem>>
    %dma_wait3A_192 = tpu.memref_squeeze %dma_wait3A_191 : memref<1x64x768xf32, #tpu.memory_space<vmem>> -> memref<64x768xf32, #tpu.memory_space<vmem>>
    tpu.wait_dma2 semaphore(%arg10 : memref<!tpu.dma_semaphore, #tpu.memory_space<semaphore_mem>>) src(%dma_wait3A_192 : memref<64x768xf32, #tpu.memory_space<vmem>>) dst(%dma_wait3A_188 : memref<64x768xf32, #tpu.memory_space<hbm>>)
    return
  }
}

module attributes {stable_mosaic.version = 14 : i64} {
  func.func @body(%arg0: i32, %arg1: memref<2048x768xf32, #tpu.memory_space<vmem>>, %arg2: memref<2048x768xf32, #tpu.memory_space<vmem>>, %arg3: memref<1x768xf32, #tpu.memory_space<vmem>>, %arg4: memref<1x768xf32, #tpu.memory_space<vmem>>, %arg5: memref<32768x768xf32, #tpu.memory_space<any>>, %arg6: memref<2048x768xf32, #tpu.memory_space<vmem>>) attributes {dimension_semantics = [#tpu.dimension_semantics<arbitrary>], iteration_bounds = array<i64: 4>, scalar_prefetch = 0 : i64, scratch_operands = 0 : i64, tpu.core_type = #tpu.core_type<tc>, window_params = [{transform_indices = @transform_0, window_bounds = array<i64: 2048, 768>}, {pipeline_mode = #tpu.pipeline_mode<synchronous>, transform_indices = @transform_1, window_bounds = array<i64: 2048, 768>}, {pipeline_mode = #tpu.pipeline_mode<synchronous>, transform_indices = @transform_2, window_bounds = array<i64: 1, 768>}, {pipeline_mode = #tpu.pipeline_mode<synchronous>, transform_indices = @transform_3, window_bounds = array<i64: 1, 768>}, {}, {transform_indices = @transform_5, window_bounds = array<i64: 2048, 768>}]} {
    %get3A = arith.constant 0 : index
    %get3A_0 = arith.constant 0 : index
    %get3A_1 = vector.load %arg1[%get3A, %get3A_0] : memref<2048x768xf32, #tpu.memory_space<vmem>>, vector<2048x768xf32>
    %get3A_2 = arith.constant 0 : index
    %get3A_3 = arith.constant 0 : index
    %get3A_4 = vector.load %arg2[%get3A_2, %get3A_3] : memref<2048x768xf32, #tpu.memory_space<vmem>>, vector<2048x768xf32>
    %add3A = arith.addf %get3A_1, %get3A_4 : vector<2048x768xf32>
    %reduce_sum3A = arith.constant dense<0.000000e+00> : vector<2048xf32>
    %reduce_sum3A_5 = vector.multi_reduction <add>, %add3A, %reduce_sum3A [1] : vector<2048x768xf32> to vector<2048xf32>
    %broadcast_in_dim3A = vector.shape_cast %reduce_sum3A_5 : vector<2048xf32> to vector<2048x1xf32>
    %div3A = arith.constant 7.680000e+02 : f32
    %div3A_6 = vector.broadcast %div3A : f32 to vector<2048x1xf32>
    %div3A_7 = arith.divf %broadcast_in_dim3A, %div3A_6 : vector<2048x1xf32>
    %mul3A = arith.mulf %add3A, %add3A : vector<2048x768xf32>
    %reduce_sum3A_8 = arith.constant dense<0.000000e+00> : vector<2048xf32>
    %reduce_sum3A_9 = vector.multi_reduction <add>, %mul3A, %reduce_sum3A_8 [1] : vector<2048x768xf32> to vector<2048xf32>
    %broadcast_in_dim3A_10 = vector.shape_cast %reduce_sum3A_9 : vector<2048xf32> to vector<2048x1xf32>
    %div3A_11 = arith.constant 7.680000e+02 : f32
    %div3A_12 = vector.broadcast %div3A_11 : f32 to vector<2048x1xf32>
    %div3A_13 = arith.divf %broadcast_in_dim3A_10, %div3A_12 : vector<2048x1xf32>
    %mul3A_14 = arith.mulf %div3A_7, %div3A_7 : vector<2048x1xf32>
    %sub3A = arith.subf %div3A_13, %mul3A_14 : vector<2048x1xf32>
    %add3A_15 = arith.constant 9.99999996E-13 : f32
    %add3A_16 = vector.broadcast %add3A_15 : f32 to vector<2048x1xf32>
    %add3A_17 = arith.addf %sub3A, %add3A_16 : vector<2048x1xf32>
    %sqrt3A = math.sqrt %add3A_17 : vector<2048x1xf32>
    %div3A_18 = arith.constant 1.000000e+00 : f32
    %div3A_19 = vector.broadcast %div3A_18 : f32 to vector<2048x1xf32>
    %div3A_20 = arith.divf %div3A_19, %sqrt3A : vector<2048x1xf32>
    %sub3A_21 = vector.broadcast %div3A_7 : vector<2048x1xf32> to vector<2048x768xf32>
    %sub3A_22 = arith.subf %add3A, %sub3A_21 : vector<2048x768xf32>
    %get3A_23 = arith.constant 0 : index
    %get3A_24 = arith.constant 0 : index
    %get3A_25 = vector.load %arg3[%get3A_23, %get3A_24] : memref<1x768xf32, #tpu.memory_space<vmem>>, vector<1x768xf32>
    %mul3A_26 = vector.broadcast %div3A_20 : vector<2048x1xf32> to vector<2048x768xf32>
    %mul3A_27 = vector.broadcast %get3A_25 : vector<1x768xf32> to vector<2048x768xf32>
    %mul3A_28 = arith.mulf %mul3A_26, %mul3A_27 : vector<2048x768xf32>
    %mul3A_29 = arith.mulf %sub3A_22, %mul3A_28 : vector<2048x768xf32>
    %get3A_30 = arith.constant 0 : index
    %get3A_31 = arith.constant 0 : index
    %get3A_32 = vector.load %arg4[%get3A_30, %get3A_31] : memref<1x768xf32, #tpu.memory_space<vmem>>, vector<1x768xf32>
    %add3A_33 = vector.broadcast %get3A_32 : vector<1x768xf32> to vector<2048x768xf32>
    %add3A_34 = arith.addf %mul3A_29, %add3A_33 : vector<2048x768xf32>
    %swap3A = arith.constant 0 : index
    %swap3A_35 = arith.constant 0 : index
    %swap3A_36 = vector.load %arg6[%swap3A, %swap3A_35] : memref<2048x768xf32, #tpu.memory_space<vmem>>, vector<2048x768xf32>
    tpu.vector_store %arg6[%swap3A, %swap3A_35], %add3A_34 {strides = array<i32>} : memref<2048x768xf32, #tpu.memory_space<vmem>>, vector<2048x768xf32>,
    return
  }
  func.func @transform_0(%arg0: i32) -> (i32, i32) {
    %c0_i32 = arith.constant 0 : i32
    %c0_i32_0 = arith.constant 0 : i32
    return %arg0, %c0_i32 : i32, i32
  }
  func.func @transform_1(%arg0: i32) -> (i32, i32) {
    %c0_i32 = arith.constant 0 : i32
    %c0_i32_0 = arith.constant 0 : i32
    %c0_i32_1 = arith.constant 0 : i32
    return %c0_i32, %c0_i32_0 : i32, i32
  }
  func.func @transform_2(%arg0: i32) -> (i32, i32) {
    %c0_i32 = arith.constant 0 : i32
    %c0_i32_0 = arith.constant 0 : i32
    %c0_i32_1 = arith.constant 0 : i32
    return %c0_i32, %c0_i32_0 : i32, i32
  }
  func.func @transform_3(%arg0: i32) -> (i32, i32) {
    %c0_i32 = arith.constant 0 : i32
    %c0_i32_0 = arith.constant 0 : i32
    %c0_i32_1 = arith.constant 0 : i32
    return %c0_i32, %c0_i32_0 : i32, i32
  }
  func.func @transform_5(%arg0: i32) -> (i32, i32) {
    %add3A = arith.constant 4 : i32
    %add3A_0 = arith.addi %add3A, %arg0 : i32
    %c0_i32 = arith.constant 0 : i32
    %c0_i32_1 = arith.constant 0 : i32
    return %add3A_0, %c0_i32 : i32, i32
  }
}

module attributes {stable_mosaic.version = 14 : i64} {
  func.func @body(%arg0: i32, %arg1: memref<2048x768xf32, #tpu.memory_space<vmem>>, %arg2: memref<2048x768xf32, #tpu.memory_space<vmem>>, %arg3: memref<1x768xf32, #tpu.memory_space<vmem>>, %arg4: memref<1x768xf32, #tpu.memory_space<vmem>>, %arg5: memref<2048x768xf32, #tpu.memory_space<vmem>>) attributes {dimension_semantics = [#tpu.dimension_semantics<arbitrary>], iteration_bounds = array<i64: 4>, scalar_prefetch = 0 : i64, scratch_operands = 0 : i64, tpu.core_type = #tpu.core_type<tc>, window_params = [{transform_indices = @transform_0, window_bounds = array<i64: 2048, 768>}, {pipeline_mode = #tpu.pipeline_mode<synchronous>, transform_indices = @transform_1, window_bounds = array<i64: 2048, 768>}, {pipeline_mode = #tpu.pipeline_mode<synchronous>, transform_indices = @transform_2, window_bounds = array<i64: 1, 768>}, {pipeline_mode = #tpu.pipeline_mode<synchronous>, transform_indices = @transform_3, window_bounds = array<i64: 1, 768>}, {transform_indices = @transform_4, window_bounds = array<i64: 2048, 768>}]} {
    %get3A = arith.constant 0 : index
    %get3A_0 = arith.constant 0 : index
    %get3A_1 = vector.load %arg1[%get3A, %get3A_0] : memref<2048x768xf32, #tpu.memory_space<vmem>>, vector<2048x768xf32>
    %get3A_2 = arith.constant 0 : index
    %get3A_3 = arith.constant 0 : index
    %get3A_4 = vector.load %arg2[%get3A_2, %get3A_3] : memref<2048x768xf32, #tpu.memory_space<vmem>>, vector<2048x768xf32>
    %add3A = arith.addf %get3A_1, %get3A_4 : vector<2048x768xf32>
    %reduce_sum3A = arith.constant dense<0.000000e+00> : vector<2048xf32>
    %reduce_sum3A_5 = vector.multi_reduction <add>, %add3A, %reduce_sum3A [1] : vector<2048x768xf32> to vector<2048xf32>
    %broadcast_in_dim3A = vector.shape_cast %reduce_sum3A_5 : vector<2048xf32> to vector<2048x1xf32>
    %div3A = arith.constant 7.680000e+02 : f32
    %div3A_6 = vector.broadcast %div3A : f32 to vector<2048x1xf32>
    %div3A_7 = arith.divf %broadcast_in_dim3A, %div3A_6 : vector<2048x1xf32>
    %mul3A = arith.mulf %add3A, %add3A : vector<2048x768xf32>
    %reduce_sum3A_8 = arith.constant dense<0.000000e+00> : vector<2048xf32>
    %reduce_sum3A_9 = vector.multi_reduction <add>, %mul3A, %reduce_sum3A_8 [1] : vector<2048x768xf32> to vector<2048xf32>
    %broadcast_in_dim3A_10 = vector.shape_cast %reduce_sum3A_9 : vector<2048xf32> to vector<2048x1xf32>
    %div3A_11 = arith.constant 7.680000e+02 : f32
    %div3A_12 = vector.broadcast %div3A_11 : f32 to vector<2048x1xf32>
    %div3A_13 = arith.divf %broadcast_in_dim3A_10, %div3A_12 : vector<2048x1xf32>
    %mul3A_14 = arith.mulf %div3A_7, %div3A_7 : vector<2048x1xf32>
    %sub3A = arith.subf %div3A_13, %mul3A_14 : vector<2048x1xf32>
    %add3A_15 = arith.constant 9.99999996E-13 : f32
    %add3A_16 = vector.broadcast %add3A_15 : f32 to vector<2048x1xf32>
    %add3A_17 = arith.addf %sub3A, %add3A_16 : vector<2048x1xf32>
    %sqrt3A = math.sqrt %add3A_17 : vector<2048x1xf32>
    %div3A_18 = arith.constant 1.000000e+00 : f32
    %div3A_19 = vector.broadcast %div3A_18 : f32 to vector<2048x1xf32>
    %div3A_20 = arith.divf %div3A_19, %sqrt3A : vector<2048x1xf32>
    %sub3A_21 = vector.broadcast %div3A_7 : vector<2048x1xf32> to vector<2048x768xf32>
    %sub3A_22 = arith.subf %add3A, %sub3A_21 : vector<2048x768xf32>
    %get3A_23 = arith.constant 0 : index
    %get3A_24 = arith.constant 0 : index
    %get3A_25 = vector.load %arg3[%get3A_23, %get3A_24] : memref<1x768xf32, #tpu.memory_space<vmem>>, vector<1x768xf32>
    %mul3A_26 = vector.broadcast %div3A_20 : vector<2048x1xf32> to vector<2048x768xf32>
    %mul3A_27 = vector.broadcast %get3A_25 : vector<1x768xf32> to vector<2048x768xf32>
    %mul3A_28 = arith.mulf %mul3A_26, %mul3A_27 : vector<2048x768xf32>
    %mul3A_29 = arith.mulf %sub3A_22, %mul3A_28 : vector<2048x768xf32>
    %get3A_30 = arith.constant 0 : index
    %get3A_31 = arith.constant 0 : index
    %get3A_32 = vector.load %arg4[%get3A_30, %get3A_31] : memref<1x768xf32, #tpu.memory_space<vmem>>, vector<1x768xf32>
    %add3A_33 = vector.broadcast %get3A_32 : vector<1x768xf32> to vector<2048x768xf32>
    %add3A_34 = arith.addf %mul3A_29, %add3A_33 : vector<2048x768xf32>
    %swap3A = arith.constant 0 : index
    %swap3A_35 = arith.constant 0 : index
    %swap3A_36 = vector.load %arg5[%swap3A, %swap3A_35] : memref<2048x768xf32, #tpu.memory_space<vmem>>, vector<2048x768xf32>
    tpu.vector_store %arg5[%swap3A, %swap3A_35], %add3A_34 {strides = array<i32>} : memref<2048x768xf32, #tpu.memory_space<vmem>>, vector<2048x768xf32>,
    return
  }
  func.func @transform_0(%arg0: i32) -> (i32, i32) {
    %c0_i32 = arith.constant 0 : i32
    %c0_i32_0 = arith.constant 0 : i32
    return %arg0, %c0_i32 : i32, i32
  }
  func.func @transform_1(%arg0: i32) -> (i32, i32) {
    %c0_i32 = arith.constant 0 : i32
    %c0_i32_0 = arith.constant 0 : i32
    %c0_i32_1 = arith.constant 0 : i32
    return %c0_i32, %c0_i32_0 : i32, i32
  }
  func.func @transform_2(%arg0: i32) -> (i32, i32) {
    %c0_i32 = arith.constant 0 : i32
    %c0_i32_0 = arith.constant 0 : i32
    %c0_i32_1 = arith.constant 0 : i32
    return %c0_i32, %c0_i32_0 : i32, i32
  }
  func.func @transform_3(%arg0: i32) -> (i32, i32) {
    %c0_i32 = arith.constant 0 : i32
    %c0_i32_0 = arith.constant 0 : i32
    %c0_i32_1 = arith.constant 0 : i32
    return %c0_i32, %c0_i32_0 : i32, i32
  }
  func.func @transform_4(%arg0: i32) -> (i32, i32) {
    %add3A = arith.constant 0 : i32
    %add3A_0 = arith.addi %add3A, %arg0 : i32
    %c0_i32 = arith.constant 0 : i32
    %c0_i32_1 = arith.constant 0 : i32
    return %add3A_0, %c0_i32 : i32, i32
  }
}

module attributes {stable_mosaic.version = 14 : i64} {
  func.func @body(%arg0: i32, %arg1: memref<2048x768xf32, #tpu.memory_space<vmem>>, %arg2: memref<2048x768xf32, #tpu.memory_space<vmem>>, %arg3: memref<1x768xf32, #tpu.memory_space<vmem>>, %arg4: memref<1x768xf32, #tpu.memory_space<vmem>>, %arg5: memref<32768x768xf32, #tpu.memory_space<any>>, %arg6: memref<2048x768xf32, #tpu.memory_space<vmem>>) attributes {dimension_semantics = [#tpu.dimension_semantics<arbitrary>], iteration_bounds = array<i64: 4>, scalar_prefetch = 0 : i64, scratch_operands = 0 : i64, tpu.core_type = #tpu.core_type<tc>, window_params = [{transform_indices = @transform_0, window_bounds = array<i64: 2048, 768>}, {pipeline_mode = #tpu.pipeline_mode<synchronous>, transform_indices = @transform_1, window_bounds = array<i64: 2048, 768>}, {pipeline_mode = #tpu.pipeline_mode<synchronous>, transform_indices = @transform_2, window_bounds = array<i64: 1, 768>}, {pipeline_mode = #tpu.pipeline_mode<synchronous>, transform_indices = @transform_3, window_bounds = array<i64: 1, 768>}, {}, {transform_indices = @transform_5, window_bounds = array<i64: 2048, 768>}]} {
    %get3A = arith.constant 0 : index
    %get3A_0 = arith.constant 0 : index
    %get3A_1 = vector.load %arg1[%get3A, %get3A_0] : memref<2048x768xf32, #tpu.memory_space<vmem>>, vector<2048x768xf32>
    %get3A_2 = arith.constant 0 : index
    %get3A_3 = arith.constant 0 : index
    %get3A_4 = vector.load %arg2[%get3A_2, %get3A_3] : memref<2048x768xf32, #tpu.memory_space<vmem>>, vector<2048x768xf32>
    %add3A = arith.addf %get3A_1, %get3A_4 : vector<2048x768xf32>
    %reduce_sum3A = arith.constant dense<0.000000e+00> : vector<2048xf32>
    %reduce_sum3A_5 = vector.multi_reduction <add>, %add3A, %reduce_sum3A [1] : vector<2048x768xf32> to vector<2048xf32>
    %broadcast_in_dim3A = vector.shape_cast %reduce_sum3A_5 : vector<2048xf32> to vector<2048x1xf32>
    %div3A = arith.constant 7.680000e+02 : f32
    %div3A_6 = vector.broadcast %div3A : f32 to vector<2048x1xf32>
    %div3A_7 = arith.divf %broadcast_in_dim3A, %div3A_6 : vector<2048x1xf32>
    %mul3A = arith.mulf %add3A, %add3A : vector<2048x768xf32>
    %reduce_sum3A_8 = arith.constant dense<0.000000e+00> : vector<2048xf32>
    %reduce_sum3A_9 = vector.multi_reduction <add>, %mul3A, %reduce_sum3A_8 [1] : vector<2048x768xf32> to vector<2048xf32>
    %broadcast_in_dim3A_10 = vector.shape_cast %reduce_sum3A_9 : vector<2048xf32> to vector<2048x1xf32>
    %div3A_11 = arith.constant 7.680000e+02 : f32
    %div3A_12 = vector.broadcast %div3A_11 : f32 to vector<2048x1xf32>
    %div3A_13 = arith.divf %broadcast_in_dim3A_10, %div3A_12 : vector<2048x1xf32>
    %mul3A_14 = arith.mulf %div3A_7, %div3A_7 : vector<2048x1xf32>
    %sub3A = arith.subf %div3A_13, %mul3A_14 : vector<2048x1xf32>
    %add3A_15 = arith.constant 9.99999996E-13 : f32
    %add3A_16 = vector.broadcast %add3A_15 : f32 to vector<2048x1xf32>
    %add3A_17 = arith.addf %sub3A, %add3A_16 : vector<2048x1xf32>
    %sqrt3A = math.sqrt %add3A_17 : vector<2048x1xf32>
    %div3A_18 = arith.constant 1.000000e+00 : f32
    %div3A_19 = vector.broadcast %div3A_18 : f32 to vector<2048x1xf32>
    %div3A_20 = arith.divf %div3A_19, %sqrt3A : vector<2048x1xf32>
    %sub3A_21 = vector.broadcast %div3A_7 : vector<2048x1xf32> to vector<2048x768xf32>
    %sub3A_22 = arith.subf %add3A, %sub3A_21 : vector<2048x768xf32>
    %get3A_23 = arith.constant 0 : index
    %get3A_24 = arith.constant 0 : index
    %get3A_25 = vector.load %arg3[%get3A_23, %get3A_24] : memref<1x768xf32, #tpu.memory_space<vmem>>, vector<1x768xf32>
    %mul3A_26 = vector.broadcast %div3A_20 : vector<2048x1xf32> to vector<2048x768xf32>
    %mul3A_27 = vector.broadcast %get3A_25 : vector<1x768xf32> to vector<2048x768xf32>
    %mul3A_28 = arith.mulf %mul3A_26, %mul3A_27 : vector<2048x768xf32>
    %mul3A_29 = arith.mulf %sub3A_22, %mul3A_28 : vector<2048x768xf32>
    %get3A_30 = arith.constant 0 : index
    %get3A_31 = arith.constant 0 : index
    %get3A_32 = vector.load %arg4[%get3A_30, %get3A_31] : memref<1x768xf32, #tpu.memory_space<vmem>>, vector<1x768xf32>
    %add3A_33 = vector.broadcast %get3A_32 : vector<1x768xf32> to vector<2048x768xf32>
    %add3A_34 = arith.addf %mul3A_29, %add3A_33 : vector<2048x768xf32>
    %swap3A = arith.constant 0 : index
    %swap3A_35 = arith.constant 0 : index
    %swap3A_36 = vector.load %arg6[%swap3A, %swap3A_35] : memref<2048x768xf32, #tpu.memory_space<vmem>>, vector<2048x768xf32>
    tpu.vector_store %arg6[%swap3A, %swap3A_35], %add3A_34 {strides = array<i32>} : memref<2048x768xf32, #tpu.memory_space<vmem>>, vector<2048x768xf32>,
    return
  }
  func.func @transform_0(%arg0: i32) -> (i32, i32) {
    %c0_i32 = arith.constant 0 : i32
    %c0_i32_0 = arith.constant 0 : i32
    return %arg0, %c0_i32 : i32, i32
  }
  func.func @transform_1(%arg0: i32) -> (i32, i32) {
    %c0_i32 = arith.constant 0 : i32
    %c0_i32_0 = arith.constant 0 : i32
    %c0_i32_1 = arith.constant 0 : i32
    return %c0_i32, %c0_i32_0 : i32, i32
  }
  func.func @transform_2(%arg0: i32) -> (i32, i32) {
    %c0_i32 = arith.constant 0 : i32
    %c0_i32_0 = arith.constant 0 : i32
    %c0_i32_1 = arith.constant 0 : i32
    return %c0_i32, %c0_i32_0 : i32, i32
  }
  func.func @transform_3(%arg0: i32) -> (i32, i32) {
    %c0_i32 = arith.constant 0 : i32
    %c0_i32_0 = arith.constant 0 : i32
    %c0_i32_1 = arith.constant 0 : i32
    return %c0_i32, %c0_i32_0 : i32, i32
  }
  func.func @transform_5(%arg0: i32) -> (i32, i32) {
    %add3A = arith.constant 8 : i32
    %add3A_0 = arith.addi %add3A, %arg0 : i32
    %c0_i32 = arith.constant 0 : i32
    %c0_i32_1 = arith.constant 0 : i32
    return %add3A_0, %c0_i32 : i32, i32
  }
}

module attributes {stable_mosaic.version = 14 : i64} {
  func.func @body(%arg0: i32, %arg1: memref<2048x768xf32, #tpu.memory_space<vmem>>, %arg2: memref<2048x768xf32, #tpu.memory_space<vmem>>, %arg3: memref<1x768xf32, #tpu.memory_space<vmem>>, %arg4: memref<1x768xf32, #tpu.memory_space<vmem>>, %arg5: memref<32768x768xf32, #tpu.memory_space<any>>, %arg6: memref<2048x768xf32, #tpu.memory_space<vmem>>) attributes {dimension_semantics = [#tpu.dimension_semantics<arbitrary>], iteration_bounds = array<i64: 4>, scalar_prefetch = 0 : i64, scratch_operands = 0 : i64, tpu.core_type = #tpu.core_type<tc>, window_params = [{transform_indices = @transform_0, window_bounds = array<i64: 2048, 768>}, {pipeline_mode = #tpu.pipeline_mode<synchronous>, transform_indices = @transform_1, window_bounds = array<i64: 2048, 768>}, {pipeline_mode = #tpu.pipeline_mode<synchronous>, transform_indices = @transform_2, window_bounds = array<i64: 1, 768>}, {pipeline_mode = #tpu.pipeline_mode<synchronous>, transform_indices = @transform_3, window_bounds = array<i64: 1, 768>}, {}, {transform_indices = @transform_5, window_bounds = array<i64: 2048, 768>}]} {
    %get3A = arith.constant 0 : index
    %get3A_0 = arith.constant 0 : index
    %get3A_1 = vector.load %arg1[%get3A, %get3A_0] : memref<2048x768xf32, #tpu.memory_space<vmem>>, vector<2048x768xf32>
    %get3A_2 = arith.constant 0 : index
    %get3A_3 = arith.constant 0 : index
    %get3A_4 = vector.load %arg2[%get3A_2, %get3A_3] : memref<2048x768xf32, #tpu.memory_space<vmem>>, vector<2048x768xf32>
    %add3A = arith.addf %get3A_1, %get3A_4 : vector<2048x768xf32>
    %reduce_sum3A = arith.constant dense<0.000000e+00> : vector<2048xf32>
    %reduce_sum3A_5 = vector.multi_reduction <add>, %add3A, %reduce_sum3A [1] : vector<2048x768xf32> to vector<2048xf32>
    %broadcast_in_dim3A = vector.shape_cast %reduce_sum3A_5 : vector<2048xf32> to vector<2048x1xf32>
    %div3A = arith.constant 7.680000e+02 : f32
    %div3A_6 = vector.broadcast %div3A : f32 to vector<2048x1xf32>
    %div3A_7 = arith.divf %broadcast_in_dim3A, %div3A_6 : vector<2048x1xf32>
    %mul3A = arith.mulf %add3A, %add3A : vector<2048x768xf32>
    %reduce_sum3A_8 = arith.constant dense<0.000000e+00> : vector<2048xf32>
    %reduce_sum3A_9 = vector.multi_reduction <add>, %mul3A, %reduce_sum3A_8 [1] : vector<2048x768xf32> to vector<2048xf32>
    %broadcast_in_dim3A_10 = vector.shape_cast %reduce_sum3A_9 : vector<2048xf32> to vector<2048x1xf32>
    %div3A_11 = arith.constant 7.680000e+02 : f32
    %div3A_12 = vector.broadcast %div3A_11 : f32 to vector<2048x1xf32>
    %div3A_13 = arith.divf %broadcast_in_dim3A_10, %div3A_12 : vector<2048x1xf32>
    %mul3A_14 = arith.mulf %div3A_7, %div3A_7 : vector<2048x1xf32>
    %sub3A = arith.subf %div3A_13, %mul3A_14 : vector<2048x1xf32>
    %add3A_15 = arith.constant 9.99999996E-13 : f32
    %add3A_16 = vector.broadcast %add3A_15 : f32 to vector<2048x1xf32>
    %add3A_17 = arith.addf %sub3A, %add3A_16 : vector<2048x1xf32>
    %sqrt3A = math.sqrt %add3A_17 : vector<2048x1xf32>
    %div3A_18 = arith.constant 1.000000e+00 : f32
    %div3A_19 = vector.broadcast %div3A_18 : f32 to vector<2048x1xf32>
    %div3A_20 = arith.divf %div3A_19, %sqrt3A : vector<2048x1xf32>
    %sub3A_21 = vector.broadcast %div3A_7 : vector<2048x1xf32> to vector<2048x768xf32>
    %sub3A_22 = arith.subf %add3A, %sub3A_21 : vector<2048x768xf32>
    %get3A_23 = arith.constant 0 : index
    %get3A_24 = arith.constant 0 : index
    %get3A_25 = vector.load %arg3[%get3A_23, %get3A_24] : memref<1x768xf32, #tpu.memory_space<vmem>>, vector<1x768xf32>
    %mul3A_26 = vector.broadcast %div3A_20 : vector<2048x1xf32> to vector<2048x768xf32>
    %mul3A_27 = vector.broadcast %get3A_25 : vector<1x768xf32> to vector<2048x768xf32>
    %mul3A_28 = arith.mulf %mul3A_26, %mul3A_27 : vector<2048x768xf32>
    %mul3A_29 = arith.mulf %sub3A_22, %mul3A_28 : vector<2048x768xf32>
    %get3A_30 = arith.constant 0 : index
    %get3A_31 = arith.constant 0 : index
    %get3A_32 = vector.load %arg4[%get3A_30, %get3A_31] : memref<1x768xf32, #tpu.memory_space<vmem>>, vector<1x768xf32>
    %add3A_33 = vector.broadcast %get3A_32 : vector<1x768xf32> to vector<2048x768xf32>
    %add3A_34 = arith.addf %mul3A_29, %add3A_33 : vector<2048x768xf32>
    %swap3A = arith.constant 0 : index
    %swap3A_35 = arith.constant 0 : index
    %swap3A_36 = vector.load %arg6[%swap3A, %swap3A_35] : memref<2048x768xf32, #tpu.memory_space<vmem>>, vector<2048x768xf32>
    tpu.vector_store %arg6[%swap3A, %swap3A_35], %add3A_34 {strides = array<i32>} : memref<2048x768xf32, #tpu.memory_space<vmem>>, vector<2048x768xf32>,
    return
  }
  func.func @transform_0(%arg0: i32) -> (i32, i32) {
    %c0_i32 = arith.constant 0 : i32
    %c0_i32_0 = arith.constant 0 : i32
    return %arg0, %c0_i32 : i32, i32
  }
  func.func @transform_1(%arg0: i32) -> (i32, i32) {
    %c0_i32 = arith.constant 0 : i32
    %c0_i32_0 = arith.constant 0 : i32
    %c0_i32_1 = arith.constant 0 : i32
    return %c0_i32, %c0_i32_0 : i32, i32
  }
  func.func @transform_2(%arg0: i32) -> (i32, i32) {
    %c0_i32 = arith.constant 0 : i32
    %c0_i32_0 = arith.constant 0 : i32
    %c0_i32_1 = arith.constant 0 : i32
    return %c0_i32, %c0_i32_0 : i32, i32
  }
  func.func @transform_3(%arg0: i32) -> (i32, i32) {
    %c0_i32 = arith.constant 0 : i32
    %c0_i32_0 = arith.constant 0 : i32
    %c0_i32_1 = arith.constant 0 : i32
    return %c0_i32, %c0_i32_0 : i32, i32
  }
  func.func @transform_5(%arg0: i32) -> (i32, i32) {
    %add3A = arith.constant 12 : i32
    %add3A_0 = arith.addi %add3A, %arg0 : i32
    %c0_i32 = arith.constant 0 : i32
    %c0_i32_1 = arith.constant 0 : i32
    return %add3A_0, %c0_i32 : i32, i32
  }
}

</mosaic_0001>

<sc_bundles>
// kernel: kernel.10.cloned.1.call-start
scs
__scs_entry_jumppad:
0x0: {  	(pc) =	sbr.rel $0x88, $3  }
0x1: {  	(tag) =	ssettag $0x0;
	lr =	simm.s32 $0x1  }
0x2: {  	[smem:$0x3F9B] =	sst lr;
	_ =	strace $0xD0000000  }
0x3: {  	_ = 	snop  }
0x4: {  	_ = 	snop  }
0x5: {  	_ = 	snop  }
0x6: {  	_ = 	snop  }
0x7: {  	_ = 	snop  }
__scs_overlays_trampoline_lowered:
0x8: {  	[smem:$0x3FAA] =	sst s0  }
0x9: {  	[smem:$0x3FAB] =	sst s1  }
0xa: {  	[smem:$0x3FAC] =	sst s2  }
0xb: {  	[smem:$0x3FAD] =	sst s3  }
0xc: {  	[smem:$0x3FAE] =	sst s4  }
0xd: {  	[smem:$0x3FAF] =	sst s5  }
0xe: {  	[smem:$0x3FB0] =	sst s6  }
0xf: {  	[smem:$0x3FB1] =	sst s7  }
0x10: {  	[smem:$0x3FB2] =	sst s8  }
0x11: {  	[smem:$0x3FB3] =	sst s9;
	s0 =	simm.s32 @!p0 $0x0  }
0x12: {  	s1 =	sld [smem:$0x3F99];
	s0 =	simm.s32 @p0 $0x1  }
0x13: {  	[smem:$0x3FB4] =	sst s0;
	s0 =	simm.s32 @!p1 $0x0  }
0x14: {  	s2 =	sld [smem:$0x3F98];
	s0 =	simm.s32 @p1 $0x1  }
0x15: {  	[smem:$0x3FB5] =	sst s0;
	s0 =	simm.s32 @!p2 $0x0  }
0x16: {  	s3 =	sld [smem:$0x3FDB];
	s0 =	simm.s32 @p2 $0x1  }
0x17: {  	s4 =	simm.s32 $0x1BF5;
	[smem:$0x3FB7] =	sst s0  }
0x18: {  	s0 =	sld [smem:$0x3F9A];
	_ =	swait.ge [sflag:s4], $0x0  }
0x19: {  	s7 =	sld [smem:$0x3F9B]  }
0x1a: {  	s8 =	sadd.s32 $0xFFFFE003, lr  }
0x1b: {  	s9 =	sadd.s32 $0xFFFFFEF7, lr;
	s5 =	simm.s32 $0xFFFFFFFF;
	p2 =	slt.u32 s8, $0xFFFFF086  }
0x1c: {  	p1 =	slt.u32 s9, $0xF7A;
	s5 =	simm.s32 @!p2 $0x0  }
0x1d: {  	s5 =	simm.s32 @p1 $0x1;
	p0 =	seq.s32 s7, s2  }
0x1e: {  	s7 =	smul.u32 @!p0 $0xF7A, s2;
	p2 =	seq.s32 @!p0 s5, $0x0  }
0x1f: {  	s9 =	smul.u32 $0xF7A, s1;
	s8 =	simm.s32 @!p0 $0x1BF5;
	p2 =	por !p2, p0  }
0x20: {  	[sflag:s8] =	ssyncset.s32 @!p0 $0xFFFFF086;
	s6 =	sadd.s32 @!p0 s3, s7;
	s7 =	simm.s32 @!p0 $0x108  }
0x21: {  	s3 =	sadd.s32 s3, s9;
	s6 =	sadd.s32 @!p0 $0x88, s6;
	s7 =	simm.s32 @p2 $0x1082  }
0x22: {  	[simem:s7], [sflag:s8] =	dma.local @!p0 [hbm:s6], $0xF7A  }
0x23: {  	s9 =	sor.u32 $0xD0000000, s2;
	s6 =	simm.s32 $0x108;
	_ =	swait.ge @!p0 [sflag:s8], $0x0  }
0x24: {  	s3 =	sadd.s32 $0x88, s3;
	s6 =	simm.s32 @!p1 $0x1082;
	[sflag:s4] =	ssyncset.s32 $0xFFFFF086  }
0x25: {  	[simem:s6], [sflag:s4] =	dma.local [hbm:s3], $0xF7A  }
0x26: {  	[smem:$0x3F9B] =	sst s1;
	(tag) =	ssettag s2;
	_ =	strace s9  }
0x27: {  	s1 =	sld [smem:$0x3FAB]  }
0x28: {  	s2 =	sld [smem:$0x3FAC]  }
0x29: {  	s4 =	sld [smem:$0x3FAE]  }
0x2a: {  	p0 =	seq.s32 s5, $0x0;
	s5 =	sld [smem:$0x3FAF]  }
0x2b: {  	s6 =	sld [smem:$0x3FB0]  }
0x2c: {  	s7 =	sld [smem:$0x3FB1]  }
0x2d: {  	s3 =	simm.s32 $0x108;
	s8 =	sld [smem:$0x3FB2]  }
0x2e: {  	s3 =	simm.s32 @!p0 $0x1082;
	s9 =	sld [smem:$0x3FB3]  }
0x2f: {  	lr =	sadd.s32 s0, s3;
	s0 =	sld [smem:$0x3FAA]  }
0x30: {  	s3 =	sld [smem:$0x3FAD]  }
0x31: {  	[smem:$0x3FB6] =	sst s10  }
0x32: {  	s10 =	sld [smem:$0x3FB4];
	_ =	sdelay $0x3  }
0x33: {  	p0 =	seq.s32 s10, $0x1;
	s10 =	sld [smem:$0x3FB6];
	_ =	sdelay $0x3  }
0x34: {  	[smem:$0x3FB6] =	sst s10  }
0x35: {  	s10 =	sld [smem:$0x3FB5];
	_ =	sdelay $0x3  }
0x36: {  	p1 =	seq.s32 s10, $0x1;
	s10 =	sld [smem:$0x3FB6];
	_ =	sdelay $0x3  }
0x37: {  	[smem:$0x3FB6] =	sst s10  }
0x38: {  	s10 =	sld [smem:$0x3FB7]  }
0x39: {  	_ = 	snop;
	(pc) =	sbr.ind lr, $3  }
0x3a: {  	_ = 	snop  }
0x3b: {  	_ = 	snop  }
0x3c: {  	p2 =	seq.s32 s10, $0x1;
	s10 =	sld [smem:$0x3FB6]  }
0x3d: {  	_ =	shalt  }
0x3e: {  	_ =	shalt  }
0x3f: {  	_ =	shalt  }
0x40: {  	_ =	shalt  }
0x41: {  	_ =	shalt  }
0x42: {  	_ =	shalt  }
0x43: {  	_ =	shalt  }
0x44: {  	_ =	shalt  }
0x45: {  	_ =	shalt  }
0x46: {  	_ =	shalt  }
0x47: {  	_ =	shalt  }
0x48: {  	_ =	shalt  }
0x49: {  	_ =	shalt  }
0x4a: {  	_ =	shalt  }
0x4b: {  	_ =	shalt  }
0x4c: {  	_ =	shalt  }
0x4d: {  	_ =	shalt  }
0x4e: {  	_ =	shalt  }
0x4f: {  	_ =	shalt  }
0x50: {  	_ =	shalt  }
0x51: {  	_ =	shalt  }
0x52: {  	_ =	shalt  }
0x53: {  	_ =	shalt  }
0x54: {  	_ =	shalt  }
0x55: {  	_ =	shalt  }
0x56: {  	_ =	shalt  }
0x57: {  	_ =	shalt  }
0x58: {  	_ =	shalt  }
0x59: {  	_ =	shalt  }
0x5a: {  	_ =	shalt  }
0x5b: {  	_ =	shalt  }
0x5c: {  	_ =	shalt  }
0x5d: {  	_ =	shalt  }
0x5e: {  	_ =	shalt  }
0x5f: {  	_ =	shalt  }
0x60: {  	_ =	shalt  }
0x61: {  	_ =	shalt  }
0x62: {  	_ =	shalt  }
0x63: {  	_ =	shalt  }
0x64: {  	_ =	shalt  }
0x65: {  	_ =	shalt  }
0x66: {  	_ =	shalt  }
0x67: {  	_ =	shalt  }
0x68: {  	_ =	shalt  }
0x69: {  	_ =	shalt  }
0x6a: {  	_ =	shalt  }
0x6b: {  	_ =	shalt  }
0x6c: {  	_ =	shalt  }
0x6d: {  	_ =	shalt  }
0x6e: {  	_ =	shalt  }
0x6f: {  	_ =	shalt  }
0x70: {  	_ =	shalt  }
0x71: {  	_ =	shalt  }
0x72: {  	_ =	shalt  }
0x73: {  	_ =	shalt  }
0x74: {  	_ =	shalt  }
0x75: {  	_ =	shalt  }
0x76: {  	_ =	shalt  }
0x77: {  	_ =	shalt  }
0x78: {  	_ =	shalt  }
0x79: {  	_ =	shalt  }
0x7a: {  	_ =	shalt  }
0x7b: {  	_ =	shalt  }
0x7c: {  	_ =	shalt  }
0x7d: {  	_ =	shalt  }
0x7e: {  	_ =	shalt  }
0x7f: {  	_ =	shalt  }
0x80: {  	_ =	shalt  }
0x81: {  	_ =	shalt  }
0x82: {  	_ =	shalt  }
0x83: {  	_ =	shalt  }
0x84: {  	_ =	shalt  }
0x85: {  	_ =	shalt  }
0x86: {  	_ =	shalt  }
0x87: {  	_ =	shalt  }
.Lfunc_end0:
.L_simem_size_0:
called_computation_lowered:
.L_overlay_start_0:
0x88: {  	s2 =	sld [smem:$0x3FD9]  }
0x89: {  	s3 =	sld [smem:$0x3FFE];
	_ =	sdelay $0x1  }
0x8a: {  	s1 =	srdreg.scid  }
0x8b: {  	s0 =	sand.u32 $0x1, s1  }
0x8c: {  	s17 =	sshll.u32 s0, $0xA;
	s2 =	sadd.s32 s3, s2  }
0x8d: {  	s2 =	sadd.s32 s2, s17  }
0x8e: {  	[smem:$0x3FC2] =	sst s2  }
0x8f: {  	_ = 	snop  }
0x90: {  	s2 =	sld [smem:$0x3FC8]  }
0x91: {  	s18 =	sld [smem:$0x3FD0];
	(tm) =	ssettm $0x1  }
0x92: {  	s4 =	sld [smem:$0x3FFB];
	_ =	sdelay $0x3  }
0x93: {  	_ =	strace s4  }
0x94: {  	s4 =	sld [smem:$0x3FFC];
	_ =	sdelay $0x3  }
0x95: {  	_ =	strace s4  }
0x96: {  	s4 =	sld [smem:$0x3FFD];
	_ =	sdelay $0x3  }
0x97: {  	_ =	strace s4  }
0x98: {  	_ =	strace $0x8FFFFFFF  }
0x99: {  	s19 =	sld [smem:$0x3FDB];
	_ =	sdelay $0x1  }
0x9a: {  	s5 =	simm.s32 $_scs_section_size  }
0x9b: {  	s6 =	simm.s32 $_size__tile_overlayer_lowered;
	s7 =	simm.s32 $_tile_overlayer_lowered  }
0x9c: {  	s22 =	simm.s32 $0x1BFF;
	s21 =	sshll.u32 s7, $0x1;
	s4 =	sadd.s32 s5, s19  }
0x9d: {  	s8 =	simm.s32 $0x0;
	s20 =	sshll.u32 s6, $0x1;
	s6 =	sadd.s32 s21, s4  }
0x9e: {  	[timem:s8], [sflag:s22] =	dma.local [hbm:s6], s20  }
0x9f: {  	_ =	swait.ge [sflag:s22], s20  }
0xa0: {  	s5 =	ssub.s32 $0x0, s20;
	[sflag:s22] =	ssyncset.done $0x0  }
0xa1: {  	[sflag:s22] =	ssyncadd.s32 s5;
	_ =	sdelay $0x1  }
0xa2: {  	s23 =	simm.s32 $0x1B8B  }
0xa3: {  	_ =	swait.ge [sflag:s23], $0x1  }
0xa4: {  	[sflag:s23] =	ssyncset.done $0x0  }
0xa5: {  	s25 =	simm.s32 $0x1B8E;
	s24 =	sld [smem:$0x3FFE];
	[sflag:s23] =	ssyncadd.s32 $0xFFFFFFFF  }
0xa6: {  	s26 =	simm.s32 $execute0_lowered;
	[smem:$0x3FD2] =	sst s25  }
0xa7: {  	s6 =	sshll.u32 s26, $0x1;
	_ =	strace $0x80000046;
	[dreg:$0x1] =	wrdreg $0xFFFFFFFF  }
0xa8: {  	s28 =	simm.s32 $_size_execute0_lowered;
	s4 =	sadd.s32 s4, s6;
	[dreg:$0x0] =	wrdreg $0x0  }
0xa9: {  	s6 =	sshll.u32 s28, $0x1;
	[dreg:$0x2] =	wrdreg s4  }
0xaa: {  	[dreg:$0x3] =	wrdreg s6  }
0xab: {  	[dreg:$0x4] =	wrdreg $0xC0  }
0xac: {  	_ =	task [dreg:s8], $0x5FFFF  }
0xad: {  	[dreg:$0x1] =	wrdreg $0xFFFFFFFF  }
0xae: {  	[dreg:$0x0] =	wrdreg $0x60  }
0xaf: {  	[dreg:$0x2] =	wrdreg s2  }
0xb0: {  	[dreg:$0x3] =	wrdreg s18  }
0xb1: {  	[dreg:$0x4] =	wrdreg s24  }
0xb2: {  	[dreg:$0x5] =	wrdreg $0x9  }
0xb3: {  	_ =	task.clear_ibuf [dreg:s8], $0x6FFFF;
	_ =	strace $0x90000046  }
0xb4: {  	s29 =	simm.s32 $0x9;
	_ =	strace $0x80000048  }
0xb5: {  	_ =	swait.ge [sflag:s29], $0x1  }
0xb6: {  	[sflag:s29] =	ssyncadd.s32 $0xFFFFFFFF  }
0xb7: {  	_ =	strace $0x90000048  }
0xb8: {  	_ =	sfence  }
0xb9: {  	s30 =	sld [smem:$0x0];
	_ =	sdelay $0x2  }
0xba: {  	s31 =	sshll.u32 s1, $0xD;
	s1 =	sshrl.u32 s1, $0x2  }
0xbb: {  	s3 =	sand.u32 $0x4000, s31;
	s1 =	sadd.s32 s1, s30  }
0xbc: {  	s0 =	sor.u32 s3, s0;
	s1 =	sshll.u32 s1, $0x11  }
0xbd: {  	s0 =	sor.u32 s1, s0  }
0xbe: {  	s0 =	sadd.s32 $0x8F2B, s0  }
0xbf: {  	[sflag:s0] =	ssyncadd.remote.s32 $0x1  }
0xc0: {  	_ =	sfence.sel $0xFFFF  }
0xc1: {  	[dreg:$0x0] =	wrdreg $0xFFFFFFFF;
	(pc) =	sbr.abs _section_cstart, $3  }
0xc2: {  	[dreg:$0x1] =	wrdreg $0xFFFFFFFF  }
0xc3: {  	_ =	task.clear_ibuf [dreg:s8], $0x2FFFF;
	_ =	strace $0x9FFFFFFF  }
0xc4: {  	(tm) =	ssettm $0x7FFFFFFF  }
0xc5: {  	_ =	shalt  }
tec
execute0_lowered:
.L_overlay_start_1:
0x0: {  	(tag) =	ssettag $0x1  }
0x1: {  	s1 =	rddreg [dreg:$0x0]  }
0x2: {  	s0 =	srdreg.scid;
	s2 =	rddreg [dreg:$0x1]  }
0x3: {  	s3 =	stileid.u32;
	s5 =	rddreg [dreg:$0x2];
	s15 =	simm.s32 $0x900  }
0x4: {  	s16 =	simm.s32 $0x1100;
	s17 =	simm.s32 $0x1900;
	s18 =	simm.s32 $0x2100  }
0x5: {  	s19 =	simm.s32 $0x2900;
	s20 =	simm.s32 $0x3100;
	s21 =	simm.s32 $0x3900  }
0x6: {  	s28 =	simm.s32 $0x6900;
	s29 =	simm.s32 $0x7100;
	s30 =	simm.s32 $0x7900  }
0x7: {  	s31 =	simm.s32 $0x8100;
	s9 =	simm.s32 $0xA100;
	s10 =	simm.s32 $0xB100  }
0x8: {  	s11 =	simm.s32 $0xB900;
	s12 =	simm.s32 $0xC100;
	s0 =	sand.u32 $0x1, s0  }
0x9: {  	s13 =	simm.s32 $0x1;
	s3 =	sshll.u32 s3, $0x6;
	s4 =	sshll.u32 s0, $0x5  }
0xa: {  	s5 =	sadd.s32 $0x1800, s5;
	s0 =	ssub.s32 $0x2, s0;
	s4 =	sor.u32 s4, s3  }
0xb: {  	s3 =	simm.s32 $0x0;
	s24 =	sshrl.u32 s0, $0x1;
	s6 =	smul.u32 $0x300, s4  }
0xc: {  	[smem:$0x7FF] =	sst s3;
	s7 =	smul.u32 $0x1800, s4;
	s2 =	sadd.s32 s2, s4  }
0xd: {  	s0 =	ssub.s32 s0, s24;
	s24 =	simm.s32 $0x5100;
	_ =	strace $0x80000047  }
0xe: {  	[dreg:$0x4] =	wrdreg s2;
	s8 =	smax.u32 s0, $0x1;
	s6 =	sadd.s32 s5, s6  }
0xf: {  	s22 =	sshrl.u32 s7, $0x3;
	[dreg:$0x8] =	wrdreg s6;
	s23 =	sadd.s32 $0x1800, s6  }
0x10: {  	s4 =	sadd.s32 s5, s22;
	s5 =	sadd.s32 $0x100, s1;
	s6 =	sadd.s32 $0x200, s1  }
0x11: {  	v2 =	vlaneseq.u32;
	s22 =	simm.s32 $0x4100;
	[dreg:$0x5] =	wrdreg s23;
	s25 =	sadd.s32 $0x3000, s4  }
0x12: {  	vm0 =	vmmov $0xffff;
	v1 =	vshrl.u32 v2, $0x3;
	s26 =	sadd.s32 $0x4800, s4;
	s23 =	simm.s32 $0x4900;
	[dreg:$0x6] =	wrdreg s25  }
0x13: {  	v0 =	vand.u32 $0x7, v2;
	v2 =	vor.u32 $0x8, v2;
	v1 =	vmul.u32 $0x8, v1;
	[dreg:$0x7] =	wrdreg s26;
	s25 =	simm.s32 $0x5900;
	s26 =	simm.s32 $0x6100  }
.LBB2_1:
0x14: {  	s14 =	rddreg [dreg:$0x4];
	s0 =	simm.s32 $0x5  }
0x15: {  	[tilespmem:s3], [sflag:$0x5] =	stream.linear.gather [hbm4b:s14+s3], $0x100, $0x38;
	[tilespmem:$0x18100] =	vst v63  }
0x16: {  	_ =	swait.ge [sflag:s0], $0x100  }
0x17: {  	[sflag:s0] =	ssyncset.done $0x0  }
0x18: {  	[sflag:s0] =	ssyncadd.s32 $0xFFFFFF00  }
0x19: {  	v3 =	vld [tilespmem:$0x0];
	_ =	sdelay $0x4  }
0x1a: {  	v4 =	vshrl.u32 v3, $0x3  }
0x1b: {  	v4 =	vmul.u32 $0x30, v4  }
0x1c: {  	v3 =	vand.u32 $0x7, v3  }
0x1d: {  	v3 =	vor.u32 v3, v4  }
0x1e: {  	v4 =	vperm.xlane v3, v0;
	_ =	sdelay $0x1  }
0x1f: {  	v4 =	vadd.s32 v1, v4;
	_ =	sdelay $0x3  }
0x20: {  	s2 =	simm.s32 $0x100;
	v3 =	vperm.xlane v3, v2  }
0x21: {  	[tilespmem:s2], [sflag:$0x1] =	stream.indirect_vreg.gather [hbm4b:s1+s3], $0x80, v4, vm0, $0xb8;
	[tilespmem:$0x18100] =	vst v63  }
0x22: {  	v3 =	vadd.s32 v1, v3  }
0x23: {  	[tilespmem:s15], [sflag:$0x1] =	stream.indirect_vreg.gather [hbm4b:s5+s3], $0x80, v4, vm0, $0xb8;
	[tilespmem:$0x18100] =	vst v63  }
0x24: {  	_ = 	snop  }
0x25: {  	[tilespmem:s16], [sflag:$0x1] =	stream.indirect_vreg.gather [hbm4b:s6+s3], $0x80, v4, vm0, $0xb8;
	[tilespmem:$0x18100] =	vst v63  }
0x26: {  	_ = 	snop  }
0x27: {  	[tilespmem:s17], [sflag:$0x1] =	stream.indirect_vreg.gather [hbm4b:s1+s3], $0x80, v3, vm0, $0xb8;
	[tilespmem:$0x18100] =	vst v63  }
0x28: {  	_ = 	snop  }
0x29: {  	[tilespmem:s18], [sflag:$0x1] =	stream.indirect_vreg.gather [hbm4b:s5+s3], $0x80, v3, vm0, $0xb8;
	[tilespmem:$0x18100] =	vst v63  }
0x2a: {  	_ = 	snop  }
0x2b: {  	[tilespmem:s19], [sflag:$0x1] =	stream.indirect_vreg.gather [hbm4b:s6+s3], $0x80, v3, vm0, $0xb8;
	[tilespmem:$0x18100] =	vst v63  }
0x2c: {  	v3 =	vld [tilespmem:$0x10];
	_ =	sdelay $0x4  }
0x2d: {  	v49 =	vshrl.u32 v3, $0x3  }
0x2e: {  	v4 =	vmul.u32 $0x30, v49  }
0x2f: {  	v3 =	vand.u32 $0x7, v3  }
0x30: {  	v3 =	vor.u32 v3, v4  }
0x31: {  	v4 =	vperm.xlane v3, v0;
	_ =	sdelay $0x1  }
0x32: {  	v4 =	vadd.s32 v1, v4;
	_ =	sdelay $0x3  }
0x33: {  	v3 =	vperm.xlane v3, v2  }
0x34: {  	[tilespmem:s20], [sflag:$0x1] =	stream.indirect_vreg.gather [hbm4b:s1+s3], $0x80, v4, vm0, $0xb8;
	[tilespmem:$0x18100] =	vst v63  }
0x35: {  	v3 =	vadd.s32 v1, v3  }
0x36: {  	[tilespmem:s21], [sflag:$0x1] =	stream.indirect_vreg.gather [hbm4b:s5+s3], $0x80, v4, vm0, $0xb8;
	[tilespmem:$0x18100] =	vst v63  }
0x37: {  	_ = 	snop  }
0x38: {  	[tilespmem:s22], [sflag:$0x1] =	stream.indirect_vreg.gather [hbm4b:s6+s3], $0x80, v4, vm0, $0xb8;
	[tilespmem:$0x18100] =	vst v63  }
0x39: {  	_ = 	snop  }
0x3a: {  	[tilespmem:s23], [sflag:$0x1] =	stream.indirect_vreg.gather [hbm4b:s1+s3], $0x80, v3, vm0, $0xb8;
	[tilespmem:$0x18100] =	vst v63  }
0x3b: {  	_ = 	snop  }
0x3c: {  	[tilespmem:s24], [sflag:$0x1] =	stream.indirect_vreg.gather [hbm4b:s5+s3], $0x80, v3, vm0, $0xb8;
	[tilespmem:$0x18100] =	vst v63  }
0x3d: {  	_ = 	snop  }
0x3e: {  	[tilespmem:s25], [sflag:$0x1] =	stream.indirect_vreg.gather [hbm4b:s6+s3], $0x80, v3, vm0, $0xb8;
	[tilespmem:$0x18100] =	vst v63  }
0x3f: {  	v3 =	vld [tilespmem:$0x20];
	_ =	sdelay $0x4  }
0x40: {  	v50 =	vshrl.u32 v3, $0x3  }
0x41: {  	v4 =	vmul.u32 $0x30, v50  }
0x42: {  	v3 =	vand.u32 $0x7, v3  }
0x43: {  	v3 =	vor.u32 v3, v4  }
0x44: {  	v4 =	vperm.xlane v3, v0;
	_ =	sdelay $0x1  }
0x45: {  	v4 =	vadd.s32 v1, v4;
	_ =	sdelay $0x3  }
0x46: {  	v3 =	vperm.xlane v3, v2  }
0x47: {  	[tilespmem:s26], [sflag:$0x1] =	stream.indirect_vreg.gather [hbm4b:s1+s3], $0x80, v4, vm0, $0xb8;
	[tilespmem:$0x18100] =	vst v63  }
0x48: {  	v3 =	vadd.s32 v1, v3  }
0x49: {  	[tilespmem:s28], [sflag:$0x1] =	stream.indirect_vreg.gather [hbm4b:s5+s3], $0x80, v4, vm0, $0xb8;
	[tilespmem:$0x18100] =	vst v63  }
0x4a: {  	_ = 	snop  }
0x4b: {  	[tilespmem:s29], [sflag:$0x1] =	stream.indirect_vreg.gather [hbm4b:s6+s3], $0x80, v4, vm0, $0xb8;
	[tilespmem:$0x18100] =	vst v63  }
0x4c: {  	_ = 	snop  }
0x4d: {  	[tilespmem:s30], [sflag:$0x1] =	stream.indirect_vreg.gather [hbm4b:s1+s3], $0x80, v3, vm0, $0xb8;
	[tilespmem:$0x18100] =	vst v63  }
0x4e: {  	_ = 	snop  }
0x4f: {  	[tilespmem:s31], [sflag:$0x1] =	stream.indirect_vreg.gather [hbm4b:s5+s3], $0x80, v3, vm0, $0xb8;
	[tilespmem:$0x18100] =	vst v63  }
0x50: {  	s2 =	simm.s32 $0x8900  }
0x51: {  	[tilespmem:s2], [sflag:$0x1] =	stream.indirect_vreg.gather [hbm4b:s6+s3], $0x80, v3, vm0, $0xb8;
	[tilespmem:$0x18100] =	vst v63  }
0x52: {  	v3 =	vld [tilespmem:$0x30];
	_ =	sdelay $0x4  }
0x53: {  	v51 =	vshrl.u32 v3, $0x3  }
0x54: {  	v4 =	vmul.u32 $0x30, v51  }
0x55: {  	v3 =	vand.u32 $0x7, v3  }
0x56: {  	v3 =	vor.u32 v3, v4  }
0x57: {  	v4 =	vperm.xlane v3, v0;
	_ =	sdelay $0x1  }
0x58: {  	v4 =	vadd.s32 v1, v4;
	_ =	sdelay $0x3  }
0x59: {  	s4 =	simm.s32 $0x9100;
	v3 =	vperm.xlane v3, v2  }
0x5a: {  	[tilespmem:s4], [sflag:$0x1] =	stream.indirect_vreg.gather [hbm4b:s1+s3], $0x80, v4, vm0, $0xb8;
	[tilespmem:$0x18100] =	vst v63  }
0x5b: {  	s7 =	simm.s32 $0x9900;
	v3 =	vadd.s32 v1, v3  }
0x5c: {  	[tilespmem:s7], [sflag:$0x1] =	stream.indirect_vreg.gather [hbm4b:s5+s3], $0x80, v4, vm0, $0xb8;
	[tilespmem:$0x18100] =	vst v63  }
0x5d: {  	_ = 	snop  }
0x5e: {  	[tilespmem:s9], [sflag:$0x1] =	stream.indirect_vreg.gather [hbm4b:s6+s3], $0x80, v4, vm0, $0xb8;
	[tilespmem:$0x18100] =	vst v63  }
0x5f: {  	s4 =	simm.s32 $0xA900  }
0x60: {  	[tilespmem:s4], [sflag:$0x1] =	stream.indirect_vreg.gather [hbm4b:s1+s3], $0x80, v3, vm0, $0xb8;
	[tilespmem:$0x18100] =	vst v63  }
0x61: {  	_ = 	snop  }
0x62: {  	[tilespmem:s10], [sflag:$0x1] =	stream.indirect_vreg.gather [hbm4b:s5+s3], $0x80, v3, vm0, $0xb8;
	[tilespmem:$0x18100] =	vst v63  }
0x63: {  	_ = 	snop  }
0x64: {  	[tilespmem:s11], [sflag:$0x1] =	stream.indirect_vreg.gather [hbm4b:s6+s3], $0x80, v3, vm0, $0xb8;
	[tilespmem:$0x18100] =	vst v63  }
0x65: {  	v3 =	vld [tilespmem:$0x40];
	_ =	sdelay $0x4  }
0x66: {  	v52 =	vshrl.u32 v3, $0x3  }
0x67: {  	v4 =	vmul.u32 $0x30, v52  }
0x68: {  	v3 =	vand.u32 $0x7, v3  }
0x69: {  	v3 =	vor.u32 v3, v4  }
0x6a: {  	v4 =	vperm.xlane v3, v0;
	_ =	sdelay $0x1  }
0x6b: {  	v4 =	vadd.s32 v1, v4;
	_ =	sdelay $0x3  }
0x6c: {  	v3 =	vperm.xlane v3, v2  }
0x6d: {  	[tilespmem:s12], [sflag:$0x2] =	stream.indirect_vreg.gather [hbm4b:s1+s3], $0x80, v4, vm0, $0xb8;
	[tilespmem:$0x18100] =	vst v63  }
0x6e: {  	s14 =	simm.s32 $0xC900;
	v3 =	vadd.s32 v1, v3  }
0x6f: {  	[tilespmem:s14], [sflag:$0x2] =	stream.indirect_vreg.gather [hbm4b:s5+s3], $0x80, v4, vm0, $0xb8;
	[tilespmem:$0x18100] =	vst v63  }
0x70: {  	s7 =	simm.s32 $0xD100  }
0x71: {  	[tilespmem:s7], [sflag:$0x2] =	stream.indirect_vreg.gather [hbm4b:s6+s3], $0x80, v4, vm0, $0xb8;
	[tilespmem:$0x18100] =	vst v63  }
0x72: {  	s14 =	simm.s32 $0xD900  }
0x73: {  	[tilespmem:s14], [sflag:$0x2] =	stream.indirect_vreg.gather [hbm4b:s1+s3], $0x80, v3, vm0, $0xb8;
	[tilespmem:$0x18100] =	vst v63  }
0x74: {  	s7 =	simm.s32 $0xE100  }
0x75: {  	[tilespmem:s7], [sflag:$0x2] =	stream.indirect_vreg.gather [hbm4b:s5+s3], $0x80, v3, vm0, $0xb8;
	[tilespmem:$0x18100] =	vst v63  }
0x76: {  	s14 =	simm.s32 $0xE900  }
0x77: {  	[tilespmem:s14], [sflag:$0x2] =	stream.indirect_vreg.gather [hbm4b:s6+s3], $0x80, v3, vm0, $0xb8;
	[tilespmem:$0x18100] =	vst v63  }
0x78: {  	v3 =	vld [tilespmem:$0x50];
	_ =	sdelay $0x4  }
0x79: {  	v53 =	vshrl.u32 v3, $0x3  }
0x7a: {  	v4 =	vmul.u32 $0x30, v53  }
0x7b: {  	v3 =	vand.u32 $0x7, v3  }
0x7c: {  	v3 =	vor.u32 v3, v4  }
0x7d: {  	v4 =	vperm.xlane v3, v0;
	_ =	sdelay $0x1  }
0x7e: {  	v4 =	vadd.s32 v1, v4;
	_ =	sdelay $0x3  }
0x7f: {  	s7 =	simm.s32 $0xF100;
	v3 =	vperm.xlane v3, v2  }
0x80: {  	[tilespmem:s7], [sflag:$0x2] =	stream.indirect_vreg.gather [hbm4b:s1+s3], $0x80, v4, vm0, $0xb8;
	[tilespmem:$0x18100] =	vst v63  }
0x81: {  	s14 =	simm.s32 $0xF900;
	v3 =	vadd.s32 v1, v3  }
0x82: {  	[tilespmem:s14], [sflag:$0x2] =	stream.indirect_vreg.gather [hbm4b:s5+s3], $0x80, v4, vm0, $0xb8;
	[tilespmem:$0x18100] =	vst v63  }
0x83: {  	s7 =	simm.s32 $0x10100  }
0x84: {  	[tilespmem:s7], [sflag:$0x2] =	stream.indirect_vreg.gather [hbm4b:s6+s3], $0x80, v4, vm0, $0xb8;
	[tilespmem:$0x18100] =	vst v63  }
0x85: {  	s14 =	simm.s32 $0x10900  }
0x86: {  	[tilespmem:s14], [sflag:$0x2] =	stream.indirect_vreg.gather [hbm4b:s1+s3], $0x80, v3, vm0, $0xb8;
	[tilespmem:$0x18100] =	vst v63  }
0x87: {  	s7 =	simm.s32 $0x11100  }
0x88: {  	[tilespmem:s7], [sflag:$0x2] =	stream.indirect_vreg.gather [hbm4b:s5+s3], $0x80, v3, vm0, $0xb8;
	[tilespmem:$0x18100] =	vst v63  }
0x89: {  	s14 =	simm.s32 $0x11900  }
0x8a: {  	[tilespmem:s14], [sflag:$0x2] =	stream.indirect_vreg.gather [hbm4b:s6+s3], $0x80, v3, vm0, $0xb8;
	[tilespmem:$0x18100] =	vst v63  }
0x8b: {  	v3 =	vld [tilespmem:$0x60];
	_ =	sdelay $0x4  }
0x8c: {  	v54 =	vshrl.u32 v3, $0x3  }
0x8d: {  	v4 =	vmul.u32 $0x30, v54  }
0x8e: {  	v3 =	vand.u32 $0x7, v3  }
0x8f: {  	v3 =	vor.u32 v3, v4  }
0x90: {  	v4 =	vperm.xlane v3, v0;
	_ =	sdelay $0x1  }
0x91: {  	v4 =	vadd.s32 v1, v4;
	_ =	sdelay $0x3  }
0x92: {  	s7 =	simm.s32 $0x12100;
	v3 =	vperm.xlane v3, v2  }
0x93: {  	[tilespmem:s7], [sflag:$0x2] =	stream.indirect_vreg.gather [hbm4b:s1+s3], $0x80, v4, vm0, $0xb8;
	[tilespmem:$0x18100] =	vst v63  }
0x94: {  	s14 =	simm.s32 $0x12900;
	v3 =	vadd.s32 v1, v3  }
0x95: {  	[tilespmem:s14], [sflag:$0x2] =	stream.indirect_vreg.gather [hbm4b:s5+s3], $0x80, v4, vm0, $0xb8;
	[tilespmem:$0x18100] =	vst v63  }
0x96: {  	s7 =	simm.s32 $0x13100  }
0x97: {  	[tilespmem:s7], [sflag:$0x2] =	stream.indirect_vreg.gather [hbm4b:s6+s3], $0x80, v4, vm0, $0xb8;
	[tilespmem:$0x18100] =	vst v63  }
0x98: {  	s14 =	simm.s32 $0x13900  }
0x99: {  	[tilespmem:s14], [sflag:$0x2] =	stream.indirect_vreg.gather [hbm4b:s1+s3], $0x80, v3, vm0, $0xb8;
	[tilespmem:$0x18100] =	vst v63  }
0x9a: {  	s7 =	simm.s32 $0x14100  }
0x9b: {  	[tilespmem:s7], [sflag:$0x2] =	stream.indirect_vreg.gather [hbm4b:s5+s3], $0x80, v3, vm0, $0xb8;
	[tilespmem:$0x18100] =	vst v63  }
0x9c: {  	s14 =	simm.s32 $0x14900  }
0x9d: {  	[tilespmem:s14], [sflag:$0x2] =	stream.indirect_vreg.gather [hbm4b:s6+s3], $0x80, v3, vm0, $0xb8;
	[tilespmem:$0x18100] =	vst v63  }
0x9e: {  	v3 =	vld [tilespmem:$0x70];
	_ =	sdelay $0x4  }
0x9f: {  	v55 =	vshrl.u32 v3, $0x3  }
0xa0: {  	v4 =	vmul.u32 $0x30, v55  }
0xa1: {  	v3 =	vand.u32 $0x7, v3  }
0xa2: {  	v3 =	vor.u32 v3, v4  }
0xa3: {  	v4 =	vperm.xlane v3, v0;
	_ =	sdelay $0x1  }
0xa4: {  	v4 =	vadd.s32 v1, v4;
	_ =	sdelay $0x3  }
0xa5: {  	s7 =	simm.s32 $0x15100;
	v3 =	vperm.xlane v3, v2  }
0xa6: {  	[tilespmem:s7], [sflag:$0x2] =	stream.indirect_vreg.gather [hbm4b:s1+s3], $0x80, v4, vm0, $0xb8;
	[tilespmem:$0x18100] =	vst v63  }
0xa7: {  	s14 =	simm.s32 $0x15900;
	v3 =	vadd.s32 v1, v3  }
0xa8: {  	[tilespmem:s14], [sflag:$0x2] =	stream.indirect_vreg.gather [hbm4b:s5+s3], $0x80, v4, vm0, $0xb8;
	[tilespmem:$0x18100] =	vst v63  }
0xa9: {  	s7 =	simm.s32 $0x16100  }
0xaa: {  	[tilespmem:s7], [sflag:$0x2] =	stream.indirect_vreg.gather [hbm4b:s6+s3], $0x80, v4, vm0, $0xb8;
	[tilespmem:$0x18100] =	vst v63  }
0xab: {  	s14 =	simm.s32 $0x16900  }
0xac: {  	[tilespmem:s14], [sflag:$0x2] =	stream.indirect_vreg.gather [hbm4b:s1+s3], $0x80, v3, vm0, $0xb8;
	[tilespmem:$0x18100] =	vst v63  }
0xad: {  	s7 =	simm.s32 $0x17100  }
0xae: {  	[tilespmem:s7], [sflag:$0x2] =	stream.indirect_vreg.gather [hbm4b:s5+s3], $0x80, v3, vm0, $0xb8;
	[tilespmem:$0x18100] =	vst v63  }
0xaf: {  	s14 =	simm.s32 $0x17900  }
0xb0: {  	[tilespmem:s14], [sflag:$0x2] =	stream.indirect_vreg.gather [hbm4b:s6+s3], $0x80, v3, vm0, $0xb8;
	[tilespmem:$0x18100] =	vst v63  }
0xb1: {  	_ =	swait.ge [sflag:s13], $0xC000  }
0xb2: {  	[sflag:s13] =	ssyncset.done $0x0  }
0xb3: {  	s7 =	simm.s32 $0x100;
	s0 =	rddreg [dreg:$0x8];
	[sflag:s13] =	ssyncadd.s32 $0xFFFF4000  }
0xb4: {  	[hbm4b:s0+s3] =	stream.linear.scatter [tilespmem:s7], [sflag:$0x3], $0xC000, $0x38;
	[tilespmem:$0x18100] =	vst v63  }
0xb5: {  	s0 =	simm.s32 $0x3  }
0xb6: {  	_ =	swait.ge [sflag:s0], $0xC000  }
0xb7: {  	[sflag:s0] =	ssyncset.done $0x0  }
0xb8: {  	[sflag:s0] =	ssyncadd.s32 $0xFFFF4000  }
0xb9: {  	v3 =	vld [tilespmem:$0x80];
	_ =	sdelay $0x4  }
0xba: {  	v56 =	vshrl.u32 v3, $0x3  }
0xbb: {  	v4 =	vmul.u32 $0x30, v56  }
0xbc: {  	v3 =	vand.u32 $0x7, v3  }
0xbd: {  	v3 =	vor.u32 v3, v4  }
0xbe: {  	v4 =	vperm.xlane v3, v0;
	_ =	sdelay $0x1  }
0xbf: {  	v4 =	vadd.s32 v1, v4;
	_ =	sdelay $0x3  }
0xc0: {  	v3 =	vperm.xlane v3, v2  }
0xc1: {  	[tilespmem:s7], [sflag:$0x1] =	stream.indirect_vreg.gather [hbm4b:s1+s3], $0x80, v4, vm0, $0xb8;
	[tilespmem:$0x18100] =	vst v63  }
0xc2: {  	v3 =	vadd.s32 v1, v3  }
0xc3: {  	[tilespmem:s15], [sflag:$0x1] =	stream.indirect_vreg.gather [hbm4b:s5+s3], $0x80, v4, vm0, $0xb8;
	[tilespmem:$0x18100] =	vst v63  }
0xc4: {  	_ = 	snop  }
0xc5: {  	[tilespmem:s16], [sflag:$0x1] =	stream.indirect_vreg.gather [hbm4b:s6+s3], $0x80, v4, vm0, $0xb8;
	[tilespmem:$0x18100] =	vst v63  }
0xc6: {  	_ = 	snop  }
0xc7: {  	[tilespmem:s17], [sflag:$0x1] =	stream.indirect_vreg.gather [hbm4b:s1+s3], $0x80, v3, vm0, $0xb8;
	[tilespmem:$0x18100] =	vst v63  }
0xc8: {  	_ = 	snop  }
0xc9: {  	[tilespmem:s18], [sflag:$0x1] =	stream.indirect_vreg.gather [hbm4b:s5+s3], $0x80, v3, vm0, $0xb8;
	[tilespmem:$0x18100] =	vst v63  }
0xca: {  	_ = 	snop  }
0xcb: {  	[tilespmem:s19], [sflag:$0x1] =	stream.indirect_vreg.gather [hbm4b:s6+s3], $0x80, v3, vm0, $0xb8;
	[tilespmem:$0x18100] =	vst v63  }
0xcc: {  	v3 =	vld [tilespmem:$0x90];
	_ =	sdelay $0x4  }
0xcd: {  	v57 =	vshrl.u32 v3, $0x3  }
0xce: {  	v4 =	vmul.u32 $0x30, v57  }
0xcf: {  	v3 =	vand.u32 $0x7, v3  }
0xd0: {  	v3 =	vor.u32 v3, v4  }
0xd1: {  	v4 =	vperm.xlane v3, v0;
	_ =	sdelay $0x1  }
0xd2: {  	v4 =	vadd.s32 v1, v4;
	_ =	sdelay $0x3  }
0xd3: {  	v3 =	vperm.xlane v3, v2  }
0xd4: {  	[tilespmem:s20], [sflag:$0x1] =	stream.indirect_vreg.gather [hbm4b:s1+s3], $0x80, v4, vm0, $0xb8;
	[tilespmem:$0x18100] =	vst v63  }
0xd5: {  	v3 =	vadd.s32 v1, v3  }
0xd6: {  	[tilespmem:s21], [sflag:$0x1] =	stream.indirect_vreg.gather [hbm4b:s5+s3], $0x80, v4, vm0, $0xb8;
	[tilespmem:$0x18100] =	vst v63  }
0xd7: {  	_ = 	snop  }
0xd8: {  	[tilespmem:s22], [sflag:$0x1] =	stream.indirect_vreg.gather [hbm4b:s6+s3], $0x80, v4, vm0, $0xb8;
	[tilespmem:$0x18100] =	vst v63  }
0xd9: {  	_ = 	snop  }
0xda: {  	[tilespmem:s23], [sflag:$0x1] =	stream.indirect_vreg.gather [hbm4b:s1+s3], $0x80, v3, vm0, $0xb8;
	[tilespmem:$0x18100] =	vst v63  }
0xdb: {  	_ = 	snop  }
0xdc: {  	[tilespmem:s24], [sflag:$0x1] =	stream.indirect_vreg.gather [hbm4b:s5+s3], $0x80, v3, vm0, $0xb8;
	[tilespmem:$0x18100] =	vst v63  }
0xdd: {  	_ = 	snop  }
0xde: {  	[tilespmem:s25], [sflag:$0x1] =	stream.indirect_vreg.gather [hbm4b:s6+s3], $0x80, v3, vm0, $0xb8;
	[tilespmem:$0x18100] =	vst v63  }
0xdf: {  	v3 =	vld [tilespmem:$0xA0];
	_ =	sdelay $0x4  }
0xe0: {  	v58 =	vshrl.u32 v3, $0x3  }
0xe1: {  	v4 =	vmul.u32 $0x30, v58  }
0xe2: {  	v3 =	vand.u32 $0x7, v3  }
0xe3: {  	v3 =	vor.u32 v3, v4  }
0xe4: {  	v4 =	vperm.xlane v3, v0;
	_ =	sdelay $0x1  }
0xe5: {  	v4 =	vadd.s32 v1, v4;
	_ =	sdelay $0x3  }
0xe6: {  	v3 =	vperm.xlane v3, v2  }
0xe7: {  	[tilespmem:s26], [sflag:$0x1] =	stream.indirect_vreg.gather [hbm4b:s1+s3], $0x80, v4, vm0, $0xb8;
	[tilespmem:$0x18100] =	vst v63  }
0xe8: {  	v3 =	vadd.s32 v1, v3  }
0xe9: {  	[tilespmem:s28], [sflag:$0x1] =	stream.indirect_vreg.gather [hbm4b:s5+s3], $0x80, v4, vm0, $0xb8;
	[tilespmem:$0x18100] =	vst v63  }
0xea: {  	_ = 	snop  }
0xeb: {  	[tilespmem:s29], [sflag:$0x1] =	stream.indirect_vreg.gather [hbm4b:s6+s3], $0x80, v4, vm0, $0xb8;
	[tilespmem:$0x18100] =	vst v63  }
0xec: {  	_ = 	snop  }
0xed: {  	[tilespmem:s30], [sflag:$0x1] =	stream.indirect_vreg.gather [hbm4b:s1+s3], $0x80, v3, vm0, $0xb8;
	[tilespmem:$0x18100] =	vst v63  }
0xee: {  	_ = 	snop  }
0xef: {  	[tilespmem:s31], [sflag:$0x1] =	stream.indirect_vreg.gather [hbm4b:s5+s3], $0x80, v3, vm0, $0xb8;
	[tilespmem:$0x18100] =	vst v63  }
0xf0: {  	_ = 	snop  }
0xf1: {  	[tilespmem:s2], [sflag:$0x1] =	stream.indirect_vreg.gather [hbm4b:s6+s3], $0x80, v3, vm0, $0xb8;
	[tilespmem:$0x18100] =	vst v63  }
0xf2: {  	v3 =	vld [tilespmem:$0xB0];
	_ =	sdelay $0x4  }
0xf3: {  	v59 =	vshrl.u32 v3, $0x3  }
0xf4: {  	v4 =	vmul.u32 $0x30, v59  }
0xf5: {  	v3 =	vand.u32 $0x7, v3  }
0xf6: {  	v3 =	vor.u32 v3, v4  }
0xf7: {  	v4 =	vperm.xlane v3, v0;
	_ =	sdelay $0x1  }
0xf8: {  	v4 =	vadd.s32 v1, v4;
	_ =	sdelay $0x3  }
0xf9: {  	s7 =	simm.s32 $0x9100;
	v3 =	vperm.xlane v3, v2  }
0xfa: {  	[tilespmem:s7], [sflag:$0x1] =	stream.indirect_vreg.gather [hbm4b:s1+s3], $0x80, v4, vm0, $0xb8;
	[tilespmem:$0x18100] =	vst v63  }
0xfb: {  	s14 =	simm.s32 $0x9900;
	v3 =	vadd.s32 v1, v3  }
0xfc: {  	[tilespmem:s14], [sflag:$0x1] =	stream.indirect_vreg.gather [hbm4b:s5+s3], $0x80, v4, vm0, $0xb8;
	[tilespmem:$0x18100] =	vst v63  }
0xfd: {  	_ = 	snop  }
0xfe: {  	[tilespmem:s9], [sflag:$0x1] =	stream.indirect_vreg.gather [hbm4b:s6+s3], $0x80, v4, vm0, $0xb8;
	[tilespmem:$0x18100] =	vst v63  }
0xff: {  	_ = 	snop  }
0x100: {  	[tilespmem:s4], [sflag:$0x1] =	stream.indirect_vreg.gather [hbm4b:s1+s3], $0x80, v3, vm0, $0xb8;
	[tilespmem:$0x18100] =	vst v63  }
0x101: {  	_ = 	snop  }
0x102: {  	[tilespmem:s10], [sflag:$0x1] =	stream.indirect_vreg.gather [hbm4b:s5+s3], $0x80, v3, vm0, $0xb8;
	[tilespmem:$0x18100] =	vst v63  }
0x103: {  	s2 =	simm.s32 $0x2  }
0x104: {  	[tilespmem:s11], [sflag:$0x1] =	stream.indirect_vreg.gather [hbm4b:s6+s3], $0x80, v3, vm0, $0xb8;
	[tilespmem:$0x18100] =	vst v63  }
0x105: {  	_ =	swait.ge [sflag:s2], $0xC000  }
0x106: {  	[sflag:s2] =	ssyncset.done $0x0  }
0x107: {  	s4 =	simm.s32 $0x4;
	s7 =	rddreg [dreg:$0x5];
	[sflag:s2] =	ssyncadd.s32 $0xFFFF4000  }
0x108: {  	[hbm4b:s7+s3] =	stream.linear.scatter [tilespmem:s12], [sflag:$0x4], $0xC000, $0x38;
	[tilespmem:$0x18100] =	vst v63  }
0x109: {  	_ =	swait.ge [sflag:s4], $0xC000  }
0x10a: {  	[sflag:s4] =	ssyncset.done $0x0  }
0x10b: {  	[sflag:s4] =	ssyncadd.s32 $0xFFFF4000  }
0x10c: {  	v3 =	vld [tilespmem:$0xC0];
	_ =	sdelay $0x4  }
0x10d: {  	v60 =	vshrl.u32 v3, $0x3  }
0x10e: {  	v4 =	vmul.u32 $0x30, v60  }
0x10f: {  	v3 =	vand.u32 $0x7, v3  }
0x110: {  	v3 =	vor.u32 v3, v4  }
0x111: {  	v4 =	vperm.xlane v3, v0;
	_ =	sdelay $0x1  }
0x112: {  	v4 =	vadd.s32 v1, v4;
	_ =	sdelay $0x3  }
0x113: {  	v3 =	vperm.xlane v3, v2  }
0x114: {  	[tilespmem:s12], [sflag:$0x2] =	stream.indirect_vreg.gather [hbm4b:s1+s3], $0x80, v4, vm0, $0xb8;
	[tilespmem:$0x18100] =	vst v63  }
0x115: {  	s14 =	simm.s32 $0xC900;
	v3 =	vadd.s32 v1, v3  }
0x116: {  	[tilespmem:s14], [sflag:$0x2] =	stream.indirect_vreg.gather [hbm4b:s5+s3], $0x80, v4, vm0, $0xb8;
	[tilespmem:$0x18100] =	vst v63  }
0x117: {  	s14 =	simm.s32 $0xD100  }
0x118: {  	[tilespmem:s14], [sflag:$0x2] =	stream.indirect_vreg.gather [hbm4b:s6+s3], $0x80, v4, vm0, $0xb8;
	[tilespmem:$0x18100] =	vst v63  }
0x119: {  	s14 =	simm.s32 $0xD900  }
0x11a: {  	[tilespmem:s14], [sflag:$0x2] =	stream.indirect_vreg.gather [hbm4b:s1+s3], $0x80, v3, vm0, $0xb8;
	[tilespmem:$0x18100] =	vst v63  }
0x11b: {  	s14 =	simm.s32 $0xE100  }
0x11c: {  	[tilespmem:s14], [sflag:$0x2] =	stream.indirect_vreg.gather [hbm4b:s5+s3], $0x80, v3, vm0, $0xb8;
	[tilespmem:$0x18100] =	vst v63  }
0x11d: {  	s14 =	simm.s32 $0xE900  }
0x11e: {  	[tilespmem:s14], [sflag:$0x2] =	stream.indirect_vreg.gather [hbm4b:s6+s3], $0x80, v3, vm0, $0xb8;
	[tilespmem:$0x18100] =	vst v63  }
0x11f: {  	v3 =	vld [tilespmem:$0xD0];
	_ =	sdelay $0x4  }
0x120: {  	v61 =	vshrl.u32 v3, $0x3  }
0x121: {  	v4 =	vmul.u32 $0x30, v61  }
0x122: {  	v3 =	vand.u32 $0x7, v3  }
0x123: {  	v3 =	vor.u32 v3, v4  }
0x124: {  	v4 =	vperm.xlane v3, v0;
	_ =	sdelay $0x1  }
0x125: {  	v4 =	vadd.s32 v1, v4;
	_ =	sdelay $0x3  }
0x126: {  	s14 =	simm.s32 $0xF100;
	v3 =	vperm.xlane v3, v2  }
0x127: {  	[tilespmem:s14], [sflag:$0x2] =	stream.indirect_vreg.gather [hbm4b:s1+s3], $0x80, v4, vm0, $0xb8;
	[tilespmem:$0x18100] =	vst v63  }
0x128: {  	v3 =	vadd.s32 v1, v3;
	s14 =	simm.s32 $0xF900  }
0x129: {  	[tilespmem:s14], [sflag:$0x2] =	stream.indirect_vreg.gather [hbm4b:s5+s3], $0x80, v4, vm0, $0xb8;
	[tilespmem:$0x18100] =	vst v63  }
0x12a: {  	s14 =	simm.s32 $0x10100  }
0x12b: {  	[tilespmem:s14], [sflag:$0x2] =	stream.indirect_vreg.gather [hbm4b:s6+s3], $0x80, v4, vm0, $0xb8;
	[tilespmem:$0x18100] =	vst v63  }
0x12c: {  	s14 =	simm.s32 $0x10900  }
0x12d: {  	[tilespmem:s14], [sflag:$0x2] =	stream.indirect_vreg.gather [hbm4b:s1+s3], $0x80, v3, vm0, $0xb8;
	[tilespmem:$0x18100] =	vst v63  }
0x12e: {  	s14 =	simm.s32 $0x11100  }
0x12f: {  	[tilespmem:s14], [sflag:$0x2] =	stream.indirect_vreg.gather [hbm4b:s5+s3], $0x80, v3, vm0, $0xb8;
	[tilespmem:$0x18100] =	vst v63  }
0x130: {  	s14 =	simm.s32 $0x11900  }
0x131: {  	[tilespmem:s14], [sflag:$0x2] =	stream.indirect_vreg.gather [hbm4b:s6+s3], $0x80, v3, vm0, $0xb8;
	[tilespmem:$0x18100] =	vst v63  }
0x132: {  	v3 =	vld [tilespmem:$0xE0];
	_ =	sdelay $0x4  }
0x133: {  	v62 =	vshrl.u32 v3, $0x3  }
0x134: {  	v4 =	vmul.u32 $0x30, v62  }
0x135: {  	v3 =	vand.u32 $0x7, v3  }
0x136: {  	v3 =	vor.u32 v3, v4  }
0x137: {  	v4 =	vperm.xlane v3, v0;
	_ =	sdelay $0x1  }
0x138: {  	v4 =	vadd.s32 v1, v4;
	_ =	sdelay $0x3  }
0x139: {  	s14 =	simm.s32 $0x12100;
	v3 =	vperm.xlane v3, v2  }
0x13a: {  	[tilespmem:s14], [sflag:$0x2] =	stream.indirect_vreg.gather [hbm4b:s1+s3], $0x80, v4, vm0, $0xb8;
	[tilespmem:$0x18100] =	vst v63  }
0x13b: {  	v3 =	vadd.s32 v1, v3;
	s14 =	simm.s32 $0x12900  }
0x13c: {  	[tilespmem:s14], [sflag:$0x2] =	stream.indirect_vreg.gather [hbm4b:s5+s3], $0x80, v4, vm0, $0xb8;
	[tilespmem:$0x18100] =	vst v63  }
0x13d: {  	s14 =	simm.s32 $0x13100  }
0x13e: {  	[tilespmem:s14], [sflag:$0x2] =	stream.indirect_vreg.gather [hbm4b:s6+s3], $0x80, v4, vm0, $0xb8;
	[tilespmem:$0x18100] =	vst v63  }
0x13f: {  	s14 =	simm.s32 $0x13900  }
0x140: {  	[tilespmem:s14], [sflag:$0x2] =	stream.indirect_vreg.gather [hbm4b:s1+s3], $0x80, v3, vm0, $0xb8;
	[tilespmem:$0x18100] =	vst v63  }
0x141: {  	s14 =	simm.s32 $0x14100  }
0x142: {  	[tilespmem:s14], [sflag:$0x2] =	stream.indirect_vreg.gather [hbm4b:s5+s3], $0x80, v3, vm0, $0xb8;
	[tilespmem:$0x18100] =	vst v63  }
0x143: {  	s14 =	simm.s32 $0x14900  }
0x144: {  	[tilespmem:s14], [sflag:$0x2] =	stream.indirect_vreg.gather [hbm4b:s6+s3], $0x80, v3, vm0, $0xb8;
	[tilespmem:$0x18100] =	vst v63  }
0x145: {  	v3 =	vld [tilespmem:$0xF0];
	_ =	sdelay $0x4  }
0x146: {  	v63 =	vshrl.u32 v3, $0x3  }
0x147: {  	v4 =	vmul.u32 $0x30, v63  }
0x148: {  	v3 =	vand.u32 $0x7, v3  }
0x149: {  	v3 =	vor.u32 v3, v4  }
0x14a: {  	v4 =	vperm.xlane v3, v0;
	_ =	sdelay $0x1  }
0x14b: {  	v4 =	vadd.s32 v1, v4;
	_ =	sdelay $0x3  }
0x14c: {  	s14 =	simm.s32 $0x15100;
	v3 =	vperm.xlane v3, v2  }
0x14d: {  	[tilespmem:s14], [sflag:$0x2] =	stream.indirect_vreg.gather [hbm4b:s1+s3], $0x80, v4, vm0, $0xb8;
	[tilespmem:$0x18100] =	vst v63  }
0x14e: {  	v3 =	vadd.s32 v1, v3;
	s14 =	simm.s32 $0x15900  }
0x14f: {  	[tilespmem:s14], [sflag:$0x2] =	stream.indirect_vreg.gather [hbm4b:s5+s3], $0x80, v4, vm0, $0xb8;
	[tilespmem:$0x18100] =	vst v63  }
0x150: {  	s14 =	simm.s32 $0x16100  }
0x151: {  	[tilespmem:s14], [sflag:$0x2] =	stream.indirect_vreg.gather [hbm4b:s6+s3], $0x80, v4, vm0, $0xb8;
	[tilespmem:$0x18100] =	vst v63  }
0x152: {  	s14 =	simm.s32 $0x16900  }
0x153: {  	[tilespmem:s14], [sflag:$0x2] =	stream.indirect_vreg.gather [hbm4b:s1+s3], $0x80, v3, vm0, $0xb8;
	[tilespmem:$0x18100] =	vst v63  }
0x154: {  	s14 =	simm.s32 $0x17100  }
0x155: {  	[tilespmem:s14], [sflag:$0x2] =	stream.indirect_vreg.gather [hbm4b:s5+s3], $0x80, v3, vm0, $0xb8;
	[tilespmem:$0x18100] =	vst v63  }
0x156: {  	s14 =	simm.s32 $0x17900  }
0x157: {  	[tilespmem:s14], [sflag:$0x2] =	stream.indirect_vreg.gather [hbm4b:s6+s3], $0x80, v3, vm0, $0xb8;
	[tilespmem:$0x18100] =	vst v63  }
0x158: {  	_ =	swait.ge [sflag:s13], $0xC000  }
0x159: {  	[sflag:s13] =	ssyncset.done $0x0  }
0x15a: {  	s7 =	simm.s32 $0x100;
	s14 =	rddreg [dreg:$0x6];
	[sflag:s13] =	ssyncadd.s32 $0xFFFF4000  }
0x15b: {  	[hbm4b:s14+s3] =	stream.linear.scatter [tilespmem:s7], [sflag:$0x3], $0xC000, $0x38;
	[tilespmem:$0x18100] =	vst v63  }
0x15c: {  	_ =	swait.ge [sflag:s2], $0xC000  }
0x15d: {  	[sflag:s2] =	ssyncset.done $0x0  }
0x15e: {  	s7 =	rddreg [dreg:$0x7];
	[sflag:s2] =	ssyncadd.s32 $0xFFFF4000  }
0x15f: {  	[hbm4b:s7+s3] =	stream.linear.scatter [tilespmem:s12], [sflag:$0x4], $0xC000, $0x38;
	[tilespmem:$0x18100] =	vst v63  }
0x160: {  	p0 =	sne.s32 s8, $0x1;
	_ =	swait.ge [sflag:s0], $0xC000  }
.Ltmp0:
0x161: {  	[sflag:s0] =	ssyncset.done $0x0;
	(pc) =	sbr.rel @p0 .LBB2_1-.Ltmp0, $4  }
0x162: {  	[sflag:s0] =	ssyncadd.s32 $0xFFFF4000  }
0x163: {  	_ =	swait.ge [sflag:s4], $0xC000  }
0x164: {  	[sflag:s4] =	ssyncset.done $0x0  }
0x165: {  	s8 =	sadd.s32 $0xFFFFFFFF, s8;
	[sflag:s4] =	ssyncadd.s32 $0xFFFF4000  }
0x166: {  	_ =	sfence.sel $0x180000  }
0x167: {  	[bflag:$0x0] =	sbarrier.arrive $0xFFFF  }
0x168: {  	_ =	strace $0x90000047  }
0x169: {  	s0 =	stileid.u32;
	[bflag:$0x2] =	sbarrier.arrive $0xFFFF  }
0x16a: {  	p0 =	sne.s32 s0, $0x0;
	s0 =	rddreg [dreg:$0x3]  }
0x16b: {  	s0 =	sadd.s32 @!p0 $0x100000, s0  }
0x16c: {  	[sflag:s0] =	ssyncadd.tile.s32 @!p0 $0x1;
	_ =	shalt  }
.Lfunc_end2:
_tile_overlayer_lowered:
.L_overlay_start_2:
0x16d: {  	(tag) =	ssettag $0x2  }
0x16e: {  	s0 =	rddreg [dreg:$0x0];
	s2 =	stileid.u32  }
0x16f: {  	s1 =	rddreg [dreg:$0x1];
	p0 =	sne.s32 s2, $0x0  }
0x170: {  	s3 =	rddreg [dreg:$0x2];
	[bflag:$0x3] =	sbarrier.arrive $0xFFFF;
	s2 =	simm.s32 @!p0 $0x1C05  }
0x171: {  	[timem:s3], [sflag:s2] =	dma.local @!p0 [hbm:s0], s1  }
0x172: {  	s0 =	simm.s32 @!p0 $0x5  }
0x173: {  	_ =	swait.ge @!p0 [sflag:s0], s1  }
0x174: {  	s1 =	ssub.s32 @!p0 $0x0, s1;
	[sflag:s0] =	ssyncset.done @!p0 $0x0  }
0x175: {  	[sflag:s0] =	ssyncadd.s32 @!p0 s1  }
0x176: {  	[bflag:$0x3] =	sbarrier.arrive $0xFFFF  }
0x177: {  	_ =	shalt  }

// kernel: kernel.13.cloned.1.call-start
scs
__scs_entry_jumppad:
0x0: {  	(pc) =	sbr.rel $0x88, $3  }
0x1: {  	(tag) =	ssettag $0x0;
	lr =	simm.s32 $0x1  }
0x2: {  	[smem:$0x3F9B] =	sst lr;
	_ =	strace $0xD0000000  }
0x3: {  	_ = 	snop  }
0x4: {  	_ = 	snop  }
0x5: {  	_ = 	snop  }
0x6: {  	_ = 	snop  }
0x7: {  	_ = 	snop  }
__scs_overlays_trampoline_lowered:
0x8: {  	[smem:$0x3FAA] =	sst s0  }
0x9: {  	[smem:$0x3FAB] =	sst s1  }
0xa: {  	[smem:$0x3FAC] =	sst s2  }
0xb: {  	[smem:$0x3FAD] =	sst s3  }
0xc: {  	[smem:$0x3FAE] =	sst s4  }
0xd: {  	[smem:$0x3FAF] =	sst s5  }
0xe: {  	[smem:$0x3FB0] =	sst s6  }
0xf: {  	[smem:$0x3FB1] =	sst s7  }
0x10: {  	[smem:$0x3FB2] =	sst s8  }
0x11: {  	[smem:$0x3FB3] =	sst s9;
	s0 =	simm.s32 @!p0 $0x0  }
0x12: {  	s1 =	sld [smem:$0x3F99];
	s0 =	simm.s32 @p0 $0x1  }
0x13: {  	[smem:$0x3FB4] =	sst s0;
	s0 =	simm.s32 @!p1 $0x0  }
0x14: {  	s2 =	sld [smem:$0x3F98];
	s0 =	simm.s32 @p1 $0x1  }
0x15: {  	[smem:$0x3FB5] =	sst s0;
	s0 =	simm.s32 @!p2 $0x0  }
0x16: {  	s3 =	sld [smem:$0x3FDB];
	s0 =	simm.s32 @p2 $0x1  }
0x17: {  	s4 =	simm.s32 $0x1BF5;
	[smem:$0x3FB7] =	sst s0  }
0x18: {  	s0 =	sld [smem:$0x3F9A];
	_ =	swait.ge [sflag:s4], $0x0  }
0x19: {  	s7 =	sld [smem:$0x3F9B]  }
0x1a: {  	s8 =	sadd.s32 $0xFFFFE003, lr  }
0x1b: {  	s9 =	sadd.s32 $0xFFFFFEF7, lr;
	s5 =	simm.s32 $0xFFFFFFFF;
	p2 =	slt.u32 s8, $0xFFFFF086  }
0x1c: {  	p1 =	slt.u32 s9, $0xF7A;
	s5 =	simm.s32 @!p2 $0x0  }
0x1d: {  	s5 =	simm.s32 @p1 $0x1;
	p0 =	seq.s32 s7, s2  }
0x1e: {  	s7 =	smul.u32 @!p0 $0xF7A, s2;
	p2 =	seq.s32 @!p0 s5, $0x0  }
0x1f: {  	s9 =	smul.u32 $0xF7A, s1;
	s8 =	simm.s32 @!p0 $0x1BF5;
	p2 =	por !p2, p0  }
0x20: {  	[sflag:s8] =	ssyncset.s32 @!p0 $0xFFFFF086;
	s6 =	sadd.s32 @!p0 s3, s7;
	s7 =	simm.s32 @!p0 $0x108  }
0x21: {  	s3 =	sadd.s32 s3, s9;
	s6 =	sadd.s32 @!p0 $0x88, s6;
	s7 =	simm.s32 @p2 $0x1082  }
0x22: {  	[simem:s7], [sflag:s8] =	dma.local @!p0 [hbm:s6], $0xF7A  }
0x23: {  	s9 =	sor.u32 $0xD0000000, s2;
	s6 =	simm.s32 $0x108;
	_ =	swait.ge @!p0 [sflag:s8], $0x0  }
0x24: {  	s3 =	sadd.s32 $0x88, s3;
	s6 =	simm.s32 @!p1 $0x1082;
	[sflag:s4] =	ssyncset.s32 $0xFFFFF086  }
0x25: {  	[simem:s6], [sflag:s4] =	dma.local [hbm:s3], $0xF7A  }
0x26: {  	[smem:$0x3F9B] =	sst s1;
	(tag) =	ssettag s2;
	_ =	strace s9  }
0x27: {  	s1 =	sld [smem:$0x3FAB]  }
0x28: {  	s2 =	sld [smem:$0x3FAC]  }
0x29: {  	s4 =	sld [smem:$0x3FAE]  }
0x2a: {  	p0 =	seq.s32 s5, $0x0;
	s5 =	sld [smem:$0x3FAF]  }
0x2b: {  	s6 =	sld [smem:$0x3FB0]  }
0x2c: {  	s7 =	sld [smem:$0x3FB1]  }
0x2d: {  	s3 =	simm.s32 $0x108;
	s8 =	sld [smem:$0x3FB2]  }
0x2e: {  	s3 =	simm.s32 @!p0 $0x1082;
	s9 =	sld [smem:$0x3FB3]  }
0x2f: {  	lr =	sadd.s32 s0, s3;
	s0 =	sld [smem:$0x3FAA]  }
0x30: {  	s3 =	sld [smem:$0x3FAD]  }
0x31: {  	[smem:$0x3FB6] =	sst s10  }
0x32: {  	s10 =	sld [smem:$0x3FB4];
	_ =	sdelay $0x3  }
0x33: {  	p0 =	seq.s32 s10, $0x1;
	s10 =	sld [smem:$0x3FB6];
	_ =	sdelay $0x3  }
0x34: {  	[smem:$0x3FB6] =	sst s10  }
0x35: {  	s10 =	sld [smem:$0x3FB5];
	_ =	sdelay $0x3  }
0x36: {  	p1 =	seq.s32 s10, $0x1;
	s10 =	sld [smem:$0x3FB6];
	_ =	sdelay $0x3  }
0x37: {  	[smem:$0x3FB6] =	sst s10  }
0x38: {  	s10 =	sld [smem:$0x3FB7]  }
0x39: {  	_ = 	snop;
	(pc) =	sbr.ind lr, $3  }
0x3a: {  	_ = 	snop  }
0x3b: {  	_ = 	snop  }
0x3c: {  	p2 =	seq.s32 s10, $0x1;
	s10 =	sld [smem:$0x3FB6]  }
0x3d: {  	_ =	shalt  }
0x3e: {  	_ =	shalt  }
0x3f: {  	_ =	shalt  }
0x40: {  	_ =	shalt  }
0x41: {  	_ =	shalt  }
0x42: {  	_ =	shalt  }
0x43: {  	_ =	shalt  }
0x44: {  	_ =	shalt  }
0x45: {  	_ =	shalt  }
0x46: {  	_ =	shalt  }
0x47: {  	_ =	shalt  }
0x48: {  	_ =	shalt  }
0x49: {  	_ =	shalt  }
0x4a: {  	_ =	shalt  }
0x4b: {  	_ =	shalt  }
0x4c: {  	_ =	shalt  }
0x4d: {  	_ =	shalt  }
0x4e: {  	_ =	shalt  }
0x4f: {  	_ =	shalt  }
0x50: {  	_ =	shalt  }
0x51: {  	_ =	shalt  }
0x52: {  	_ =	shalt  }
0x53: {  	_ =	shalt  }
0x54: {  	_ =	shalt  }
0x55: {  	_ =	shalt  }
0x56: {  	_ =	shalt  }
0x57: {  	_ =	shalt  }
0x58: {  	_ =	shalt  }
0x59: {  	_ =	shalt  }
0x5a: {  	_ =	shalt  }
0x5b: {  	_ =	shalt  }
0x5c: {  	_ =	shalt  }
0x5d: {  	_ =	shalt  }
0x5e: {  	_ =	shalt  }
0x5f: {  	_ =	shalt  }
0x60: {  	_ =	shalt  }
0x61: {  	_ =	shalt  }
0x62: {  	_ =	shalt  }
0x63: {  	_ =	shalt  }
0x64: {  	_ =	shalt  }
0x65: {  	_ =	shalt  }
0x66: {  	_ =	shalt  }
0x67: {  	_ =	shalt  }
0x68: {  	_ =	shalt  }
0x69: {  	_ =	shalt  }
0x6a: {  	_ =	shalt  }
0x6b: {  	_ =	shalt  }
0x6c: {  	_ =	shalt  }
0x6d: {  	_ =	shalt  }
0x6e: {  	_ =	shalt  }
0x6f: {  	_ =	shalt  }
0x70: {  	_ =	shalt  }
0x71: {  	_ =	shalt  }
0x72: {  	_ =	shalt  }
0x73: {  	_ =	shalt  }
0x74: {  	_ =	shalt  }
0x75: {  	_ =	shalt  }
0x76: {  	_ =	shalt  }
0x77: {  	_ =	shalt  }
0x78: {  	_ =	shalt  }
0x79: {  	_ =	shalt  }
0x7a: {  	_ =	shalt  }
0x7b: {  	_ =	shalt  }
0x7c: {  	_ =	shalt  }
0x7d: {  	_ =	shalt  }
0x7e: {  	_ =	shalt  }
0x7f: {  	_ =	shalt  }
0x80: {  	_ =	shalt  }
0x81: {  	_ =	shalt  }
0x82: {  	_ =	shalt  }
0x83: {  	_ =	shalt  }
0x84: {  	_ =	shalt  }
0x85: {  	_ =	shalt  }
0x86: {  	_ =	shalt  }
0x87: {  	_ =	shalt  }
.Lfunc_end0:
.L_simem_size_0:
called_computation.1_lowered:
.L_overlay_start_0:
0x88: {  	s2 =	sld [smem:$0x3FD9]  }
0x89: {  	s3 =	sld [smem:$0x3FFE];
	_ =	sdelay $0x1  }
0x8a: {  	s1 =	srdreg.scid  }
0x8b: {  	s0 =	sand.u32 $0x1, s1  }
0x8c: {  	s17 =	sshll.u32 s0, $0xA;
	s2 =	sadd.s32 s3, s2  }
0x8d: {  	s2 =	sadd.s32 s2, s17  }
0x8e: {  	[smem:$0x3FC2] =	sst s2  }
0x8f: {  	_ = 	snop  }
0x90: {  	s18 =	sld [smem:$0x3FC8];
	(tm) =	ssettm $0x1  }
0x91: {  	s19 =	sld [smem:$0x3FFB];
	_ =	sdelay $0x3  }
0x92: {  	_ =	strace s19  }
0x93: {  	s2 =	sld [smem:$0x3FFC];
	_ =	sdelay $0x3  }
0x94: {  	_ =	strace s2  }
0x95: {  	s2 =	sld [smem:$0x3FFD];
	_ =	sdelay $0x3  }
0x96: {  	_ =	strace s2  }
0x97: {  	_ =	strace $0x8FFFFFFF  }
0x98: {  	s20 =	sld [smem:$0x3FDB];
	_ =	sdelay $0x1  }
0x99: {  	s4 =	simm.s32 $_scs_section_size  }
0x9a: {  	s5 =	simm.s32 $_size__tile_overlayer_lowered;
	s6 =	simm.s32 $_tile_overlayer_lowered  }
0x9b: {  	s7 =	simm.s32 $0x1BFF;
	s21 =	sshll.u32 s6, $0x1;
	s4 =	sadd.s32 s4, s20  }
0x9c: {  	s22 =	simm.s32 $0x0;
	s5 =	sshll.u32 s5, $0x1;
	s6 =	sadd.s32 s21, s4  }
0x9d: {  	[timem:s22], [sflag:s7] =	dma.local [hbm:s6], s5  }
0x9e: {  	_ =	swait.ge [sflag:s7], s5  }
0x9f: {  	s5 =	ssub.s32 $0x0, s5;
	[sflag:s7] =	ssyncset.done $0x0  }
0xa0: {  	[sflag:s7] =	ssyncadd.s32 s5;
	_ =	sdelay $0x1  }
0xa1: {  	s23 =	simm.s32 $0x1B8B  }
0xa2: {  	_ =	swait.ge [sflag:s23], $0x1  }
0xa3: {  	[sflag:s23] =	ssyncset.done $0x0  }
0xa4: {  	[sflag:s23] =	ssyncadd.s32 $0xFFFFFFFF  }
0xa5: {  	s5 =	sld [smem:$0x0]  }
0xa6: {  	s6 =	sand.u32 $0xFFFFFFFE, s1  }
0xa7: {  	p0 =	sne.s32 s1, s6  }
0xa8: {  	s6 =	sshll.u32 @p0 s6, $0xE  }
0xa9: {  	s6 =	sadd.s32 @p0 $0x11B8D, s6;
	s7 =	sshll.u32 @p0 s5, $0x11  }
0xaa: {  	s6 =	sor.u32 @p0 s7, s6  }
0xab: {  	[sflag:s6] =	ssyncadd.remote.s32 @p0 $0x1;
	_ =	sdelay $0x1  }
0xac: {  	s6 =	simm.s32 @p0 $0x1B8D  }
0xad: {  	_ =	swait.eq @p0 [sflag:s6], $0x1  }
0xae: {  	[sflag:s6] =	ssyncadd.s32 @p0 $0xFFFFFFFF  }
0xaf: {  	s7 =	sshll.u32 @!p0 s1, $0xE  }
0xb0: {  	s7 =	sor.u32 @!p0 $0x4000, s7;
	s6 =	simm.s32 @!p0 $0x1B8D  }
0xb1: {  	s5 =	sshll.u32 @!p0 s5, $0x11;
	s7 =	sadd.s32 @!p0 $0x11B8D, s7;
	_ =	swait.eq @!p0 [sflag:s6], $0x1  }
0xb2: {  	s5 =	sor.u32 @!p0 s5, s7;
	[sflag:s6] =	ssyncadd.s32 @!p0 $0xFFFFFFFF  }
0xb3: {  	s25 =	simm.s32 $0x1B8E;
	s24 =	sld [smem:$0x3FFE];
	[sflag:s5] =	ssyncadd.remote.s32 @!p0 $0x1  }
0xb4: {  	s26 =	simm.s32 $execute0_lowered;
	[smem:$0x3FD2] =	sst s25  }
0xb5: {  	s6 =	sshll.u32 s26, $0x1;
	_ =	strace $0x80000049;
	[dreg:$0x1] =	wrdreg $0xFFFFFFFF  }
0xb6: {  	s28 =	simm.s32 $_size_execute0_lowered;
	s4 =	sadd.s32 s4, s6;
	[dreg:$0x0] =	wrdreg $0x0  }
0xb7: {  	s6 =	sshll.u32 s28, $0x1;
	[dreg:$0x2] =	wrdreg s4  }
0xb8: {  	[dreg:$0x3] =	wrdreg s6  }
0xb9: {  	[dreg:$0x4] =	wrdreg $0xC0  }
0xba: {  	_ =	task [dreg:s22], $0x5FFFF  }
0xbb: {  	[dreg:$0x1] =	wrdreg $0xFFFFFFFF  }
0xbc: {  	[dreg:$0x0] =	wrdreg $0x60  }
0xbd: {  	[dreg:$0x2] =	wrdreg s18  }
0xbe: {  	[dreg:$0x3] =	wrdreg s24  }
0xbf: {  	[dreg:$0x4] =	wrdreg $0xA  }
0xc0: {  	_ =	task.clear_ibuf [dreg:s22], $0x5FFFF;
	_ =	strace $0x90000049  }
0xc1: {  	s29 =	simm.s32 $0xA;
	_ =	strace $0x8000004B  }
0xc2: {  	_ =	swait.ge [sflag:s29], $0x1  }
0xc3: {  	[sflag:s29] =	ssyncadd.s32 $0xFFFFFFFF  }
0xc4: {  	_ =	strace $0x9000004B  }
0xc5: {  	_ =	sfence  }
0xc6: {  	s30 =	sld [smem:$0x0];
	_ =	sdelay $0x2  }
0xc7: {  	s31 =	sshll.u32 s1, $0xD;
	s1 =	sshrl.u32 s1, $0x2  }
0xc8: {  	s4 =	sand.u32 $0x4000, s31;
	s1 =	sadd.s32 s1, s30  }
0xc9: {  	s0 =	sor.u32 s4, s0;
	s1 =	sshll.u32 s1, $0x11  }
0xca: {  	s0 =	sor.u32 s1, s0  }
0xcb: {  	s0 =	sadd.s32 $0x8F2B, s0  }
0xcc: {  	[sflag:s0] =	ssyncadd.remote.s32 $0x1  }
0xcd: {  	_ =	sfence.sel $0xFFFF  }
0xce: {  	[dreg:$0x0] =	wrdreg $0xFFFFFFFF;
	(pc) =	sbr.abs _section_cstart, $3  }
0xcf: {  	[dreg:$0x1] =	wrdreg $0xFFFFFFFF  }
0xd0: {  	_ =	task.clear_ibuf [dreg:s22], $0x2FFFF;
	_ =	strace $0x9FFFFFFF  }
0xd1: {  	(tm) =	ssettm $0x7FFFFFFF  }
tec
execute0_lowered:
.L_overlay_start_1:
0x0: {  	(tag) =	ssettag $0x1  }
0x1: {  	s0 =	srdreg.scid  }
0x2: {  	s2 =	rddreg [dreg:$0x0];
	s3 =	stileid.u32  }
0x3: {  	s1 =	rddreg [dreg:$0x1];
	s15 =	simm.s32 $0x900;
	s16 =	simm.s32 $0x1100  }
0x4: {  	s17 =	simm.s32 $0x1900;
	s18 =	simm.s32 $0x2100;
	s19 =	simm.s32 $0x2900  }
0x5: {  	s20 =	simm.s32 $0x3100;
	s21 =	simm.s32 $0x3900;
	s22 =	simm.s32 $0x4100  }
0x6: {  	s28 =	simm.s32 $0x6900;
	s29 =	simm.s32 $0x7100;
	s30 =	simm.s32 $0x7900  }
0x7: {  	s31 =	simm.s32 $0x8100;
	s9 =	simm.s32 $0xA100;
	s10 =	simm.s32 $0xB100  }
0x8: {  	s11 =	simm.s32 $0xB900;
	s12 =	simm.s32 $0xC100;
	s0 =	sand.u32 $0x1, s0  }
0x9: {  	s4 =	sshll.u32 s3, $0x6;
	s3 =	simm.s32 $0x0;
	s5 =	sshll.u32 s0, $0x5  }
0xa: {  	s13 =	simm.s32 $0x1;
	[smem:$0x7FF] =	sst s3;
	s4 =	sor.u32 s5, s4  }
0xb: {  	s0 =	ssub.s32 $0x2, s0;
	_ =	strace $0x8000004A;
	s5 =	smul.u32 $0x300, s4  }
0xc: {  	s25 =	sshrl.u32 s0, $0x1;
	s6 =	smul.u32 $0x1800, s4;
	s4 =	sadd.s32 s4, s1  }
0xd: {  	s1 =	sadd.s32 $0xC2400, s1;
	s0 =	ssub.s32 s0, s25;
	s25 =	simm.s32 $0x5900  }
0xe: {  	s4 =	sadd.s32 $0xC1800, s4;
	s8 =	smax.u32 s0, $0x1;
	s7 =	sadd.s32 s1, s5  }
0xf: {  	s23 =	sshrl.u32 s6, $0x3;
	[dreg:$0x3] =	wrdreg s4;
	s5 =	sadd.s32 $0x100, s2  }
0x10: {  	[dreg:$0x7] =	wrdreg s7;
	s24 =	sadd.s32 $0x1800, s7;
	s1 =	sadd.s32 s1, s23  }
0x11: {  	v2 =	vlaneseq.u32;
	s6 =	sadd.s32 $0x200, s2;
	[dreg:$0x4] =	wrdreg s24;
	s26 =	sadd.s32 $0x3000, s1  }
0x12: {  	vm0 =	vmmov $0xffff;
	v1 =	vshrl.u32 v2, $0x3;
	s23 =	simm.s32 $0x4900;
	s1 =	sadd.s32 $0x4800, s1;
	[dreg:$0x5] =	wrdreg s26  }
0x13: {  	v0 =	vand.u32 $0x7, v2;
	v2 =	vor.u32 $0x8, v2;
	v1 =	vmul.u32 $0x8, v1;
	s24 =	simm.s32 $0x5100;
	[dreg:$0x6] =	wrdreg s1;
	s26 =	simm.s32 $0x6100  }
.LBB2_1:
0x14: {  	s14 =	rddreg [dreg:$0x3];
	s0 =	simm.s32 $0x5  }
0x15: {  	[tilespmem:s3], [sflag:$0x5] =	stream.linear.gather [hbm4b:s14+s3], $0x100, $0x38;
	[tilespmem:$0x18100] =	vst v63  }
0x16: {  	_ =	swait.ge [sflag:s0], $0x100  }
0x17: {  	[sflag:s0] =	ssyncset.done $0x0  }
0x18: {  	[sflag:s0] =	ssyncadd.s32 $0xFFFFFF00  }
0x19: {  	v3 =	vld [tilespmem:$0x0];
	_ =	sdelay $0x4  }
0x1a: {  	v4 =	vshrl.u32 v3, $0x3  }
0x1b: {  	v4 =	vmul.u32 $0x30, v4  }
0x1c: {  	v3 =	vand.u32 $0x7, v3  }
0x1d: {  	v3 =	vor.u32 v3, v4  }
0x1e: {  	v4 =	vperm.xlane v3, v0;
	_ =	sdelay $0x1  }
0x1f: {  	v4 =	vadd.s32 v1, v4;
	_ =	sdelay $0x3  }
0x20: {  	s1 =	simm.s32 $0x100;
	v3 =	vperm.xlane v3, v2  }
0x21: {  	[tilespmem:s1], [sflag:$0x1] =	stream.indirect_vreg.gather [hbm4b:s2+s3], $0x80, v4, vm0, $0xb8;
	[tilespmem:$0x18100] =	vst v63  }
0x22: {  	v3 =	vadd.s32 v1, v3  }
0x23: {  	[tilespmem:s15], [sflag:$0x1] =	stream.indirect_vreg.gather [hbm4b:s5+s3], $0x80, v4, vm0, $0xb8;
	[tilespmem:$0x18100] =	vst v63  }
0x24: {  	_ = 	snop  }
0x25: {  	[tilespmem:s16], [sflag:$0x1] =	stream.indirect_vreg.gather [hbm4b:s6+s3], $0x80, v4, vm0, $0xb8;
	[tilespmem:$0x18100] =	vst v63  }
0x26: {  	_ = 	snop  }
0x27: {  	[tilespmem:s17], [sflag:$0x1] =	stream.indirect_vreg.gather [hbm4b:s2+s3], $0x80, v3, vm0, $0xb8;
	[tilespmem:$0x18100] =	vst v63  }
0x28: {  	_ = 	snop  }
0x29: {  	[tilespmem:s18], [sflag:$0x1] =	stream.indirect_vreg.gather [hbm4b:s5+s3], $0x80, v3, vm0, $0xb8;
	[tilespmem:$0x18100] =	vst v63  }
0x2a: {  	_ = 	snop  }
0x2b: {  	[tilespmem:s19], [sflag:$0x1] =	stream.indirect_vreg.gather [hbm4b:s6+s3], $0x80, v3, vm0, $0xb8;
	[tilespmem:$0x18100] =	vst v63  }
0x2c: {  	v3 =	vld [tilespmem:$0x10];
	_ =	sdelay $0x4  }
0x2d: {  	v49 =	vshrl.u32 v3, $0x3  }
0x2e: {  	v4 =	vmul.u32 $0x30, v49  }
0x2f: {  	v3 =	vand.u32 $0x7, v3  }
0x30: {  	v3 =	vor.u32 v3, v4  }
0x31: {  	v4 =	vperm.xlane v3, v0;
	_ =	sdelay $0x1  }
0x32: {  	v4 =	vadd.s32 v1, v4;
	_ =	sdelay $0x3  }
0x33: {  	v3 =	vperm.xlane v3, v2  }
0x34: {  	[tilespmem:s20], [sflag:$0x1] =	stream.indirect_vreg.gather [hbm4b:s2+s3], $0x80, v4, vm0, $0xb8;
	[tilespmem:$0x18100] =	vst v63  }
0x35: {  	v3 =	vadd.s32 v1, v3  }
0x36: {  	[tilespmem:s21], [sflag:$0x1] =	stream.indirect_vreg.gather [hbm4b:s5+s3], $0x80, v4, vm0, $0xb8;
	[tilespmem:$0x18100] =	vst v63  }
0x37: {  	_ = 	snop  }
0x38: {  	[tilespmem:s22], [sflag:$0x1] =	stream.indirect_vreg.gather [hbm4b:s6+s3], $0x80, v4, vm0, $0xb8;
	[tilespmem:$0x18100] =	vst v63  }
0x39: {  	_ = 	snop  }
0x3a: {  	[tilespmem:s23], [sflag:$0x1] =	stream.indirect_vreg.gather [hbm4b:s2+s3], $0x80, v3, vm0, $0xb8;
	[tilespmem:$0x18100] =	vst v63  }
0x3b: {  	_ = 	snop  }
0x3c: {  	[tilespmem:s24], [sflag:$0x1] =	stream.indirect_vreg.gather [hbm4b:s5+s3], $0x80, v3, vm0, $0xb8;
	[tilespmem:$0x18100] =	vst v63  }
0x3d: {  	_ = 	snop  }
0x3e: {  	[tilespmem:s25], [sflag:$0x1] =	stream.indirect_vreg.gather [hbm4b:s6+s3], $0x80, v3, vm0, $0xb8;
	[tilespmem:$0x18100] =	vst v63  }
0x3f: {  	v3 =	vld [tilespmem:$0x20];
	_ =	sdelay $0x4  }
0x40: {  	v50 =	vshrl.u32 v3, $0x3  }
0x41: {  	v4 =	vmul.u32 $0x30, v50  }
0x42: {  	v3 =	vand.u32 $0x7, v3  }
0x43: {  	v3 =	vor.u32 v3, v4  }
0x44: {  	v4 =	vperm.xlane v3, v0;
	_ =	sdelay $0x1  }
0x45: {  	v4 =	vadd.s32 v1, v4;
	_ =	sdelay $0x3  }
0x46: {  	v3 =	vperm.xlane v3, v2  }
0x47: {  	[tilespmem:s26], [sflag:$0x1] =	stream.indirect_vreg.gather [hbm4b:s2+s3], $0x80, v4, vm0, $0xb8;
	[tilespmem:$0x18100] =	vst v63  }
0x48: {  	v3 =	vadd.s32 v1, v3  }
0x49: {  	[tilespmem:s28], [sflag:$0x1] =	stream.indirect_vreg.gather [hbm4b:s5+s3], $0x80, v4, vm0, $0xb8;
	[tilespmem:$0x18100] =	vst v63  }
0x4a: {  	_ = 	snop  }
0x4b: {  	[tilespmem:s29], [sflag:$0x1] =	stream.indirect_vreg.gather [hbm4b:s6+s3], $0x80, v4, vm0, $0xb8;
	[tilespmem:$0x18100] =	vst v63  }
0x4c: {  	_ = 	snop  }
0x4d: {  	[tilespmem:s30], [sflag:$0x1] =	stream.indirect_vreg.gather [hbm4b:s2+s3], $0x80, v3, vm0, $0xb8;
	[tilespmem:$0x18100] =	vst v63  }
0x4e: {  	_ = 	snop  }
0x4f: {  	[tilespmem:s31], [sflag:$0x1] =	stream.indirect_vreg.gather [hbm4b:s5+s3], $0x80, v3, vm0, $0xb8;
	[tilespmem:$0x18100] =	vst v63  }
0x50: {  	s1 =	simm.s32 $0x8900  }
0x51: {  	[tilespmem:s1], [sflag:$0x1] =	stream.indirect_vreg.gather [hbm4b:s6+s3], $0x80, v3, vm0, $0xb8;
	[tilespmem:$0x18100] =	vst v63  }
0x52: {  	v3 =	vld [tilespmem:$0x30];
	_ =	sdelay $0x4  }
0x53: {  	v51 =	vshrl.u32 v3, $0x3  }
0x54: {  	v4 =	vmul.u32 $0x30, v51  }
0x55: {  	v3 =	vand.u32 $0x7, v3  }
0x56: {  	v3 =	vor.u32 v3, v4  }
0x57: {  	v4 =	vperm.xlane v3, v0;
	_ =	sdelay $0x1  }
0x58: {  	v4 =	vadd.s32 v1, v4;
	_ =	sdelay $0x3  }
0x59: {  	s4 =	simm.s32 $0x9100;
	v3 =	vperm.xlane v3, v2  }
0x5a: {  	[tilespmem:s4], [sflag:$0x1] =	stream.indirect_vreg.gather [hbm4b:s2+s3], $0x80, v4, vm0, $0xb8;
	[tilespmem:$0x18100] =	vst v63  }
0x5b: {  	s7 =	simm.s32 $0x9900;
	v3 =	vadd.s32 v1, v3  }
0x5c: {  	[tilespmem:s7], [sflag:$0x1] =	stream.indirect_vreg.gather [hbm4b:s5+s3], $0x80, v4, vm0, $0xb8;
	[tilespmem:$0x18100] =	vst v63  }
0x5d: {  	_ = 	snop  }
0x5e: {  	[tilespmem:s9], [sflag:$0x1] =	stream.indirect_vreg.gather [hbm4b:s6+s3], $0x80, v4, vm0, $0xb8;
	[tilespmem:$0x18100] =	vst v63  }
0x5f: {  	s4 =	simm.s32 $0xA900  }
0x60: {  	[tilespmem:s4], [sflag:$0x1] =	stream.indirect_vreg.gather [hbm4b:s2+s3], $0x80, v3, vm0, $0xb8;
	[tilespmem:$0x18100] =	vst v63  }
0x61: {  	_ = 	snop  }
0x62: {  	[tilespmem:s10], [sflag:$0x1] =	stream.indirect_vreg.gather [hbm4b:s5+s3], $0x80, v3, vm0, $0xb8;
	[tilespmem:$0x18100] =	vst v63  }
0x63: {  	_ = 	snop  }
0x64: {  	[tilespmem:s11], [sflag:$0x1] =	stream.indirect_vreg.gather [hbm4b:s6+s3], $0x80, v3, vm0, $0xb8;
	[tilespmem:$0x18100] =	vst v63  }
0x65: {  	v3 =	vld [tilespmem:$0x40];
	_ =	sdelay $0x4  }
0x66: {  	v52 =	vshrl.u32 v3, $0x3  }
0x67: {  	v4 =	vmul.u32 $0x30, v52  }
0x68: {  	v3 =	vand.u32 $0x7, v3  }
0x69: {  	v3 =	vor.u32 v3, v4  }
0x6a: {  	v4 =	vperm.xlane v3, v0;
	_ =	sdelay $0x1  }
0x6b: {  	v4 =	vadd.s32 v1, v4;
	_ =	sdelay $0x3  }
0x6c: {  	v3 =	vperm.xlane v3, v2  }
0x6d: {  	[tilespmem:s12], [sflag:$0x2] =	stream.indirect_vreg.gather [hbm4b:s2+s3], $0x80, v4, vm0, $0xb8;
	[tilespmem:$0x18100] =	vst v63  }
0x6e: {  	s14 =	simm.s32 $0xC900;
	v3 =	vadd.s32 v1, v3  }
0x6f: {  	[tilespmem:s14], [sflag:$0x2] =	stream.indirect_vreg.gather [hbm4b:s5+s3], $0x80, v4, vm0, $0xb8;
	[tilespmem:$0x18100] =	vst v63  }
0x70: {  	s7 =	simm.s32 $0xD100  }
0x71: {  	[tilespmem:s7], [sflag:$0x2] =	stream.indirect_vreg.gather [hbm4b:s6+s3], $0x80, v4, vm0, $0xb8;
	[tilespmem:$0x18100] =	vst v63  }
0x72: {  	s14 =	simm.s32 $0xD900  }
0x73: {  	[tilespmem:s14], [sflag:$0x2] =	stream.indirect_vreg.gather [hbm4b:s2+s3], $0x80, v3, vm0, $0xb8;
	[tilespmem:$0x18100] =	vst v63  }
0x74: {  	s7 =	simm.s32 $0xE100  }
0x75: {  	[tilespmem:s7], [sflag:$0x2] =	stream.indirect_vreg.gather [hbm4b:s5+s3], $0x80, v3, vm0, $0xb8;
	[tilespmem:$0x18100] =	vst v63  }
0x76: {  	s14 =	simm.s32 $0xE900  }
0x77: {  	[tilespmem:s14], [sflag:$0x2] =	stream.indirect_vreg.gather [hbm4b:s6+s3], $0x80, v3, vm0, $0xb8;
	[tilespmem:$0x18100] =	vst v63  }
0x78: {  	v3 =	vld [tilespmem:$0x50];
	_ =	sdelay $0x4  }
0x79: {  	v53 =	vshrl.u32 v3, $0x3  }
0x7a: {  	v4 =	vmul.u32 $0x30, v53  }
0x7b: {  	v3 =	vand.u32 $0x7, v3  }
0x7c: {  	v3 =	vor.u32 v3, v4  }
0x7d: {  	v4 =	vperm.xlane v3, v0;
	_ =	sdelay $0x1  }
0x7e: {  	v4 =	vadd.s32 v1, v4;
	_ =	sdelay $0x3  }
0x7f: {  	s7 =	simm.s32 $0xF100;
	v3 =	vperm.xlane v3, v2  }
0x80: {  	[tilespmem:s7], [sflag:$0x2] =	stream.indirect_vreg.gather [hbm4b:s2+s3], $0x80, v4, vm0, $0xb8;
	[tilespmem:$0x18100] =	vst v63  }
0x81: {  	s14 =	simm.s32 $0xF900;
	v3 =	vadd.s32 v1, v3  }
0x82: {  	[tilespmem:s14], [sflag:$0x2] =	stream.indirect_vreg.gather [hbm4b:s5+s3], $0x80, v4, vm0, $0xb8;
	[tilespmem:$0x18100] =	vst v63  }
0x83: {  	s7 =	simm.s32 $0x10100  }
0x84: {  	[tilespmem:s7], [sflag:$0x2] =	stream.indirect_vreg.gather [hbm4b:s6+s3], $0x80, v4, vm0, $0xb8;
	[tilespmem:$0x18100] =	vst v63  }
0x85: {  	s14 =	simm.s32 $0x10900  }
0x86: {  	[tilespmem:s14], [sflag:$0x2] =	stream.indirect_vreg.gather [hbm4b:s2+s3], $0x80, v3, vm0, $0xb8;
	[tilespmem:$0x18100] =	vst v63  }
0x87: {  	s7 =	simm.s32 $0x11100  }
0x88: {  	[tilespmem:s7], [sflag:$0x2] =	stream.indirect_vreg.gather [hbm4b:s5+s3], $0x80, v3, vm0, $0xb8;
	[tilespmem:$0x18100] =	vst v63  }
0x89: {  	s14 =	simm.s32 $0x11900  }
0x8a: {  	[tilespmem:s14], [sflag:$0x2] =	stream.indirect_vreg.gather [hbm4b:s6+s3], $0x80, v3, vm0, $0xb8;
	[tilespmem:$0x18100] =	vst v63  }
0x8b: {  	v3 =	vld [tilespmem:$0x60];
	_ =	sdelay $0x4  }
0x8c: {  	v54 =	vshrl.u32 v3, $0x3  }
0x8d: {  	v4 =	vmul.u32 $0x30, v54  }
0x8e: {  	v3 =	vand.u32 $0x7, v3  }
0x8f: {  	v3 =	vor.u32 v3, v4  }
0x90: {  	v4 =	vperm.xlane v3, v0;
	_ =	sdelay $0x1  }
0x91: {  	v4 =	vadd.s32 v1, v4;
	_ =	sdelay $0x3  }
0x92: {  	s7 =	simm.s32 $0x12100;
	v3 =	vperm.xlane v3, v2  }
0x93: {  	[tilespmem:s7], [sflag:$0x2] =	stream.indirect_vreg.gather [hbm4b:s2+s3], $0x80, v4, vm0, $0xb8;
	[tilespmem:$0x18100] =	vst v63  }
0x94: {  	s14 =	simm.s32 $0x12900;
	v3 =	vadd.s32 v1, v3  }
0x95: {  	[tilespmem:s14], [sflag:$0x2] =	stream.indirect_vreg.gather [hbm4b:s5+s3], $0x80, v4, vm0, $0xb8;
	[tilespmem:$0x18100] =	vst v63  }
0x96: {  	s7 =	simm.s32 $0x13100  }
0x97: {  	[tilespmem:s7], [sflag:$0x2] =	stream.indirect_vreg.gather [hbm4b:s6+s3], $0x80, v4, vm0, $0xb8;
	[tilespmem:$0x18100] =	vst v63  }
0x98: {  	s14 =	simm.s32 $0x13900  }
0x99: {  	[tilespmem:s14], [sflag:$0x2] =	stream.indirect_vreg.gather [hbm4b:s2+s3], $0x80, v3, vm0, $0xb8;
	[tilespmem:$0x18100] =	vst v63  }
0x9a: {  	s7 =	simm.s32 $0x14100  }
0x9b: {  	[tilespmem:s7], [sflag:$0x2] =	stream.indirect_vreg.gather [hbm4b:s5+s3], $0x80, v3, vm0, $0xb8;
	[tilespmem:$0x18100] =	vst v63  }
0x9c: {  	s14 =	simm.s32 $0x14900  }
0x9d: {  	[tilespmem:s14], [sflag:$0x2] =	stream.indirect_vreg.gather [hbm4b:s6+s3], $0x80, v3, vm0, $0xb8;
	[tilespmem:$0x18100] =	vst v63  }
0x9e: {  	v3 =	vld [tilespmem:$0x70];
	_ =	sdelay $0x4  }
0x9f: {  	v55 =	vshrl.u32 v3, $0x3  }
0xa0: {  	v4 =	vmul.u32 $0x30, v55  }
0xa1: {  	v3 =	vand.u32 $0x7, v3  }
0xa2: {  	v3 =	vor.u32 v3, v4  }
0xa3: {  	v4 =	vperm.xlane v3, v0;
	_ =	sdelay $0x1  }
0xa4: {  	v4 =	vadd.s32 v1, v4;
	_ =	sdelay $0x3  }
0xa5: {  	s7 =	simm.s32 $0x15100;
	v3 =	vperm.xlane v3, v2  }
0xa6: {  	[tilespmem:s7], [sflag:$0x2] =	stream.indirect_vreg.gather [hbm4b:s2+s3], $0x80, v4, vm0, $0xb8;
	[tilespmem:$0x18100] =	vst v63  }
0xa7: {  	s14 =	simm.s32 $0x15900;
	v3 =	vadd.s32 v1, v3  }
0xa8: {  	[tilespmem:s14], [sflag:$0x2] =	stream.indirect_vreg.gather [hbm4b:s5+s3], $0x80, v4, vm0, $0xb8;
	[tilespmem:$0x18100] =	vst v63  }
0xa9: {  	s7 =	simm.s32 $0x16100  }
0xaa: {  	[tilespmem:s7], [sflag:$0x2] =	stream.indirect_vreg.gather [hbm4b:s6+s3], $0x80, v4, vm0, $0xb8;
	[tilespmem:$0x18100] =	vst v63  }
0xab: {  	s14 =	simm.s32 $0x16900  }
0xac: {  	[tilespmem:s14], [sflag:$0x2] =	stream.indirect_vreg.gather [hbm4b:s2+s3], $0x80, v3, vm0, $0xb8;
	[tilespmem:$0x18100] =	vst v63  }
0xad: {  	s7 =	simm.s32 $0x17100  }
0xae: {  	[tilespmem:s7], [sflag:$0x2] =	stream.indirect_vreg.gather [hbm4b:s5+s3], $0x80, v3, vm0, $0xb8;
	[tilespmem:$0x18100] =	vst v63  }
0xaf: {  	s14 =	simm.s32 $0x17900  }
0xb0: {  	[tilespmem:s14], [sflag:$0x2] =	stream.indirect_vreg.gather [hbm4b:s6+s3], $0x80, v3, vm0, $0xb8;
	[tilespmem:$0x18100] =	vst v63  }
0xb1: {  	_ =	swait.ge [sflag:s13], $0xC000  }
0xb2: {  	[sflag:s13] =	ssyncset.done $0x0  }
0xb3: {  	s7 =	simm.s32 $0x100;
	s0 =	rddreg [dreg:$0x7];
	[sflag:s13] =	ssyncadd.s32 $0xFFFF4000  }
0xb4: {  	[hbm4b:s0+s3] =	stream.linear.scatter [tilespmem:s7], [sflag:$0x3], $0xC000, $0x38;
	[tilespmem:$0x18100] =	vst v63  }
0xb5: {  	s0 =	simm.s32 $0x3  }
0xb6: {  	_ =	swait.ge [sflag:s0], $0xC000  }
0xb7: {  	[sflag:s0] =	ssyncset.done $0x0  }
0xb8: {  	[sflag:s0] =	ssyncadd.s32 $0xFFFF4000  }
0xb9: {  	v3 =	vld [tilespmem:$0x80];
	_ =	sdelay $0x4  }
0xba: {  	v56 =	vshrl.u32 v3, $0x3  }
0xbb: {  	v4 =	vmul.u32 $0x30, v56  }
0xbc: {  	v3 =	vand.u32 $0x7, v3  }
0xbd: {  	v3 =	vor.u32 v3, v4  }
0xbe: {  	v4 =	vperm.xlane v3, v0;
	_ =	sdelay $0x1  }
0xbf: {  	v4 =	vadd.s32 v1, v4;
	_ =	sdelay $0x3  }
0xc0: {  	v3 =	vperm.xlane v3, v2  }
0xc1: {  	[tilespmem:s7], [sflag:$0x1] =	stream.indirect_vreg.gather [hbm4b:s2+s3], $0x80, v4, vm0, $0xb8;
	[tilespmem:$0x18100] =	vst v63  }
0xc2: {  	v3 =	vadd.s32 v1, v3  }
0xc3: {  	[tilespmem:s15], [sflag:$0x1] =	stream.indirect_vreg.gather [hbm4b:s5+s3], $0x80, v4, vm0, $0xb8;
	[tilespmem:$0x18100] =	vst v63  }
0xc4: {  	_ = 	snop  }
0xc5: {  	[tilespmem:s16], [sflag:$0x1] =	stream.indirect_vreg.gather [hbm4b:s6+s3], $0x80, v4, vm0, $0xb8;
	[tilespmem:$0x18100] =	vst v63  }
0xc6: {  	_ = 	snop  }
0xc7: {  	[tilespmem:s17], [sflag:$0x1] =	stream.indirect_vreg.gather [hbm4b:s2+s3], $0x80, v3, vm0, $0xb8;
	[tilespmem:$0x18100] =	vst v63  }
0xc8: {  	_ = 	snop  }
0xc9: {  	[tilespmem:s18], [sflag:$0x1] =	stream.indirect_vreg.gather [hbm4b:s5+s3], $0x80, v3, vm0, $0xb8;
	[tilespmem:$0x18100] =	vst v63  }
0xca: {  	_ = 	snop  }
0xcb: {  	[tilespmem:s19], [sflag:$0x1] =	stream.indirect_vreg.gather [hbm4b:s6+s3], $0x80, v3, vm0, $0xb8;
	[tilespmem:$0x18100] =	vst v63  }
0xcc: {  	v3 =	vld [tilespmem:$0x90];
	_ =	sdelay $0x4  }
0xcd: {  	v57 =	vshrl.u32 v3, $0x3  }
0xce: {  	v4 =	vmul.u32 $0x30, v57  }
0xcf: {  	v3 =	vand.u32 $0x7, v3  }
0xd0: {  	v3 =	vor.u32 v3, v4  }
0xd1: {  	v4 =	vperm.xlane v3, v0;
	_ =	sdelay $0x1  }
0xd2: {  	v4 =	vadd.s32 v1, v4;
	_ =	sdelay $0x3  }
0xd3: {  	v3 =	vperm.xlane v3, v2  }
0xd4: {  	[tilespmem:s20], [sflag:$0x1] =	stream.indirect_vreg.gather [hbm4b:s2+s3], $0x80, v4, vm0, $0xb8;
	[tilespmem:$0x18100] =	vst v63  }
0xd5: {  	v3 =	vadd.s32 v1, v3  }
0xd6: {  	[tilespmem:s21], [sflag:$0x1] =	stream.indirect_vreg.gather [hbm4b:s5+s3], $0x80, v4, vm0, $0xb8;
	[tilespmem:$0x18100] =	vst v63  }
0xd7: {  	_ = 	snop  }
0xd8: {  	[tilespmem:s22], [sflag:$0x1] =	stream.indirect_vreg.gather [hbm4b:s6+s3], $0x80, v4, vm0, $0xb8;
	[tilespmem:$0x18100] =	vst v63  }
0xd9: {  	_ = 	snop  }
0xda: {  	[tilespmem:s23], [sflag:$0x1] =	stream.indirect_vreg.gather [hbm4b:s2+s3], $0x80, v3, vm0, $0xb8;
	[tilespmem:$0x18100] =	vst v63  }
0xdb: {  	_ = 	snop  }
0xdc: {  	[tilespmem:s24], [sflag:$0x1] =	stream.indirect_vreg.gather [hbm4b:s5+s3], $0x80, v3, vm0, $0xb8;
	[tilespmem:$0x18100] =	vst v63  }
0xdd: {  	_ = 	snop  }
0xde: {  	[tilespmem:s25], [sflag:$0x1] =	stream.indirect_vreg.gather [hbm4b:s6+s3], $0x80, v3, vm0, $0xb8;
	[tilespmem:$0x18100] =	vst v63  }
0xdf: {  	v3 =	vld [tilespmem:$0xA0];
	_ =	sdelay $0x4  }
0xe0: {  	v58 =	vshrl.u32 v3, $0x3  }
0xe1: {  	v4 =	vmul.u32 $0x30, v58  }
0xe2: {  	v3 =	vand.u32 $0x7, v3  }
0xe3: {  	v3 =	vor.u32 v3, v4  }
0xe4: {  	v4 =	vperm.xlane v3, v0;
	_ =	sdelay $0x1  }
0xe5: {  	v4 =	vadd.s32 v1, v4;
	_ =	sdelay $0x3  }
0xe6: {  	v3 =	vperm.xlane v3, v2  }
0xe7: {  	[tilespmem:s26], [sflag:$0x1] =	stream.indirect_vreg.gather [hbm4b:s2+s3], $0x80, v4, vm0, $0xb8;
	[tilespmem:$0x18100] =	vst v63  }
0xe8: {  	v3 =	vadd.s32 v1, v3  }
0xe9: {  	[tilespmem:s28], [sflag:$0x1] =	stream.indirect_vreg.gather [hbm4b:s5+s3], $0x80, v4, vm0, $0xb8;
	[tilespmem:$0x18100] =	vst v63  }
0xea: {  	_ = 	snop  }
0xeb: {  	[tilespmem:s29], [sflag:$0x1] =	stream.indirect_vreg.gather [hbm4b:s6+s3], $0x80, v4, vm0, $0xb8;
	[tilespmem:$0x18100] =	vst v63  }
0xec: {  	_ = 	snop  }
0xed: {  	[tilespmem:s30], [sflag:$0x1] =	stream.indirect_vreg.gather [hbm4b:s2+s3], $0x80, v3, vm0, $0xb8;
	[tilespmem:$0x18100] =	vst v63  }
0xee: {  	_ = 	snop  }
0xef: {  	[tilespmem:s31], [sflag:$0x1] =	stream.indirect_vreg.gather [hbm4b:s5+s3], $0x80, v3, vm0, $0xb8;
	[tilespmem:$0x18100] =	vst v63  }
0xf0: {  	_ = 	snop  }
0xf1: {  	[tilespmem:s1], [sflag:$0x1] =	stream.indirect_vreg.gather [hbm4b:s6+s3], $0x80, v3, vm0, $0xb8;
	[tilespmem:$0x18100] =	vst v63  }
0xf2: {  	v3 =	vld [tilespmem:$0xB0];
	_ =	sdelay $0x4  }
0xf3: {  	v59 =	vshrl.u32 v3, $0x3  }
0xf4: {  	v4 =	vmul.u32 $0x30, v59  }
0xf5: {  	v3 =	vand.u32 $0x7, v3  }
0xf6: {  	v3 =	vor.u32 v3, v4  }
0xf7: {  	v4 =	vperm.xlane v3, v0;
	_ =	sdelay $0x1  }
0xf8: {  	v4 =	vadd.s32 v1, v4;
	_ =	sdelay $0x3  }
0xf9: {  	s7 =	simm.s32 $0x9100;
	v3 =	vperm.xlane v3, v2  }
0xfa: {  	[tilespmem:s7], [sflag:$0x1] =	stream.indirect_vreg.gather [hbm4b:s2+s3], $0x80, v4, vm0, $0xb8;
	[tilespmem:$0x18100] =	vst v63  }
0xfb: {  	s14 =	simm.s32 $0x9900;
	v3 =	vadd.s32 v1, v3  }
0xfc: {  	[tilespmem:s14], [sflag:$0x1] =	stream.indirect_vreg.gather [hbm4b:s5+s3], $0x80, v4, vm0, $0xb8;
	[tilespmem:$0x18100] =	vst v63  }
0xfd: {  	_ = 	snop  }
0xfe: {  	[tilespmem:s9], [sflag:$0x1] =	stream.indirect_vreg.gather [hbm4b:s6+s3], $0x80, v4, vm0, $0xb8;
	[tilespmem:$0x18100] =	vst v63  }
0xff: {  	_ = 	snop  }
0x100: {  	[tilespmem:s4], [sflag:$0x1] =	stream.indirect_vreg.gather [hbm4b:s2+s3], $0x80, v3, vm0, $0xb8;
	[tilespmem:$0x18100] =	vst v63  }
0x101: {  	_ = 	snop  }
0x102: {  	[tilespmem:s10], [sflag:$0x1] =	stream.indirect_vreg.gather [hbm4b:s5+s3], $0x80, v3, vm0, $0xb8;
	[tilespmem:$0x18100] =	vst v63  }
0x103: {  	s1 =	simm.s32 $0x2  }
0x104: {  	[tilespmem:s11], [sflag:$0x1] =	stream.indirect_vreg.gather [hbm4b:s6+s3], $0x80, v3, vm0, $0xb8;
	[tilespmem:$0x18100] =	vst v63  }
0x105: {  	_ =	swait.ge [sflag:s1], $0xC000  }
0x106: {  	[sflag:s1] =	ssyncset.done $0x0  }
0x107: {  	s4 =	simm.s32 $0x4;
	s7 =	rddreg [dreg:$0x4];
	[sflag:s1] =	ssyncadd.s32 $0xFFFF4000  }
0x108: {  	[hbm4b:s7+s3] =	stream.linear.scatter [tilespmem:s12], [sflag:$0x4], $0xC000, $0x38;
	[tilespmem:$0x18100] =	vst v63  }
0x109: {  	_ =	swait.ge [sflag:s4], $0xC000  }
0x10a: {  	[sflag:s4] =	ssyncset.done $0x0  }
0x10b: {  	[sflag:s4] =	ssyncadd.s32 $0xFFFF4000  }
0x10c: {  	v3 =	vld [tilespmem:$0xC0];
	_ =	sdelay $0x4  }
0x10d: {  	v60 =	vshrl.u32 v3, $0x3  }
0x10e: {  	v4 =	vmul.u32 $0x30, v60  }
0x10f: {  	v3 =	vand.u32 $0x7, v3  }
0x110: {  	v3 =	vor.u32 v3, v4  }
0x111: {  	v4 =	vperm.xlane v3, v0;
	_ =	sdelay $0x1  }
0x112: {  	v4 =	vadd.s32 v1, v4;
	_ =	sdelay $0x3  }
0x113: {  	v3 =	vperm.xlane v3, v2  }
0x114: {  	[tilespmem:s12], [sflag:$0x2] =	stream.indirect_vreg.gather [hbm4b:s2+s3], $0x80, v4, vm0, $0xb8;
	[tilespmem:$0x18100] =	vst v63  }
0x115: {  	s14 =	simm.s32 $0xC900;
	v3 =	vadd.s32 v1, v3  }
0x116: {  	[tilespmem:s14], [sflag:$0x2] =	stream.indirect_vreg.gather [hbm4b:s5+s3], $0x80, v4, vm0, $0xb8;
	[tilespmem:$0x18100] =	vst v63  }
0x117: {  	s14 =	simm.s32 $0xD100  }
0x118: {  	[tilespmem:s14], [sflag:$0x2] =	stream.indirect_vreg.gather [hbm4b:s6+s3], $0x80, v4, vm0, $0xb8;
	[tilespmem:$0x18100] =	vst v63  }
0x119: {  	s14 =	simm.s32 $0xD900  }
0x11a: {  	[tilespmem:s14], [sflag:$0x2] =	stream.indirect_vreg.gather [hbm4b:s2+s3], $0x80, v3, vm0, $0xb8;
	[tilespmem:$0x18100] =	vst v63  }
0x11b: {  	s14 =	simm.s32 $0xE100  }
0x11c: {  	[tilespmem:s14], [sflag:$0x2] =	stream.indirect_vreg.gather [hbm4b:s5+s3], $0x80, v3, vm0, $0xb8;
	[tilespmem:$0x18100] =	vst v63  }
0x11d: {  	s14 =	simm.s32 $0xE900  }
0x11e: {  	[tilespmem:s14], [sflag:$0x2] =	stream.indirect_vreg.gather [hbm4b:s6+s3], $0x80, v3, vm0, $0xb8;
	[tilespmem:$0x18100] =	vst v63  }
0x11f: {  	v3 =	vld [tilespmem:$0xD0];
	_ =	sdelay $0x4  }
0x120: {  	v61 =	vshrl.u32 v3, $0x3  }
0x121: {  	v4 =	vmul.u32 $0x30, v61  }
0x122: {  	v3 =	vand.u32 $0x7, v3  }
0x123: {  	v3 =	vor.u32 v3, v4  }
0x124: {  	v4 =	vperm.xlane v3, v0;
	_ =	sdelay $0x1  }
0x125: {  	v4 =	vadd.s32 v1, v4;
	_ =	sdelay $0x3  }
0x126: {  	s14 =	simm.s32 $0xF100;
	v3 =	vperm.xlane v3, v2  }
0x127: {  	[tilespmem:s14], [sflag:$0x2] =	stream.indirect_vreg.gather [hbm4b:s2+s3], $0x80, v4, vm0, $0xb8;
	[tilespmem:$0x18100] =	vst v63  }
0x128: {  	v3 =	vadd.s32 v1, v3;
	s14 =	simm.s32 $0xF900  }
0x129: {  	[tilespmem:s14], [sflag:$0x2] =	stream.indirect_vreg.gather [hbm4b:s5+s3], $0x80, v4, vm0, $0xb8;
	[tilespmem:$0x18100] =	vst v63  }
0x12a: {  	s14 =	simm.s32 $0x10100  }
0x12b: {  	[tilespmem:s14], [sflag:$0x2] =	stream.indirect_vreg.gather [hbm4b:s6+s3], $0x80, v4, vm0, $0xb8;
	[tilespmem:$0x18100] =	vst v63  }
0x12c: {  	s14 =	simm.s32 $0x10900  }
0x12d: {  	[tilespmem:s14], [sflag:$0x2] =	stream.indirect_vreg.gather [hbm4b:s2+s3], $0x80, v3, vm0, $0xb8;
	[tilespmem:$0x18100] =	vst v63  }
0x12e: {  	s14 =	simm.s32 $0x11100  }
0x12f: {  	[tilespmem:s14], [sflag:$0x2] =	stream.indirect_vreg.gather [hbm4b:s5+s3], $0x80, v3, vm0, $0xb8;
	[tilespmem:$0x18100] =	vst v63  }
0x130: {  	s14 =	simm.s32 $0x11900  }
0x131: {  	[tilespmem:s14], [sflag:$0x2] =	stream.indirect_vreg.gather [hbm4b:s6+s3], $0x80, v3, vm0, $0xb8;
	[tilespmem:$0x18100] =	vst v63  }
0x132: {  	v3 =	vld [tilespmem:$0xE0];
	_ =	sdelay $0x4  }
0x133: {  	v62 =	vshrl.u32 v3, $0x3  }
0x134: {  	v4 =	vmul.u32 $0x30, v62  }
0x135: {  	v3 =	vand.u32 $0x7, v3  }
0x136: {  	v3 =	vor.u32 v3, v4  }
0x137: {  	v4 =	vperm.xlane v3, v0;
	_ =	sdelay $0x1  }
0x138: {  	v4 =	vadd.s32 v1, v4;
	_ =	sdelay $0x3  }
0x139: {  	s14 =	simm.s32 $0x12100;
	v3 =	vperm.xlane v3, v2  }
0x13a: {  	[tilespmem:s14], [sflag:$0x2] =	stream.indirect_vreg.gather [hbm4b:s2+s3], $0x80, v4, vm0, $0xb8;
	[tilespmem:$0x18100] =	vst v63  }
0x13b: {  	v3 =	vadd.s32 v1, v3;
	s14 =	simm.s32 $0x12900  }
0x13c: {  	[tilespmem:s14], [sflag:$0x2] =	stream.indirect_vreg.gather [hbm4b:s5+s3], $0x80, v4, vm0, $0xb8;
	[tilespmem:$0x18100] =	vst v63  }
0x13d: {  	s14 =	simm.s32 $0x13100  }
0x13e: {  	[tilespmem:s14], [sflag:$0x2] =	stream.indirect_vreg.gather [hbm4b:s6+s3], $0x80, v4, vm0, $0xb8;
	[tilespmem:$0x18100] =	vst v63  }
0x13f: {  	s14 =	simm.s32 $0x13900  }
0x140: {  	[tilespmem:s14], [sflag:$0x2] =	stream.indirect_vreg.gather [hbm4b:s2+s3], $0x80, v3, vm0, $0xb8;
	[tilespmem:$0x18100] =	vst v63  }
0x141: {  	s14 =	simm.s32 $0x14100  }
0x142: {  	[tilespmem:s14], [sflag:$0x2] =	stream.indirect_vreg.gather [hbm4b:s5+s3], $0x80, v3, vm0, $0xb8;
	[tilespmem:$0x18100] =	vst v63  }
0x143: {  	s14 =	simm.s32 $0x14900  }
0x144: {  	[tilespmem:s14], [sflag:$0x2] =	stream.indirect_vreg.gather [hbm4b:s6+s3], $0x80, v3, vm0, $0xb8;
	[tilespmem:$0x18100] =	vst v63  }
0x145: {  	v3 =	vld [tilespmem:$0xF0];
	_ =	sdelay $0x4  }
0x146: {  	v63 =	vshrl.u32 v3, $0x3  }
0x147: {  	v4 =	vmul.u32 $0x30, v63  }
0x148: {  	v3 =	vand.u32 $0x7, v3  }
0x149: {  	v3 =	vor.u32 v3, v4  }
0x14a: {  	v4 =	vperm.xlane v3, v0;
	_ =	sdelay $0x1  }
0x14b: {  	v4 =	vadd.s32 v1, v4;
	_ =	sdelay $0x3  }
0x14c: {  	s14 =	simm.s32 $0x15100;
	v3 =	vperm.xlane v3, v2  }
0x14d: {  	[tilespmem:s14], [sflag:$0x2] =	stream.indirect_vreg.gather [hbm4b:s2+s3], $0x80, v4, vm0, $0xb8;
	[tilespmem:$0x18100] =	vst v63  }
0x14e: {  	v3 =	vadd.s32 v1, v3;
	s14 =	simm.s32 $0x15900  }
0x14f: {  	[tilespmem:s14], [sflag:$0x2] =	stream.indirect_vreg.gather [hbm4b:s5+s3], $0x80, v4, vm0, $0xb8;
	[tilespmem:$0x18100] =	vst v63  }
0x150: {  	s14 =	simm.s32 $0x16100  }
0x151: {  	[tilespmem:s14], [sflag:$0x2] =	stream.indirect_vreg.gather [hbm4b:s6+s3], $0x80, v4, vm0, $0xb8;
	[tilespmem:$0x18100] =	vst v63  }
0x152: {  	s14 =	simm.s32 $0x16900  }
0x153: {  	[tilespmem:s14], [sflag:$0x2] =	stream.indirect_vreg.gather [hbm4b:s2+s3], $0x80, v3, vm0, $0xb8;
	[tilespmem:$0x18100] =	vst v63  }
0x154: {  	s14 =	simm.s32 $0x17100  }
0x155: {  	[tilespmem:s14], [sflag:$0x2] =	stream.indirect_vreg.gather [hbm4b:s5+s3], $0x80, v3, vm0, $0xb8;
	[tilespmem:$0x18100] =	vst v63  }
0x156: {  	s14 =	simm.s32 $0x17900  }
0x157: {  	[tilespmem:s14], [sflag:$0x2] =	stream.indirect_vreg.gather [hbm4b:s6+s3], $0x80, v3, vm0, $0xb8;
	[tilespmem:$0x18100] =	vst v63  }
0x158: {  	_ =	swait.ge [sflag:s13], $0xC000  }
0x159: {  	[sflag:s13] =	ssyncset.done $0x0  }
0x15a: {  	s7 =	simm.s32 $0x100;
	s14 =	rddreg [dreg:$0x5];
	[sflag:s13] =	ssyncadd.s32 $0xFFFF4000  }
0x15b: {  	[hbm4b:s14+s3] =	stream.linear.scatter [tilespmem:s7], [sflag:$0x3], $0xC000, $0x38;
	[tilespmem:$0x18100] =	vst v63  }
0x15c: {  	_ =	swait.ge [sflag:s1], $0xC000  }
0x15d: {  	[sflag:s1] =	ssyncset.done $0x0  }
0x15e: {  	s7 =	rddreg [dreg:$0x6];
	[sflag:s1] =	ssyncadd.s32 $0xFFFF4000  }
0x15f: {  	[hbm4b:s7+s3] =	stream.linear.scatter [tilespmem:s12], [sflag:$0x4], $0xC000, $0x38;
	[tilespmem:$0x18100] =	vst v63  }
0x160: {  	p0 =	sne.s32 s8, $0x1;
	_ =	swait.ge [sflag:s0], $0xC000  }
.Ltmp0:
0x161: {  	[sflag:s0] =	ssyncset.done $0x0;
	(pc) =	sbr.rel @p0 .LBB2_1-.Ltmp0, $4  }
0x162: {  	[sflag:s0] =	ssyncadd.s32 $0xFFFF4000  }
0x163: {  	_ =	swait.ge [sflag:s4], $0xC000  }
0x164: {  	[sflag:s4] =	ssyncset.done $0x0  }
0x165: {  	s8 =	sadd.s32 $0xFFFFFFFF, s8;
	[sflag:s4] =	ssyncadd.s32 $0xFFFF4000  }
0x166: {  	_ =	sfence.sel $0x180000  }
0x167: {  	[bflag:$0x0] =	sbarrier.arrive $0xFFFF  }
0x168: {  	_ =	strace $0x9000004A  }
0x169: {  	s0 =	stileid.u32;
	[bflag:$0x2] =	sbarrier.arrive $0xFFFF  }
0x16a: {  	p0 =	sne.s32 s0, $0x0;
	s0 =	rddreg [dreg:$0x2]  }
0x16b: {  	s0 =	sadd.s32 @!p0 $0x100000, s0  }
0x16c: {  	[sflag:s0] =	ssyncadd.tile.s32 @!p0 $0x1;
	_ =	shalt  }
.Lfunc_end2:
_tile_overlayer_lowered:
.L_overlay_start_2:
0x16d: {  	(tag) =	ssettag $0x2  }
0x16e: {  	s0 =	rddreg [dreg:$0x0];
	s2 =	stileid.u32  }
0x16f: {  	s1 =	rddreg [dreg:$0x1];
	p0 =	sne.s32 s2, $0x0  }
0x170: {  	s3 =	rddreg [dreg:$0x2];
	[bflag:$0x3] =	sbarrier.arrive $0xFFFF;
	s2 =	simm.s32 @!p0 $0x1C05  }
0x171: {  	[timem:s3], [sflag:s2] =	dma.local @!p0 [hbm:s0], s1  }
0x172: {  	s0 =	simm.s32 @!p0 $0x5  }
0x173: {  	_ =	swait.ge @!p0 [sflag:s0], s1  }
0x174: {  	s1 =	ssub.s32 @!p0 $0x0, s1;
	[sflag:s0] =	ssyncset.done @!p0 $0x0  }
0x175: {  	[sflag:s0] =	ssyncadd.s32 @!p0 s1  }
0x176: {  	[bflag:$0x3] =	sbarrier.arrive $0xFFFF  }
0x177: {  	_ =	shalt  }

// kernel: kernel.16.cloned.1.call-start
scs
__scs_entry_jumppad:
0x0: {  	(pc) =	sbr.rel $0x88, $3  }
0x1: {  	(tag) =	ssettag $0x0;
	lr =	simm.s32 $0x1  }
0x2: {  	[smem:$0x3F9B] =	sst lr;
	_ =	strace $0xD0000000  }
0x3: {  	_ = 	snop  }
0x4: {  	_ = 	snop  }
0x5: {  	_ = 	snop  }
0x6: {  	_ = 	snop  }
0x7: {  	_ = 	snop  }
__scs_overlays_trampoline_lowered:
0x8: {  	[smem:$0x3FAA] =	sst s0  }
0x9: {  	[smem:$0x3FAB] =	sst s1  }
0xa: {  	[smem:$0x3FAC] =	sst s2  }
0xb: {  	[smem:$0x3FAD] =	sst s3  }
0xc: {  	[smem:$0x3FAE] =	sst s4  }
0xd: {  	[smem:$0x3FAF] =	sst s5  }
0xe: {  	[smem:$0x3FB0] =	sst s6  }
0xf: {  	[smem:$0x3FB1] =	sst s7  }
0x10: {  	[smem:$0x3FB2] =	sst s8  }
0x11: {  	[smem:$0x3FB3] =	sst s9;
	s0 =	simm.s32 @!p0 $0x0  }
0x12: {  	s1 =	sld [smem:$0x3F99];
	s0 =	simm.s32 @p0 $0x1  }
0x13: {  	[smem:$0x3FB4] =	sst s0;
	s0 =	simm.s32 @!p1 $0x0  }
0x14: {  	s2 =	sld [smem:$0x3F98];
	s0 =	simm.s32 @p1 $0x1  }
0x15: {  	[smem:$0x3FB5] =	sst s0;
	s0 =	simm.s32 @!p2 $0x0  }
0x16: {  	s3 =	sld [smem:$0x3FDB];
	s0 =	simm.s32 @p2 $0x1  }
0x17: {  	s4 =	simm.s32 $0x1BF5;
	[smem:$0x3FB7] =	sst s0  }
0x18: {  	s0 =	sld [smem:$0x3F9A];
	_ =	swait.ge [sflag:s4], $0x0  }
0x19: {  	s7 =	sld [smem:$0x3F9B]  }
0x1a: {  	s8 =	sadd.s32 $0xFFFFE003, lr  }
0x1b: {  	s9 =	sadd.s32 $0xFFFFFEF7, lr;
	s5 =	simm.s32 $0xFFFFFFFF;
	p2 =	slt.u32 s8, $0xFFFFF086  }
0x1c: {  	p1 =	slt.u32 s9, $0xF7A;
	s5 =	simm.s32 @!p2 $0x0  }
0x1d: {  	s5 =	simm.s32 @p1 $0x1;
	p0 =	seq.s32 s7, s2  }
0x1e: {  	s7 =	smul.u32 @!p0 $0xF7A, s2;
	p2 =	seq.s32 @!p0 s5, $0x0  }
0x1f: {  	s9 =	smul.u32 $0xF7A, s1;
	s8 =	simm.s32 @!p0 $0x1BF5;
	p2 =	por !p2, p0  }
0x20: {  	[sflag:s8] =	ssyncset.s32 @!p0 $0xFFFFF086;
	s6 =	sadd.s32 @!p0 s3, s7;
	s7 =	simm.s32 @!p0 $0x108  }
0x21: {  	s3 =	sadd.s32 s3, s9;
	s6 =	sadd.s32 @!p0 $0x88, s6;
	s7 =	simm.s32 @p2 $0x1082  }
0x22: {  	[simem:s7], [sflag:s8] =	dma.local @!p0 [hbm:s6], $0xF7A  }
0x23: {  	s9 =	sor.u32 $0xD0000000, s2;
	s6 =	simm.s32 $0x108;
	_ =	swait.ge @!p0 [sflag:s8], $0x0  }
0x24: {  	s3 =	sadd.s32 $0x88, s3;
	s6 =	simm.s32 @!p1 $0x1082;
	[sflag:s4] =	ssyncset.s32 $0xFFFFF086  }
0x25: {  	[simem:s6], [sflag:s4] =	dma.local [hbm:s3], $0xF7A  }
0x26: {  	[smem:$0x3F9B] =	sst s1;
	(tag) =	ssettag s2;
	_ =	strace s9  }
0x27: {  	s1 =	sld [smem:$0x3FAB]  }
0x28: {  	s2 =	sld [smem:$0x3FAC]  }
0x29: {  	s4 =	sld [smem:$0x3FAE]  }
0x2a: {  	p0 =	seq.s32 s5, $0x0;
	s5 =	sld [smem:$0x3FAF]  }
0x2b: {  	s6 =	sld [smem:$0x3FB0]  }
0x2c: {  	s7 =	sld [smem:$0x3FB1]  }
0x2d: {  	s3 =	simm.s32 $0x108;
	s8 =	sld [smem:$0x3FB2]  }
0x2e: {  	s3 =	simm.s32 @!p0 $0x1082;
	s9 =	sld [smem:$0x3FB3]  }
0x2f: {  	lr =	sadd.s32 s0, s3;
	s0 =	sld [smem:$0x3FAA]  }
0x30: {  	s3 =	sld [smem:$0x3FAD]  }
0x31: {  	[smem:$0x3FB6] =	sst s10  }
0x32: {  	s10 =	sld [smem:$0x3FB4];
	_ =	sdelay $0x3  }
0x33: {  	p0 =	seq.s32 s10, $0x1;
	s10 =	sld [smem:$0x3FB6];
	_ =	sdelay $0x3  }
0x34: {  	[smem:$0x3FB6] =	sst s10  }
0x35: {  	s10 =	sld [smem:$0x3FB5];
	_ =	sdelay $0x3  }
0x36: {  	p1 =	seq.s32 s10, $0x1;
	s10 =	sld [smem:$0x3FB6];
	_ =	sdelay $0x3  }
0x37: {  	[smem:$0x3FB6] =	sst s10  }
0x38: {  	s10 =	sld [smem:$0x3FB7]  }
0x39: {  	_ = 	snop;
	(pc) =	sbr.ind lr, $3  }
0x3a: {  	_ = 	snop  }
0x3b: {  	_ = 	snop  }
0x3c: {  	p2 =	seq.s32 s10, $0x1;
	s10 =	sld [smem:$0x3FB6]  }
0x3d: {  	_ =	shalt  }
0x3e: {  	_ =	shalt  }
0x3f: {  	_ =	shalt  }
0x40: {  	_ =	shalt  }
0x41: {  	_ =	shalt  }
0x42: {  	_ =	shalt  }
0x43: {  	_ =	shalt  }
0x44: {  	_ =	shalt  }
0x45: {  	_ =	shalt  }
0x46: {  	_ =	shalt  }
0x47: {  	_ =	shalt  }
0x48: {  	_ =	shalt  }
0x49: {  	_ =	shalt  }
0x4a: {  	_ =	shalt  }
0x4b: {  	_ =	shalt  }
0x4c: {  	_ =	shalt  }
0x4d: {  	_ =	shalt  }
0x4e: {  	_ =	shalt  }
0x4f: {  	_ =	shalt  }
0x50: {  	_ =	shalt  }
0x51: {  	_ =	shalt  }
0x52: {  	_ =	shalt  }
0x53: {  	_ =	shalt  }
0x54: {  	_ =	shalt  }
0x55: {  	_ =	shalt  }
0x56: {  	_ =	shalt  }
0x57: {  	_ =	shalt  }
0x58: {  	_ =	shalt  }
0x59: {  	_ =	shalt  }
0x5a: {  	_ =	shalt  }
0x5b: {  	_ =	shalt  }
0x5c: {  	_ =	shalt  }
0x5d: {  	_ =	shalt  }
0x5e: {  	_ =	shalt  }
0x5f: {  	_ =	shalt  }
0x60: {  	_ =	shalt  }
0x61: {  	_ =	shalt  }
0x62: {  	_ =	shalt  }
0x63: {  	_ =	shalt  }
0x64: {  	_ =	shalt  }
0x65: {  	_ =	shalt  }
0x66: {  	_ =	shalt  }
0x67: {  	_ =	shalt  }
0x68: {  	_ =	shalt  }
0x69: {  	_ =	shalt  }
0x6a: {  	_ =	shalt  }
0x6b: {  	_ =	shalt  }
0x6c: {  	_ =	shalt  }
0x6d: {  	_ =	shalt  }
0x6e: {  	_ =	shalt  }
0x6f: {  	_ =	shalt  }
0x70: {  	_ =	shalt  }
0x71: {  	_ =	shalt  }
0x72: {  	_ =	shalt  }
0x73: {  	_ =	shalt  }
0x74: {  	_ =	shalt  }
0x75: {  	_ =	shalt  }
0x76: {  	_ =	shalt  }
0x77: {  	_ =	shalt  }
0x78: {  	_ =	shalt  }
0x79: {  	_ =	shalt  }
0x7a: {  	_ =	shalt  }
0x7b: {  	_ =	shalt  }
0x7c: {  	_ =	shalt  }
0x7d: {  	_ =	shalt  }
0x7e: {  	_ =	shalt  }
0x7f: {  	_ =	shalt  }
0x80: {  	_ =	shalt  }
0x81: {  	_ =	shalt  }
0x82: {  	_ =	shalt  }
0x83: {  	_ =	shalt  }
0x84: {  	_ =	shalt  }
0x85: {  	_ =	shalt  }
0x86: {  	_ =	shalt  }
0x87: {  	_ =	shalt  }
.Lfunc_end0:
.L_simem_size_0:
called_computation.2_lowered:
.L_overlay_start_0:
0x88: {  	s2 =	sld [smem:$0x3FD9]  }
0x89: {  	s3 =	sld [smem:$0x3FFE];
	_ =	sdelay $0x1  }
0x8a: {  	s1 =	srdreg.scid  }
0x8b: {  	s0 =	sand.u32 $0x1, s1  }
0x8c: {  	s17 =	sshll.u32 s0, $0xA;
	s2 =	sadd.s32 s3, s2  }
0x8d: {  	s2 =	sadd.s32 s2, s17  }
0x8e: {  	[smem:$0x3FC2] =	sst s2  }
0x8f: {  	_ = 	snop  }
0x90: {  	s18 =	sld [smem:$0x3FC8];
	(tm) =	ssettm $0x1  }
0x91: {  	s19 =	sld [smem:$0x3FFB];
	_ =	sdelay $0x3  }
0x92: {  	_ =	strace s19  }
0x93: {  	s2 =	sld [smem:$0x3FFC];
	_ =	sdelay $0x3  }
0x94: {  	_ =	strace s2  }
0x95: {  	s2 =	sld [smem:$0x3FFD];
	_ =	sdelay $0x3  }
0x96: {  	_ =	strace s2  }
0x97: {  	_ =	strace $0x8FFFFFFF  }
0x98: {  	s20 =	sld [smem:$0x3FDB];
	_ =	sdelay $0x1  }
0x99: {  	s4 =	simm.s32 $_scs_section_size  }
0x9a: {  	s5 =	simm.s32 $_size__tile_overlayer_lowered;
	s6 =	simm.s32 $_tile_overlayer_lowered  }
0x9b: {  	s7 =	simm.s32 $0x1BFF;
	s21 =	sshll.u32 s6, $0x1;
	s4 =	sadd.s32 s4, s20  }
0x9c: {  	s22 =	simm.s32 $0x0;
	s5 =	sshll.u32 s5, $0x1;
	s6 =	sadd.s32 s21, s4  }
0x9d: {  	[timem:s22], [sflag:s7] =	dma.local [hbm:s6], s5  }
0x9e: {  	_ =	swait.ge [sflag:s7], s5  }
0x9f: {  	s5 =	ssub.s32 $0x0, s5;
	[sflag:s7] =	ssyncset.done $0x0  }
0xa0: {  	[sflag:s7] =	ssyncadd.s32 s5;
	_ =	sdelay $0x1  }
0xa1: {  	s23 =	simm.s32 $0x1B8B  }
0xa2: {  	_ =	swait.ge [sflag:s23], $0x1  }
0xa3: {  	[sflag:s23] =	ssyncset.done $0x0  }
0xa4: {  	[sflag:s23] =	ssyncadd.s32 $0xFFFFFFFF  }
0xa5: {  	s5 =	sld [smem:$0x0]  }
0xa6: {  	s6 =	sand.u32 $0xFFFFFFFE, s1  }
0xa7: {  	p0 =	sne.s32 s1, s6  }
0xa8: {  	s6 =	sshll.u32 @p0 s6, $0xE  }
0xa9: {  	s6 =	sadd.s32 @p0 $0x11B8D, s6;
	s7 =	sshll.u32 @p0 s5, $0x11  }
0xaa: {  	s6 =	sor.u32 @p0 s7, s6  }
0xab: {  	[sflag:s6] =	ssyncadd.remote.s32 @p0 $0x1;
	_ =	sdelay $0x1  }
0xac: {  	s6 =	simm.s32 @p0 $0x1B8D  }
0xad: {  	_ =	swait.eq @p0 [sflag:s6], $0x1  }
0xae: {  	[sflag:s6] =	ssyncadd.s32 @p0 $0xFFFFFFFF  }
0xaf: {  	s7 =	sshll.u32 @!p0 s1, $0xE  }
0xb0: {  	s7 =	sor.u32 @!p0 $0x4000, s7;
	s6 =	simm.s32 @!p0 $0x1B8D  }
0xb1: {  	s5 =	sshll.u32 @!p0 s5, $0x11;
	s7 =	sadd.s32 @!p0 $0x11B8D, s7;
	_ =	swait.eq @!p0 [sflag:s6], $0x1  }
0xb2: {  	s5 =	sor.u32 @!p0 s5, s7;
	[sflag:s6] =	ssyncadd.s32 @!p0 $0xFFFFFFFF  }
0xb3: {  	s25 =	simm.s32 $0x1B8E;
	s24 =	sld [smem:$0x3FFE];
	[sflag:s5] =	ssyncadd.remote.s32 @!p0 $0x1  }
0xb4: {  	s26 =	simm.s32 $execute0_lowered;
	[smem:$0x3FD2] =	sst s25  }
0xb5: {  	s6 =	sshll.u32 s26, $0x1;
	_ =	strace $0x8000004C;
	[dreg:$0x1] =	wrdreg $0xFFFFFFFF  }
0xb6: {  	s28 =	simm.s32 $_size_execute0_lowered;
	s4 =	sadd.s32 s4, s6;
	[dreg:$0x0] =	wrdreg $0x0  }
0xb7: {  	s6 =	sshll.u32 s28, $0x1;
	[dreg:$0x2] =	wrdreg s4  }
0xb8: {  	[dreg:$0x3] =	wrdreg s6  }
0xb9: {  	[dreg:$0x4] =	wrdreg $0xC0  }
0xba: {  	_ =	task [dreg:s22], $0x5FFFF  }
0xbb: {  	[dreg:$0x1] =	wrdreg $0xFFFFFFFF  }
0xbc: {  	[dreg:$0x0] =	wrdreg $0x60  }
0xbd: {  	[dreg:$0x2] =	wrdreg s18  }
0xbe: {  	[dreg:$0x3] =	wrdreg s24  }
0xbf: {  	[dreg:$0x4] =	wrdreg $0xB  }
0xc0: {  	_ =	task.clear_ibuf [dreg:s22], $0x5FFFF;
	_ =	strace $0x9000004C  }
0xc1: {  	s29 =	simm.s32 $0xB;
	_ =	strace $0x8000004E  }
0xc2: {  	_ =	swait.ge [sflag:s29], $0x1  }
0xc3: {  	[sflag:s29] =	ssyncadd.s32 $0xFFFFFFFF  }
0xc4: {  	_ =	strace $0x9000004E  }
0xc5: {  	_ =	sfence  }
0xc6: {  	s30 =	sld [smem:$0x0];
	_ =	sdelay $0x2  }
0xc7: {  	s31 =	sshll.u32 s1, $0xD;
	s1 =	sshrl.u32 s1, $0x2  }
0xc8: {  	s4 =	sand.u32 $0x4000, s31;
	s1 =	sadd.s32 s1, s30  }
0xc9: {  	s0 =	sor.u32 s4, s0;
	s1 =	sshll.u32 s1, $0x11  }
0xca: {  	s0 =	sor.u32 s1, s0  }
0xcb: {  	s0 =	sadd.s32 $0x8F2B, s0  }
0xcc: {  	[sflag:s0] =	ssyncadd.remote.s32 $0x1  }
0xcd: {  	_ =	sfence.sel $0xFFFF  }
0xce: {  	[dreg:$0x0] =	wrdreg $0xFFFFFFFF;
	(pc) =	sbr.abs _section_cstart, $3  }
0xcf: {  	[dreg:$0x1] =	wrdreg $0xFFFFFFFF  }
0xd0: {  	_ =	task.clear_ibuf [dreg:s22], $0x2FFFF;
	_ =	strace $0x9FFFFFFF  }
0xd1: {  	(tm) =	ssettm $0x7FFFFFFF  }
tec
execute0_lowered:
.L_overlay_start_1:
0x0: {  	(tag) =	ssettag $0x1  }
0x1: {  	s0 =	srdreg.scid  }
0x2: {  	s2 =	rddreg [dreg:$0x0];
	s3 =	stileid.u32  }
0x3: {  	s1 =	rddreg [dreg:$0x1];
	s15 =	simm.s32 $0x900;
	s16 =	simm.s32 $0x1100  }
0x4: {  	s17 =	simm.s32 $0x1900;
	s18 =	simm.s32 $0x2100;
	s19 =	simm.s32 $0x2900  }
0x5: {  	s20 =	simm.s32 $0x3100;
	s21 =	simm.s32 $0x3900;
	s22 =	simm.s32 $0x4100  }
0x6: {  	s28 =	simm.s32 $0x6900;
	s29 =	simm.s32 $0x7100;
	s30 =	simm.s32 $0x7900  }
0x7: {  	s31 =	simm.s32 $0x8100;
	s9 =	simm.s32 $0xA100;
	s10 =	simm.s32 $0xB100  }
0x8: {  	s11 =	simm.s32 $0xB900;
	s12 =	simm.s32 $0xC100;
	s0 =	sand.u32 $0x1, s0  }
0x9: {  	s4 =	sshll.u32 s3, $0x6;
	s3 =	simm.s32 $0x0;
	s5 =	sshll.u32 s0, $0x5  }
0xa: {  	s13 =	simm.s32 $0x1;
	[smem:$0x7FF] =	sst s3;
	s4 =	sor.u32 s5, s4  }
0xb: {  	s0 =	ssub.s32 $0x2, s0;
	_ =	strace $0x8000004D;
	s5 =	smul.u32 $0x300, s4  }
0xc: {  	s25 =	sshrl.u32 s0, $0x1;
	s6 =	smul.u32 $0x1800, s4;
	s4 =	sadd.s32 s4, s1  }
0xd: {  	s1 =	sadd.s32 $0x182400, s1;
	s0 =	ssub.s32 s0, s25;
	s25 =	simm.s32 $0x5900  }
0xe: {  	s4 =	sadd.s32 $0xC1C00, s4;
	s8 =	smax.u32 s0, $0x1;
	s7 =	sadd.s32 s1, s5  }
0xf: {  	s23 =	sshrl.u32 s6, $0x3;
	[dreg:$0x3] =	wrdreg s4;
	s5 =	sadd.s32 $0x100, s2  }
0x10: {  	[dreg:$0x7] =	wrdreg s7;
	s24 =	sadd.s32 $0x1800, s7;
	s1 =	sadd.s32 s1, s23  }
0x11: {  	v2 =	vlaneseq.u32;
	s6 =	sadd.s32 $0x200, s2;
	[dreg:$0x4] =	wrdreg s24;
	s26 =	sadd.s32 $0x3000, s1  }
0x12: {  	vm0 =	vmmov $0xffff;
	v1 =	vshrl.u32 v2, $0x3;
	s23 =	simm.s32 $0x4900;
	s1 =	sadd.s32 $0x4800, s1;
	[dreg:$0x5] =	wrdreg s26  }
0x13: {  	v0 =	vand.u32 $0x7, v2;
	v2 =	vor.u32 $0x8, v2;
	v1 =	vmul.u32 $0x8, v1;
	s24 =	simm.s32 $0x5100;
	[dreg:$0x6] =	wrdreg s1;
	s26 =	simm.s32 $0x6100  }
.LBB2_1:
0x14: {  	s14 =	rddreg [dreg:$0x3];
	s0 =	simm.s32 $0x5  }
0x15: {  	[tilespmem:s3], [sflag:$0x5] =	stream.linear.gather [hbm4b:s14+s3], $0x100, $0x38;
	[tilespmem:$0x18100] =	vst v63  }
0x16: {  	_ =	swait.ge [sflag:s0], $0x100  }
0x17: {  	[sflag:s0] =	ssyncset.done $0x0  }
0x18: {  	[sflag:s0] =	ssyncadd.s32 $0xFFFFFF00  }
0x19: {  	v3 =	vld [tilespmem:$0x0];
	_ =	sdelay $0x4  }
0x1a: {  	v4 =	vshrl.u32 v3, $0x3  }
0x1b: {  	v4 =	vmul.u32 $0x30, v4  }
0x1c: {  	v3 =	vand.u32 $0x7, v3  }
0x1d: {  	v3 =	vor.u32 v3, v4  }
0x1e: {  	v4 =	vperm.xlane v3, v0;
	_ =	sdelay $0x1  }
0x1f: {  	v4 =	vadd.s32 v1, v4;
	_ =	sdelay $0x3  }
0x20: {  	s1 =	simm.s32 $0x100;
	v3 =	vperm.xlane v3, v2  }
0x21: {  	[tilespmem:s1], [sflag:$0x1] =	stream.indirect_vreg.gather [hbm4b:s2+s3], $0x80, v4, vm0, $0xb8;
	[tilespmem:$0x18100] =	vst v63  }
0x22: {  	v3 =	vadd.s32 v1, v3  }
0x23: {  	[tilespmem:s15], [sflag:$0x1] =	stream.indirect_vreg.gather [hbm4b:s5+s3], $0x80, v4, vm0, $0xb8;
	[tilespmem:$0x18100] =	vst v63  }
0x24: {  	_ = 	snop  }
0x25: {  	[tilespmem:s16], [sflag:$0x1] =	stream.indirect_vreg.gather [hbm4b:s6+s3], $0x80, v4, vm0, $0xb8;
	[tilespmem:$0x18100] =	vst v63  }
0x26: {  	_ = 	snop  }
0x27: {  	[tilespmem:s17], [sflag:$0x1] =	stream.indirect_vreg.gather [hbm4b:s2+s3], $0x80, v3, vm0, $0xb8;
	[tilespmem:$0x18100] =	vst v63  }
0x28: {  	_ = 	snop  }
0x29: {  	[tilespmem:s18], [sflag:$0x1] =	stream.indirect_vreg.gather [hbm4b:s5+s3], $0x80, v3, vm0, $0xb8;
	[tilespmem:$0x18100] =	vst v63  }
0x2a: {  	_ = 	snop  }
0x2b: {  	[tilespmem:s19], [sflag:$0x1] =	stream.indirect_vreg.gather [hbm4b:s6+s3], $0x80, v3, vm0, $0xb8;
	[tilespmem:$0x18100] =	vst v63  }
0x2c: {  	v3 =	vld [tilespmem:$0x10];
	_ =	sdelay $0x4  }
0x2d: {  	v49 =	vshrl.u32 v3, $0x3  }
0x2e: {  	v4 =	vmul.u32 $0x30, v49  }
0x2f: {  	v3 =	vand.u32 $0x7, v3  }
0x30: {  	v3 =	vor.u32 v3, v4  }
0x31: {  	v4 =	vperm.xlane v3, v0;
	_ =	sdelay $0x1  }
0x32: {  	v4 =	vadd.s32 v1, v4;
	_ =	sdelay $0x3  }
0x33: {  	v3 =	vperm.xlane v3, v2  }
0x34: {  	[tilespmem:s20], [sflag:$0x1] =	stream.indirect_vreg.gather [hbm4b:s2+s3], $0x80, v4, vm0, $0xb8;
	[tilespmem:$0x18100] =	vst v63  }
0x35: {  	v3 =	vadd.s32 v1, v3  }
0x36: {  	[tilespmem:s21], [sflag:$0x1] =	stream.indirect_vreg.gather [hbm4b:s5+s3], $0x80, v4, vm0, $0xb8;
	[tilespmem:$0x18100] =	vst v63  }
0x37: {  	_ = 	snop  }
0x38: {  	[tilespmem:s22], [sflag:$0x1] =	stream.indirect_vreg.gather [hbm4b:s6+s3], $0x80, v4, vm0, $0xb8;
	[tilespmem:$0x18100] =	vst v63  }
0x39: {  	_ = 	snop  }
0x3a: {  	[tilespmem:s23], [sflag:$0x1] =	stream.indirect_vreg.gather [hbm4b:s2+s3], $0x80, v3, vm0, $0xb8;
	[tilespmem:$0x18100] =	vst v63  }
0x3b: {  	_ = 	snop  }
0x3c: {  	[tilespmem:s24], [sflag:$0x1] =	stream.indirect_vreg.gather [hbm4b:s5+s3], $0x80, v3, vm0, $0xb8;
	[tilespmem:$0x18100] =	vst v63  }
0x3d: {  	_ = 	snop  }
0x3e: {  	[tilespmem:s25], [sflag:$0x1] =	stream.indirect_vreg.gather [hbm4b:s6+s3], $0x80, v3, vm0, $0xb8;
	[tilespmem:$0x18100] =	vst v63  }
0x3f: {  	v3 =	vld [tilespmem:$0x20];
	_ =	sdelay $0x4  }
0x40: {  	v50 =	vshrl.u32 v3, $0x3  }
0x41: {  	v4 =	vmul.u32 $0x30, v50  }
0x42: {  	v3 =	vand.u32 $0x7, v3  }
0x43: {  	v3 =	vor.u32 v3, v4  }
0x44: {  	v4 =	vperm.xlane v3, v0;
	_ =	sdelay $0x1  }
0x45: {  	v4 =	vadd.s32 v1, v4;
	_ =	sdelay $0x3  }
0x46: {  	v3 =	vperm.xlane v3, v2  }
0x47: {  	[tilespmem:s26], [sflag:$0x1] =	stream.indirect_vreg.gather [hbm4b:s2+s3], $0x80, v4, vm0, $0xb8;
	[tilespmem:$0x18100] =	vst v63  }
0x48: {  	v3 =	vadd.s32 v1, v3  }
0x49: {  	[tilespmem:s28], [sflag:$0x1] =	stream.indirect_vreg.gather [hbm4b:s5+s3], $0x80, v4, vm0, $0xb8;
	[tilespmem:$0x18100] =	vst v63  }
0x4a: {  	_ = 	snop  }
0x4b: {  	[tilespmem:s29], [sflag:$0x1] =	stream.indirect_vreg.gather [hbm4b:s6+s3], $0x80, v4, vm0, $0xb8;
	[tilespmem:$0x18100] =	vst v63  }
0x4c: {  	_ = 	snop  }
0x4d: {  	[tilespmem:s30], [sflag:$0x1] =	stream.indirect_vreg.gather [hbm4b:s2+s3], $0x80, v3, vm0, $0xb8;
	[tilespmem:$0x18100] =	vst v63  }
0x4e: {  	_ = 	snop  }
0x4f: {  	[tilespmem:s31], [sflag:$0x1] =	stream.indirect_vreg.gather [hbm4b:s5+s3], $0x80, v3, vm0, $0xb8;
	[tilespmem:$0x18100] =	vst v63  }
0x50: {  	s1 =	simm.s32 $0x8900  }
0x51: {  	[tilespmem:s1], [sflag:$0x1] =	stream.indirect_vreg.gather [hbm4b:s6+s3], $0x80, v3, vm0, $0xb8;
	[tilespmem:$0x18100] =	vst v63  }
0x52: {  	v3 =	vld [tilespmem:$0x30];
	_ =	sdelay $0x4  }
0x53: {  	v51 =	vshrl.u32 v3, $0x3  }
0x54: {  	v4 =	vmul.u32 $0x30, v51  }
0x55: {  	v3 =	vand.u32 $0x7, v3  }
0x56: {  	v3 =	vor.u32 v3, v4  }
0x57: {  	v4 =	vperm.xlane v3, v0;
	_ =	sdelay $0x1  }
0x58: {  	v4 =	vadd.s32 v1, v4;
	_ =	sdelay $0x3  }
0x59: {  	s4 =	simm.s32 $0x9100;
	v3 =	vperm.xlane v3, v2  }
0x5a: {  	[tilespmem:s4], [sflag:$0x1] =	stream.indirect_vreg.gather [hbm4b:s2+s3], $0x80, v4, vm0, $0xb8;
	[tilespmem:$0x18100] =	vst v63  }
0x5b: {  	s7 =	simm.s32 $0x9900;
	v3 =	vadd.s32 v1, v3  }
0x5c: {  	[tilespmem:s7], [sflag:$0x1] =	stream.indirect_vreg.gather [hbm4b:s5+s3], $0x80, v4, vm0, $0xb8;
	[tilespmem:$0x18100] =	vst v63  }
0x5d: {  	_ = 	snop  }
0x5e: {  	[tilespmem:s9], [sflag:$0x1] =	stream.indirect_vreg.gather [hbm4b:s6+s3], $0x80, v4, vm0, $0xb8;
	[tilespmem:$0x18100] =	vst v63  }
0x5f: {  	s4 =	simm.s32 $0xA900  }
0x60: {  	[tilespmem:s4], [sflag:$0x1] =	stream.indirect_vreg.gather [hbm4b:s2+s3], $0x80, v3, vm0, $0xb8;
	[tilespmem:$0x18100] =	vst v63  }
0x61: {  	_ = 	snop  }
0x62: {  	[tilespmem:s10], [sflag:$0x1] =	stream.indirect_vreg.gather [hbm4b:s5+s3], $0x80, v3, vm0, $0xb8;
	[tilespmem:$0x18100] =	vst v63  }
0x63: {  	_ = 	snop  }
0x64: {  	[tilespmem:s11], [sflag:$0x1] =	stream.indirect_vreg.gather [hbm4b:s6+s3], $0x80, v3, vm0, $0xb8;
	[tilespmem:$0x18100] =	vst v63  }
0x65: {  	v3 =	vld [tilespmem:$0x40];
	_ =	sdelay $0x4  }
0x66: {  	v52 =	vshrl.u32 v3, $0x3  }
0x67: {  	v4 =	vmul.u32 $0x30, v52  }
0x68: {  	v3 =	vand.u32 $0x7, v3  }
0x69: {  	v3 =	vor.u32 v3, v4  }
0x6a: {  	v4 =	vperm.xlane v3, v0;
	_ =	sdelay $0x1  }
0x6b: {  	v4 =	vadd.s32 v1, v4;
	_ =	sdelay $0x3  }
0x6c: {  	v3 =	vperm.xlane v3, v2  }
0x6d: {  	[tilespmem:s12], [sflag:$0x2] =	stream.indirect_vreg.gather [hbm4b:s2+s3], $0x80, v4, vm0, $0xb8;
	[tilespmem:$0x18100] =	vst v63  }
0x6e: {  	s14 =	simm.s32 $0xC900;
	v3 =	vadd.s32 v1, v3  }
0x6f: {  	[tilespmem:s14], [sflag:$0x2] =	stream.indirect_vreg.gather [hbm4b:s5+s3], $0x80, v4, vm0, $0xb8;
	[tilespmem:$0x18100] =	vst v63  }
0x70: {  	s7 =	simm.s32 $0xD100  }
0x71: {  	[tilespmem:s7], [sflag:$0x2] =	stream.indirect_vreg.gather [hbm4b:s6+s3], $0x80, v4, vm0, $0xb8;
	[tilespmem:$0x18100] =	vst v63  }
0x72: {  	s14 =	simm.s32 $0xD900  }
0x73: {  	[tilespmem:s14], [sflag:$0x2] =	stream.indirect_vreg.gather [hbm4b:s2+s3], $0x80, v3, vm0, $0xb8;
	[tilespmem:$0x18100] =	vst v63  }
0x74: {  	s7 =	simm.s32 $0xE100  }
0x75: {  	[tilespmem:s7], [sflag:$0x2] =	stream.indirect_vreg.gather [hbm4b:s5+s3], $0x80, v3, vm0, $0xb8;
	[tilespmem:$0x18100] =	vst v63  }
0x76: {  	s14 =	simm.s32 $0xE900  }
0x77: {  	[tilespmem:s14], [sflag:$0x2] =	stream.indirect_vreg.gather [hbm4b:s6+s3], $0x80, v3, vm0, $0xb8;
	[tilespmem:$0x18100] =	vst v63  }
0x78: {  	v3 =	vld [tilespmem:$0x50];
	_ =	sdelay $0x4  }
0x79: {  	v53 =	vshrl.u32 v3, $0x3  }
0x7a: {  	v4 =	vmul.u32 $0x30, v53  }
0x7b: {  	v3 =	vand.u32 $0x7, v3  }
0x7c: {  	v3 =	vor.u32 v3, v4  }
0x7d: {  	v4 =	vperm.xlane v3, v0;
	_ =	sdelay $0x1  }
0x7e: {  	v4 =	vadd.s32 v1, v4;
	_ =	sdelay $0x3  }
0x7f: {  	s7 =	simm.s32 $0xF100;
	v3 =	vperm.xlane v3, v2  }
0x80: {  	[tilespmem:s7], [sflag:$0x2] =	stream.indirect_vreg.gather [hbm4b:s2+s3], $0x80, v4, vm0, $0xb8;
	[tilespmem:$0x18100] =	vst v63  }
0x81: {  	s14 =	simm.s32 $0xF900;
	v3 =	vadd.s32 v1, v3  }
0x82: {  	[tilespmem:s14], [sflag:$0x2] =	stream.indirect_vreg.gather [hbm4b:s5+s3], $0x80, v4, vm0, $0xb8;
	[tilespmem:$0x18100] =	vst v63  }
0x83: {  	s7 =	simm.s32 $0x10100  }
0x84: {  	[tilespmem:s7], [sflag:$0x2] =	stream.indirect_vreg.gather [hbm4b:s6+s3], $0x80, v4, vm0, $0xb8;
	[tilespmem:$0x18100] =	vst v63  }
0x85: {  	s14 =	simm.s32 $0x10900  }
0x86: {  	[tilespmem:s14], [sflag:$0x2] =	stream.indirect_vreg.gather [hbm4b:s2+s3], $0x80, v3, vm0, $0xb8;
	[tilespmem:$0x18100] =	vst v63  }
0x87: {  	s7 =	simm.s32 $0x11100  }
0x88: {  	[tilespmem:s7], [sflag:$0x2] =	stream.indirect_vreg.gather [hbm4b:s5+s3], $0x80, v3, vm0, $0xb8;
	[tilespmem:$0x18100] =	vst v63  }
0x89: {  	s14 =	simm.s32 $0x11900  }
0x8a: {  	[tilespmem:s14], [sflag:$0x2] =	stream.indirect_vreg.gather [hbm4b:s6+s3], $0x80, v3, vm0, $0xb8;
	[tilespmem:$0x18100] =	vst v63  }
0x8b: {  	v3 =	vld [tilespmem:$0x60];
	_ =	sdelay $0x4  }
0x8c: {  	v54 =	vshrl.u32 v3, $0x3  }
0x8d: {  	v4 =	vmul.u32 $0x30, v54  }
0x8e: {  	v3 =	vand.u32 $0x7, v3  }
0x8f: {  	v3 =	vor.u32 v3, v4  }
0x90: {  	v4 =	vperm.xlane v3, v0;
	_ =	sdelay $0x1  }
0x91: {  	v4 =	vadd.s32 v1, v4;
	_ =	sdelay $0x3  }
0x92: {  	s7 =	simm.s32 $0x12100;
	v3 =	vperm.xlane v3, v2  }
0x93: {  	[tilespmem:s7], [sflag:$0x2] =	stream.indirect_vreg.gather [hbm4b:s2+s3], $0x80, v4, vm0, $0xb8;
	[tilespmem:$0x18100] =	vst v63  }
0x94: {  	s14 =	simm.s32 $0x12900;
	v3 =	vadd.s32 v1, v3  }
0x95: {  	[tilespmem:s14], [sflag:$0x2] =	stream.indirect_vreg.gather [hbm4b:s5+s3], $0x80, v4, vm0, $0xb8;
	[tilespmem:$0x18100] =	vst v63  }
0x96: {  	s7 =	simm.s32 $0x13100  }
0x97: {  	[tilespmem:s7], [sflag:$0x2] =	stream.indirect_vreg.gather [hbm4b:s6+s3], $0x80, v4, vm0, $0xb8;
	[tilespmem:$0x18100] =	vst v63  }
0x98: {  	s14 =	simm.s32 $0x13900  }
0x99: {  	[tilespmem:s14], [sflag:$0x2] =	stream.indirect_vreg.gather [hbm4b:s2+s3], $0x80, v3, vm0, $0xb8;
	[tilespmem:$0x18100] =	vst v63  }
0x9a: {  	s7 =	simm.s32 $0x14100  }
0x9b: {  	[tilespmem:s7], [sflag:$0x2] =	stream.indirect_vreg.gather [hbm4b:s5+s3], $0x80, v3, vm0, $0xb8;
	[tilespmem:$0x18100] =	vst v63  }
0x9c: {  	s14 =	simm.s32 $0x14900  }
0x9d: {  	[tilespmem:s14], [sflag:$0x2] =	stream.indirect_vreg.gather [hbm4b:s6+s3], $0x80, v3, vm0, $0xb8;
	[tilespmem:$0x18100] =	vst v63  }
0x9e: {  	v3 =	vld [tilespmem:$0x70];
	_ =	sdelay $0x4  }
0x9f: {  	v55 =	vshrl.u32 v3, $0x3  }
0xa0: {  	v4 =	vmul.u32 $0x30, v55  }
0xa1: {  	v3 =	vand.u32 $0x7, v3  }
0xa2: {  	v3 =	vor.u32 v3, v4  }
0xa3: {  	v4 =	vperm.xlane v3, v0;
	_ =	sdelay $0x1  }
0xa4: {  	v4 =	vadd.s32 v1, v4;
	_ =	sdelay $0x3  }
0xa5: {  	s7 =	simm.s32 $0x15100;
	v3 =	vperm.xlane v3, v2  }
0xa6: {  	[tilespmem:s7], [sflag:$0x2] =	stream.indirect_vreg.gather [hbm4b:s2+s3], $0x80, v4, vm0, $0xb8;
	[tilespmem:$0x18100] =	vst v63  }
0xa7: {  	s14 =	simm.s32 $0x15900;
	v3 =	vadd.s32 v1, v3  }
0xa8: {  	[tilespmem:s14], [sflag:$0x2] =	stream.indirect_vreg.gather [hbm4b:s5+s3], $0x80, v4, vm0, $0xb8;
	[tilespmem:$0x18100] =	vst v63  }
0xa9: {  	s7 =	simm.s32 $0x16100  }
0xaa: {  	[tilespmem:s7], [sflag:$0x2] =	stream.indirect_vreg.gather [hbm4b:s6+s3], $0x80, v4, vm0, $0xb8;
	[tilespmem:$0x18100] =	vst v63  }
0xab: {  	s14 =	simm.s32 $0x16900  }
0xac: {  	[tilespmem:s14], [sflag:$0x2] =	stream.indirect_vreg.gather [hbm4b:s2+s3], $0x80, v3, vm0, $0xb8;
	[tilespmem:$0x18100] =	vst v63  }
0xad: {  	s7 =	simm.s32 $0x17100  }
0xae: {  	[tilespmem:s7], [sflag:$0x2] =	stream.indirect_vreg.gather [hbm4b:s5+s3], $0x80, v3, vm0, $0xb8;
	[tilespmem:$0x18100] =	vst v63  }
0xaf: {  	s14 =	simm.s32 $0x17900  }
0xb0: {  	[tilespmem:s14], [sflag:$0x2] =	stream.indirect_vreg.gather [hbm4b:s6+s3], $0x80, v3, vm0, $0xb8;
	[tilespmem:$0x18100] =	vst v63  }
0xb1: {  	_ =	swait.ge [sflag:s13], $0xC000  }
0xb2: {  	[sflag:s13] =	ssyncset.done $0x0  }
0xb3: {  	s7 =	simm.s32 $0x100;
	s0 =	rddreg [dreg:$0x7];
	[sflag:s13] =	ssyncadd.s32 $0xFFFF4000  }
0xb4: {  	[hbm4b:s0+s3] =	stream.linear.scatter [tilespmem:s7], [sflag:$0x3], $0xC000, $0x38;
	[tilespmem:$0x18100] =	vst v63  }
0xb5: {  	s0 =	simm.s32 $0x3  }
0xb6: {  	_ =	swait.ge [sflag:s0], $0xC000  }
0xb7: {  	[sflag:s0] =	ssyncset.done $0x0  }
0xb8: {  	[sflag:s0] =	ssyncadd.s32 $0xFFFF4000  }
0xb9: {  	v3 =	vld [tilespmem:$0x80];
	_ =	sdelay $0x4  }
0xba: {  	v56 =	vshrl.u32 v3, $0x3  }
0xbb: {  	v4 =	vmul.u32 $0x30, v56  }
0xbc: {  	v3 =	vand.u32 $0x7, v3  }
0xbd: {  	v3 =	vor.u32 v3, v4  }
0xbe: {  	v4 =	vperm.xlane v3, v0;
	_ =	sdelay $0x1  }
0xbf: {  	v4 =	vadd.s32 v1, v4;
	_ =	sdelay $0x3  }
0xc0: {  	v3 =	vperm.xlane v3, v2  }
0xc1: {  	[tilespmem:s7], [sflag:$0x1] =	stream.indirect_vreg.gather [hbm4b:s2+s3], $0x80, v4, vm0, $0xb8;
	[tilespmem:$0x18100] =	vst v63  }
0xc2: {  	v3 =	vadd.s32 v1, v3  }
0xc3: {  	[tilespmem:s15], [sflag:$0x1] =	stream.indirect_vreg.gather [hbm4b:s5+s3], $0x80, v4, vm0, $0xb8;
	[tilespmem:$0x18100] =	vst v63  }
0xc4: {  	_ = 	snop  }
0xc5: {  	[tilespmem:s16], [sflag:$0x1] =	stream.indirect_vreg.gather [hbm4b:s6+s3], $0x80, v4, vm0, $0xb8;
	[tilespmem:$0x18100] =	vst v63  }
0xc6: {  	_ = 	snop  }
0xc7: {  	[tilespmem:s17], [sflag:$0x1] =	stream.indirect_vreg.gather [hbm4b:s2+s3], $0x80, v3, vm0, $0xb8;
	[tilespmem:$0x18100] =	vst v63  }
0xc8: {  	_ = 	snop  }
0xc9: {  	[tilespmem:s18], [sflag:$0x1] =	stream.indirect_vreg.gather [hbm4b:s5+s3], $0x80, v3, vm0, $0xb8;
	[tilespmem:$0x18100] =	vst v63  }
0xca: {  	_ = 	snop  }
0xcb: {  	[tilespmem:s19], [sflag:$0x1] =	stream.indirect_vreg.gather [hbm4b:s6+s3], $0x80, v3, vm0, $0xb8;
	[tilespmem:$0x18100] =	vst v63  }
0xcc: {  	v3 =	vld [tilespmem:$0x90];
	_ =	sdelay $0x4  }
0xcd: {  	v57 =	vshrl.u32 v3, $0x3  }
0xce: {  	v4 =	vmul.u32 $0x30, v57  }
0xcf: {  	v3 =	vand.u32 $0x7, v3  }
0xd0: {  	v3 =	vor.u32 v3, v4  }
0xd1: {  	v4 =	vperm.xlane v3, v0;
	_ =	sdelay $0x1  }
0xd2: {  	v4 =	vadd.s32 v1, v4;
	_ =	sdelay $0x3  }
0xd3: {  	v3 =	vperm.xlane v3, v2  }
0xd4: {  	[tilespmem:s20], [sflag:$0x1] =	stream.indirect_vreg.gather [hbm4b:s2+s3], $0x80, v4, vm0, $0xb8;
	[tilespmem:$0x18100] =	vst v63  }
0xd5: {  	v3 =	vadd.s32 v1, v3  }
0xd6: {  	[tilespmem:s21], [sflag:$0x1] =	stream.indirect_vreg.gather [hbm4b:s5+s3], $0x80, v4, vm0, $0xb8;
	[tilespmem:$0x18100] =	vst v63  }
0xd7: {  	_ = 	snop  }
0xd8: {  	[tilespmem:s22], [sflag:$0x1] =	stream.indirect_vreg.gather [hbm4b:s6+s3], $0x80, v4, vm0, $0xb8;
	[tilespmem:$0x18100] =	vst v63  }
0xd9: {  	_ = 	snop  }
0xda: {  	[tilespmem:s23], [sflag:$0x1] =	stream.indirect_vreg.gather [hbm4b:s2+s3], $0x80, v3, vm0, $0xb8;
	[tilespmem:$0x18100] =	vst v63  }
0xdb: {  	_ = 	snop  }
0xdc: {  	[tilespmem:s24], [sflag:$0x1] =	stream.indirect_vreg.gather [hbm4b:s5+s3], $0x80, v3, vm0, $0xb8;
	[tilespmem:$0x18100] =	vst v63  }
0xdd: {  	_ = 	snop  }
0xde: {  	[tilespmem:s25], [sflag:$0x1] =	stream.indirect_vreg.gather [hbm4b:s6+s3], $0x80, v3, vm0, $0xb8;
	[tilespmem:$0x18100] =	vst v63  }
0xdf: {  	v3 =	vld [tilespmem:$0xA0];
	_ =	sdelay $0x4  }
0xe0: {  	v58 =	vshrl.u32 v3, $0x3  }
0xe1: {  	v4 =	vmul.u32 $0x30, v58  }
0xe2: {  	v3 =	vand.u32 $0x7, v3  }
0xe3: {  	v3 =	vor.u32 v3, v4  }
0xe4: {  	v4 =	vperm.xlane v3, v0;
	_ =	sdelay $0x1  }
0xe5: {  	v4 =	vadd.s32 v1, v4;
	_ =	sdelay $0x3  }
0xe6: {  	v3 =	vperm.xlane v3, v2  }
0xe7: {  	[tilespmem:s26], [sflag:$0x1] =	stream.indirect_vreg.gather [hbm4b:s2+s3], $0x80, v4, vm0, $0xb8;
	[tilespmem:$0x18100] =	vst v63  }
0xe8: {  	v3 =	vadd.s32 v1, v3  }
0xe9: {  	[tilespmem:s28], [sflag:$0x1] =	stream.indirect_vreg.gather [hbm4b:s5+s3], $0x80, v4, vm0, $0xb8;
	[tilespmem:$0x18100] =	vst v63  }
0xea: {  	_ = 	snop  }
0xeb: {  	[tilespmem:s29], [sflag:$0x1] =	stream.indirect_vreg.gather [hbm4b:s6+s3], $0x80, v4, vm0, $0xb8;
	[tilespmem:$0x18100] =	vst v63  }
0xec: {  	_ = 	snop  }
0xed: {  	[tilespmem:s30], [sflag:$0x1] =	stream.indirect_vreg.gather [hbm4b:s2+s3], $0x80, v3, vm0, $0xb8;
	[tilespmem:$0x18100] =	vst v63  }
0xee: {  	_ = 	snop  }
0xef: {  	[tilespmem:s31], [sflag:$0x1] =	stream.indirect_vreg.gather [hbm4b:s5+s3], $0x80, v3, vm0, $0xb8;
	[tilespmem:$0x18100] =	vst v63  }
0xf0: {  	_ = 	snop  }
0xf1: {  	[tilespmem:s1], [sflag:$0x1] =	stream.indirect_vreg.gather [hbm4b:s6+s3], $0x80, v3, vm0, $0xb8;
	[tilespmem:$0x18100] =	vst v63  }
0xf2: {  	v3 =	vld [tilespmem:$0xB0];
	_ =	sdelay $0x4  }
0xf3: {  	v59 =	vshrl.u32 v3, $0x3  }
0xf4: {  	v4 =	vmul.u32 $0x30, v59  }
0xf5: {  	v3 =	vand.u32 $0x7, v3  }
0xf6: {  	v3 =	vor.u32 v3, v4  }
0xf7: {  	v4 =	vperm.xlane v3, v0;
	_ =	sdelay $0x1  }
0xf8: {  	v4 =	vadd.s32 v1, v4;
	_ =	sdelay $0x3  }
0xf9: {  	s7 =	simm.s32 $0x9100;
	v3 =	vperm.xlane v3, v2  }
0xfa: {  	[tilespmem:s7], [sflag:$0x1] =	stream.indirect_vreg.gather [hbm4b:s2+s3], $0x80, v4, vm0, $0xb8;
	[tilespmem:$0x18100] =	vst v63  }
0xfb: {  	s14 =	simm.s32 $0x9900;
	v3 =	vadd.s32 v1, v3  }
0xfc: {  	[tilespmem:s14], [sflag:$0x1] =	stream.indirect_vreg.gather [hbm4b:s5+s3], $0x80, v4, vm0, $0xb8;
	[tilespmem:$0x18100] =	vst v63  }
0xfd: {  	_ = 	snop  }
0xfe: {  	[tilespmem:s9], [sflag:$0x1] =	stream.indirect_vreg.gather [hbm4b:s6+s3], $0x80, v4, vm0, $0xb8;
	[tilespmem:$0x18100] =	vst v63  }
0xff: {  	_ = 	snop  }
0x100: {  	[tilespmem:s4], [sflag:$0x1] =	stream.indirect_vreg.gather [hbm4b:s2+s3], $0x80, v3, vm0, $0xb8;
	[tilespmem:$0x18100] =	vst v63  }
0x101: {  	_ = 	snop  }
0x102: {  	[tilespmem:s10], [sflag:$0x1] =	stream.indirect_vreg.gather [hbm4b:s5+s3], $0x80, v3, vm0, $0xb8;
	[tilespmem:$0x18100] =	vst v63  }
0x103: {  	s1 =	simm.s32 $0x2  }
0x104: {  	[tilespmem:s11], [sflag:$0x1] =	stream.indirect_vreg.gather [hbm4b:s6+s3], $0x80, v3, vm0, $0xb8;
	[tilespmem:$0x18100] =	vst v63  }
0x105: {  	_ =	swait.ge [sflag:s1], $0xC000  }
0x106: {  	[sflag:s1] =	ssyncset.done $0x0  }
0x107: {  	s4 =	simm.s32 $0x4;
	s7 =	rddreg [dreg:$0x4];
	[sflag:s1] =	ssyncadd.s32 $0xFFFF4000  }
0x108: {  	[hbm4b:s7+s3] =	stream.linear.scatter [tilespmem:s12], [sflag:$0x4], $0xC000, $0x38;
	[tilespmem:$0x18100] =	vst v63  }
0x109: {  	_ =	swait.ge [sflag:s4], $0xC000  }
0x10a: {  	[sflag:s4] =	ssyncset.done $0x0  }
0x10b: {  	[sflag:s4] =	ssyncadd.s32 $0xFFFF4000  }
0x10c: {  	v3 =	vld [tilespmem:$0xC0];
	_ =	sdelay $0x4  }
0x10d: {  	v60 =	vshrl.u32 v3, $0x3  }
0x10e: {  	v4 =	vmul.u32 $0x30, v60  }
0x10f: {  	v3 =	vand.u32 $0x7, v3  }
0x110: {  	v3 =	vor.u32 v3, v4  }
0x111: {  	v4 =	vperm.xlane v3, v0;
	_ =	sdelay $0x1  }
0x112: {  	v4 =	vadd.s32 v1, v4;
	_ =	sdelay $0x3  }
0x113: {  	v3 =	vperm.xlane v3, v2  }
0x114: {  	[tilespmem:s12], [sflag:$0x2] =	stream.indirect_vreg.gather [hbm4b:s2+s3], $0x80, v4, vm0, $0xb8;
	[tilespmem:$0x18100] =	vst v63  }
0x115: {  	s14 =	simm.s32 $0xC900;
	v3 =	vadd.s32 v1, v3  }
0x116: {  	[tilespmem:s14], [sflag:$0x2] =	stream.indirect_vreg.gather [hbm4b:s5+s3], $0x80, v4, vm0, $0xb8;
	[tilespmem:$0x18100] =	vst v63  }
0x117: {  	s14 =	simm.s32 $0xD100  }
0x118: {  	[tilespmem:s14], [sflag:$0x2] =	stream.indirect_vreg.gather [hbm4b:s6+s3], $0x80, v4, vm0, $0xb8;
	[tilespmem:$0x18100] =	vst v63  }
0x119: {  	s14 =	simm.s32 $0xD900  }
0x11a: {  	[tilespmem:s14], [sflag:$0x2] =	stream.indirect_vreg.gather [hbm4b:s2+s3], $0x80, v3, vm0, $0xb8;
	[tilespmem:$0x18100] =	vst v63  }
0x11b: {  	s14 =	simm.s32 $0xE100  }
0x11c: {  	[tilespmem:s14], [sflag:$0x2] =	stream.indirect_vreg.gather [hbm4b:s5+s3], $0x80, v3, vm0, $0xb8;
	[tilespmem:$0x18100] =	vst v63  }
0x11d: {  	s14 =	simm.s32 $0xE900  }
0x11e: {  	[tilespmem:s14], [sflag:$0x2] =	stream.indirect_vreg.gather [hbm4b:s6+s3], $0x80, v3, vm0, $0xb8;
	[tilespmem:$0x18100] =	vst v63  }
0x11f: {  	v3 =	vld [tilespmem:$0xD0];
	_ =	sdelay $0x4  }
0x120: {  	v61 =	vshrl.u32 v3, $0x3  }
0x121: {  	v4 =	vmul.u32 $0x30, v61  }
0x122: {  	v3 =	vand.u32 $0x7, v3  }
0x123: {  	v3 =	vor.u32 v3, v4  }
0x124: {  	v4 =	vperm.xlane v3, v0;
	_ =	sdelay $0x1  }
0x125: {  	v4 =	vadd.s32 v1, v4;
	_ =	sdelay $0x3  }
0x126: {  	s14 =	simm.s32 $0xF100;
	v3 =	vperm.xlane v3, v2  }
0x127: {  	[tilespmem:s14], [sflag:$0x2] =	stream.indirect_vreg.gather [hbm4b:s2+s3], $0x80, v4, vm0, $0xb8;
	[tilespmem:$0x18100] =	vst v63  }
0x128: {  	v3 =	vadd.s32 v1, v3;
	s14 =	simm.s32 $0xF900  }
0x129: {  	[tilespmem:s14], [sflag:$0x2] =	stream.indirect_vreg.gather [hbm4b:s5+s3], $0x80, v4, vm0, $0xb8;
	[tilespmem:$0x18100] =	vst v63  }
0x12a: {  	s14 =	simm.s32 $0x10100  }
0x12b: {  	[tilespmem:s14], [sflag:$0x2] =	stream.indirect_vreg.gather [hbm4b:s6+s3], $0x80, v4, vm0, $0xb8;
	[tilespmem:$0x18100] =	vst v63  }
0x12c: {  	s14 =	simm.s32 $0x10900  }
0x12d: {  	[tilespmem:s14], [sflag:$0x2] =	stream.indirect_vreg.gather [hbm4b:s2+s3], $0x80, v3, vm0, $0xb8;
	[tilespmem:$0x18100] =	vst v63  }
0x12e: {  	s14 =	simm.s32 $0x11100  }
0x12f: {  	[tilespmem:s14], [sflag:$0x2] =	stream.indirect_vreg.gather [hbm4b:s5+s3], $0x80, v3, vm0, $0xb8;
	[tilespmem:$0x18100] =	vst v63  }
0x130: {  	s14 =	simm.s32 $0x11900  }
0x131: {  	[tilespmem:s14], [sflag:$0x2] =	stream.indirect_vreg.gather [hbm4b:s6+s3], $0x80, v3, vm0, $0xb8;
	[tilespmem:$0x18100] =	vst v63  }
0x132: {  	v3 =	vld [tilespmem:$0xE0];
	_ =	sdelay $0x4  }
0x133: {  	v62 =	vshrl.u32 v3, $0x3  }
0x134: {  	v4 =	vmul.u32 $0x30, v62  }
0x135: {  	v3 =	vand.u32 $0x7, v3  }
0x136: {  	v3 =	vor.u32 v3, v4  }
0x137: {  	v4 =	vperm.xlane v3, v0;
	_ =	sdelay $0x1  }
0x138: {  	v4 =	vadd.s32 v1, v4;
	_ =	sdelay $0x3  }
0x139: {  	s14 =	simm.s32 $0x12100;
	v3 =	vperm.xlane v3, v2  }
0x13a: {  	[tilespmem:s14], [sflag:$0x2] =	stream.indirect_vreg.gather [hbm4b:s2+s3], $0x80, v4, vm0, $0xb8;
	[tilespmem:$0x18100] =	vst v63  }
0x13b: {  	v3 =	vadd.s32 v1, v3;
	s14 =	simm.s32 $0x12900  }
0x13c: {  	[tilespmem:s14], [sflag:$0x2] =	stream.indirect_vreg.gather [hbm4b:s5+s3], $0x80, v4, vm0, $0xb8;
	[tilespmem:$0x18100] =	vst v63  }
0x13d: {  	s14 =	simm.s32 $0x13100  }
0x13e: {  	[tilespmem:s14], [sflag:$0x2] =	stream.indirect_vreg.gather [hbm4b:s6+s3], $0x80, v4, vm0, $0xb8;
	[tilespmem:$0x18100] =	vst v63  }
0x13f: {  	s14 =	simm.s32 $0x13900  }
0x140: {  	[tilespmem:s14], [sflag:$0x2] =	stream.indirect_vreg.gather [hbm4b:s2+s3], $0x80, v3, vm0, $0xb8;
	[tilespmem:$0x18100] =	vst v63  }
0x141: {  	s14 =	simm.s32 $0x14100  }
0x142: {  	[tilespmem:s14], [sflag:$0x2] =	stream.indirect_vreg.gather [hbm4b:s5+s3], $0x80, v3, vm0, $0xb8;
	[tilespmem:$0x18100] =	vst v63  }
0x143: {  	s14 =	simm.s32 $0x14900  }
0x144: {  	[tilespmem:s14], [sflag:$0x2] =	stream.indirect_vreg.gather [hbm4b:s6+s3], $0x80, v3, vm0, $0xb8;
	[tilespmem:$0x18100] =	vst v63  }
0x145: {  	v3 =	vld [tilespmem:$0xF0];
	_ =	sdelay $0x4  }
0x146: {  	v63 =	vshrl.u32 v3, $0x3  }
0x147: {  	v4 =	vmul.u32 $0x30, v63  }
0x148: {  	v3 =	vand.u32 $0x7, v3  }
0x149: {  	v3 =	vor.u32 v3, v4  }
0x14a: {  	v4 =	vperm.xlane v3, v0;
	_ =	sdelay $0x1  }
0x14b: {  	v4 =	vadd.s32 v1, v4;
	_ =	sdelay $0x3  }
0x14c: {  	s14 =	simm.s32 $0x15100;
	v3 =	vperm.xlane v3, v2  }
0x14d: {  	[tilespmem:s14], [sflag:$0x2] =	stream.indirect_vreg.gather [hbm4b:s2+s3], $0x80, v4, vm0, $0xb8;
	[tilespmem:$0x18100] =	vst v63  }
0x14e: {  	v3 =	vadd.s32 v1, v3;
	s14 =	simm.s32 $0x15900  }
0x14f: {  	[tilespmem:s14], [sflag:$0x2] =	stream.indirect_vreg.gather [hbm4b:s5+s3], $0x80, v4, vm0, $0xb8;
	[tilespmem:$0x18100] =	vst v63  }
0x150: {  	s14 =	simm.s32 $0x16100  }
0x151: {  	[tilespmem:s14], [sflag:$0x2] =	stream.indirect_vreg.gather [hbm4b:s6+s3], $0x80, v4, vm0, $0xb8;
	[tilespmem:$0x18100] =	vst v63  }
0x152: {  	s14 =	simm.s32 $0x16900  }
0x153: {  	[tilespmem:s14], [sflag:$0x2] =	stream.indirect_vreg.gather [hbm4b:s2+s3], $0x80, v3, vm0, $0xb8;
	[tilespmem:$0x18100] =	vst v63  }
0x154: {  	s14 =	simm.s32 $0x17100  }
0x155: {  	[tilespmem:s14], [sflag:$0x2] =	stream.indirect_vreg.gather [hbm4b:s5+s3], $0x80, v3, vm0, $0xb8;
	[tilespmem:$0x18100] =	vst v63  }
0x156: {  	s14 =	simm.s32 $0x17900  }
0x157: {  	[tilespmem:s14], [sflag:$0x2] =	stream.indirect_vreg.gather [hbm4b:s6+s3], $0x80, v3, vm0, $0xb8;
	[tilespmem:$0x18100] =	vst v63  }
0x158: {  	_ =	swait.ge [sflag:s13], $0xC000  }
0x159: {  	[sflag:s13] =	ssyncset.done $0x0  }
0x15a: {  	s7 =	simm.s32 $0x100;
	s14 =	rddreg [dreg:$0x5];
	[sflag:s13] =	ssyncadd.s32 $0xFFFF4000  }
0x15b: {  	[hbm4b:s14+s3] =	stream.linear.scatter [tilespmem:s7], [sflag:$0x3], $0xC000, $0x38;
	[tilespmem:$0x18100] =	vst v63  }
0x15c: {  	_ =	swait.ge [sflag:s1], $0xC000  }
0x15d: {  	[sflag:s1] =	ssyncset.done $0x0  }
0x15e: {  	s7 =	rddreg [dreg:$0x6];
	[sflag:s1] =	ssyncadd.s32 $0xFFFF4000  }
0x15f: {  	[hbm4b:s7+s3] =	stream.linear.scatter [tilespmem:s12], [sflag:$0x4], $0xC000, $0x38;
	[tilespmem:$0x18100] =	vst v63  }
0x160: {  	p0 =	sne.s32 s8, $0x1;
	_ =	swait.ge [sflag:s0], $0xC000  }
.Ltmp0:
0x161: {  	[sflag:s0] =	ssyncset.done $0x0;
	(pc) =	sbr.rel @p0 .LBB2_1-.Ltmp0, $4  }
0x162: {  	[sflag:s0] =	ssyncadd.s32 $0xFFFF4000  }
0x163: {  	_ =	swait.ge [sflag:s4], $0xC000  }
0x164: {  	[sflag:s4] =	ssyncset.done $0x0  }
0x165: {  	s8 =	sadd.s32 $0xFFFFFFFF, s8;
	[sflag:s4] =	ssyncadd.s32 $0xFFFF4000  }
0x166: {  	_ =	sfence.sel $0x180000  }
0x167: {  	[bflag:$0x0] =	sbarrier.arrive $0xFFFF  }
0x168: {  	_ =	strace $0x9000004D  }
0x169: {  	s0 =	stileid.u32;
	[bflag:$0x2] =	sbarrier.arrive $0xFFFF  }
0x16a: {  	p0 =	sne.s32 s0, $0x0;
	s0 =	rddreg [dreg:$0x2]  }
0x16b: {  	s0 =	sadd.s32 @!p0 $0x100000, s0  }
0x16c: {  	[sflag:s0] =	ssyncadd.tile.s32 @!p0 $0x1;
	_ =	shalt  }
.Lfunc_end2:
_tile_overlayer_lowered:
.L_overlay_start_2:
0x16d: {  	(tag) =	ssettag $0x2  }
0x16e: {  	s0 =	rddreg [dreg:$0x0];
	s2 =	stileid.u32  }
0x16f: {  	s1 =	rddreg [dreg:$0x1];
	p0 =	sne.s32 s2, $0x0  }
0x170: {  	s3 =	rddreg [dreg:$0x2];
	[bflag:$0x3] =	sbarrier.arrive $0xFFFF;
	s2 =	simm.s32 @!p0 $0x1C05  }
0x171: {  	[timem:s3], [sflag:s2] =	dma.local @!p0 [hbm:s0], s1  }
0x172: {  	s0 =	simm.s32 @!p0 $0x5  }
0x173: {  	_ =	swait.ge @!p0 [sflag:s0], s1  }
0x174: {  	s1 =	ssub.s32 @!p0 $0x0, s1;
	[sflag:s0] =	ssyncset.done @!p0 $0x0  }
0x175: {  	[sflag:s0] =	ssyncadd.s32 @!p0 s1  }
0x176: {  	[bflag:$0x3] =	sbarrier.arrive $0xFFFF  }
0x177: {  	_ =	shalt  }

// kernel: kernel.19.cloned.1.call-start
scs
__scs_entry_jumppad:
0x0: {  	(pc) =	sbr.rel $0x88, $3  }
0x1: {  	(tag) =	ssettag $0x0;
	lr =	simm.s32 $0x1  }
0x2: {  	[smem:$0x3F9B] =	sst lr;
	_ =	strace $0xD0000000  }
0x3: {  	_ = 	snop  }
0x4: {  	_ = 	snop  }
0x5: {  	_ = 	snop  }
0x6: {  	_ = 	snop  }
0x7: {  	_ = 	snop  }
__scs_overlays_trampoline_lowered:
0x8: {  	[smem:$0x3FAA] =	sst s0  }
0x9: {  	[smem:$0x3FAB] =	sst s1  }
0xa: {  	[smem:$0x3FAC] =	sst s2  }
0xb: {  	[smem:$0x3FAD] =	sst s3  }
0xc: {  	[smem:$0x3FAE] =	sst s4  }
0xd: {  	[smem:$0x3FAF] =	sst s5  }
0xe: {  	[smem:$0x3FB0] =	sst s6  }
0xf: {  	[smem:$0x3FB1] =	sst s7  }
0x10: {  	[smem:$0x3FB2] =	sst s8  }
0x11: {  	[smem:$0x3FB3] =	sst s9;
	s0 =	simm.s32 @!p0 $0x0  }
0x12: {  	s1 =	sld [smem:$0x3F99];
	s0 =	simm.s32 @p0 $0x1  }
0x13: {  	[smem:$0x3FB4] =	sst s0;
	s0 =	simm.s32 @!p1 $0x0  }
0x14: {  	s2 =	sld [smem:$0x3F98];
	s0 =	simm.s32 @p1 $0x1  }
0x15: {  	[smem:$0x3FB5] =	sst s0;
	s0 =	simm.s32 @!p2 $0x0  }
0x16: {  	s3 =	sld [smem:$0x3FDB];
	s0 =	simm.s32 @p2 $0x1  }
0x17: {  	s4 =	simm.s32 $0x1BF5;
	[smem:$0x3FB7] =	sst s0  }
0x18: {  	s0 =	sld [smem:$0x3F9A];
	_ =	swait.ge [sflag:s4], $0x0  }
0x19: {  	s7 =	sld [smem:$0x3F9B]  }
0x1a: {  	s8 =	sadd.s32 $0xFFFFE003, lr  }
0x1b: {  	s9 =	sadd.s32 $0xFFFFFEF7, lr;
	s5 =	simm.s32 $0xFFFFFFFF;
	p2 =	slt.u32 s8, $0xFFFFF086  }
0x1c: {  	p1 =	slt.u32 s9, $0xF7A;
	s5 =	simm.s32 @!p2 $0x0  }
0x1d: {  	s5 =	simm.s32 @p1 $0x1;
	p0 =	seq.s32 s7, s2  }
0x1e: {  	s7 =	smul.u32 @!p0 $0xF7A, s2;
	p2 =	seq.s32 @!p0 s5, $0x0  }
0x1f: {  	s9 =	smul.u32 $0xF7A, s1;
	s8 =	simm.s32 @!p0 $0x1BF5;
	p2 =	por !p2, p0  }
0x20: {  	[sflag:s8] =	ssyncset.s32 @!p0 $0xFFFFF086;
	s6 =	sadd.s32 @!p0 s3, s7;
	s7 =	simm.s32 @!p0 $0x108  }
0x21: {  	s3 =	sadd.s32 s3, s9;
	s6 =	sadd.s32 @!p0 $0x88, s6;
	s7 =	simm.s32 @p2 $0x1082  }
0x22: {  	[simem:s7], [sflag:s8] =	dma.local @!p0 [hbm:s6], $0xF7A  }
0x23: {  	s9 =	sor.u32 $0xD0000000, s2;
	s6 =	simm.s32 $0x108;
	_ =	swait.ge @!p0 [sflag:s8], $0x0  }
0x24: {  	s3 =	sadd.s32 $0x88, s3;
	s6 =	simm.s32 @!p1 $0x1082;
	[sflag:s4] =	ssyncset.s32 $0xFFFFF086  }
0x25: {  	[simem:s6], [sflag:s4] =	dma.local [hbm:s3], $0xF7A  }
0x26: {  	[smem:$0x3F9B] =	sst s1;
	(tag) =	ssettag s2;
	_ =	strace s9  }
0x27: {  	s1 =	sld [smem:$0x3FAB]  }
0x28: {  	s2 =	sld [smem:$0x3FAC]  }
0x29: {  	s4 =	sld [smem:$0x3FAE]  }
0x2a: {  	p0 =	seq.s32 s5, $0x0;
	s5 =	sld [smem:$0x3FAF]  }
0x2b: {  	s6 =	sld [smem:$0x3FB0]  }
0x2c: {  	s7 =	sld [smem:$0x3FB1]  }
0x2d: {  	s3 =	simm.s32 $0x108;
	s8 =	sld [smem:$0x3FB2]  }
0x2e: {  	s3 =	simm.s32 @!p0 $0x1082;
	s9 =	sld [smem:$0x3FB3]  }
0x2f: {  	lr =	sadd.s32 s0, s3;
	s0 =	sld [smem:$0x3FAA]  }
0x30: {  	s3 =	sld [smem:$0x3FAD]  }
0x31: {  	[smem:$0x3FB6] =	sst s10  }
0x32: {  	s10 =	sld [smem:$0x3FB4];
	_ =	sdelay $0x3  }
0x33: {  	p0 =	seq.s32 s10, $0x1;
	s10 =	sld [smem:$0x3FB6];
	_ =	sdelay $0x3  }
0x34: {  	[smem:$0x3FB6] =	sst s10  }
0x35: {  	s10 =	sld [smem:$0x3FB5];
	_ =	sdelay $0x3  }
0x36: {  	p1 =	seq.s32 s10, $0x1;
	s10 =	sld [smem:$0x3FB6];
	_ =	sdelay $0x3  }
0x37: {  	[smem:$0x3FB6] =	sst s10  }
0x38: {  	s10 =	sld [smem:$0x3FB7]  }
0x39: {  	_ = 	snop;
	(pc) =	sbr.ind lr, $3  }
0x3a: {  	_ = 	snop  }
0x3b: {  	_ = 	snop  }
0x3c: {  	p2 =	seq.s32 s10, $0x1;
	s10 =	sld [smem:$0x3FB6]  }
0x3d: {  	_ =	shalt  }
0x3e: {  	_ =	shalt  }
0x3f: {  	_ =	shalt  }
0x40: {  	_ =	shalt  }
0x41: {  	_ =	shalt  }
0x42: {  	_ =	shalt  }
0x43: {  	_ =	shalt  }
0x44: {  	_ =	shalt  }
0x45: {  	_ =	shalt  }
0x46: {  	_ =	shalt  }
0x47: {  	_ =	shalt  }
0x48: {  	_ =	shalt  }
0x49: {  	_ =	shalt  }
0x4a: {  	_ =	shalt  }
0x4b: {  	_ =	shalt  }
0x4c: {  	_ =	shalt  }
0x4d: {  	_ =	shalt  }
0x4e: {  	_ =	shalt  }
0x4f: {  	_ =	shalt  }
0x50: {  	_ =	shalt  }
0x51: {  	_ =	shalt  }
0x52: {  	_ =	shalt  }
0x53: {  	_ =	shalt  }
0x54: {  	_ =	shalt  }
0x55: {  	_ =	shalt  }
0x56: {  	_ =	shalt  }
0x57: {  	_ =	shalt  }
0x58: {  	_ =	shalt  }
0x59: {  	_ =	shalt  }
0x5a: {  	_ =	shalt  }
0x5b: {  	_ =	shalt  }
0x5c: {  	_ =	shalt  }
0x5d: {  	_ =	shalt  }
0x5e: {  	_ =	shalt  }
0x5f: {  	_ =	shalt  }
0x60: {  	_ =	shalt  }
0x61: {  	_ =	shalt  }
0x62: {  	_ =	shalt  }
0x63: {  	_ =	shalt  }
0x64: {  	_ =	shalt  }
0x65: {  	_ =	shalt  }
0x66: {  	_ =	shalt  }
0x67: {  	_ =	shalt  }
0x68: {  	_ =	shalt  }
0x69: {  	_ =	shalt  }
0x6a: {  	_ =	shalt  }
0x6b: {  	_ =	shalt  }
0x6c: {  	_ =	shalt  }
0x6d: {  	_ =	shalt  }
0x6e: {  	_ =	shalt  }
0x6f: {  	_ =	shalt  }
0x70: {  	_ =	shalt  }
0x71: {  	_ =	shalt  }
0x72: {  	_ =	shalt  }
0x73: {  	_ =	shalt  }
0x74: {  	_ =	shalt  }
0x75: {  	_ =	shalt  }
0x76: {  	_ =	shalt  }
0x77: {  	_ =	shalt  }
0x78: {  	_ =	shalt  }
0x79: {  	_ =	shalt  }
0x7a: {  	_ =	shalt  }
0x7b: {  	_ =	shalt  }
0x7c: {  	_ =	shalt  }
0x7d: {  	_ =	shalt  }
0x7e: {  	_ =	shalt  }
0x7f: {  	_ =	shalt  }
0x80: {  	_ =	shalt  }
0x81: {  	_ =	shalt  }
0x82: {  	_ =	shalt  }
0x83: {  	_ =	shalt  }
0x84: {  	_ =	shalt  }
0x85: {  	_ =	shalt  }
0x86: {  	_ =	shalt  }
0x87: {  	_ =	shalt  }
.Lfunc_end0:
.L_simem_size_0:
called_computation.3_lowered:
.L_overlay_start_0:
0x88: {  	s2 =	sld [smem:$0x3FD9]  }
0x89: {  	s3 =	sld [smem:$0x3FFE];
	_ =	sdelay $0x1  }
0x8a: {  	s1 =	srdreg.scid  }
0x8b: {  	s0 =	sand.u32 $0x1, s1  }
0x8c: {  	s17 =	sshll.u32 s0, $0xA;
	s2 =	sadd.s32 s3, s2  }
0x8d: {  	s2 =	sadd.s32 s2, s17  }
0x8e: {  	[smem:$0x3FC2] =	sst s2  }
0x8f: {  	_ = 	snop  }
0x90: {  	s18 =	sld [smem:$0x3FC8];
	(tm) =	ssettm $0x1  }
0x91: {  	s19 =	sld [smem:$0x3FFB];
	_ =	sdelay $0x3  }
0x92: {  	_ =	strace s19  }
0x93: {  	s2 =	sld [smem:$0x3FFC];
	_ =	sdelay $0x3  }
0x94: {  	_ =	strace s2  }
0x95: {  	s2 =	sld [smem:$0x3FFD];
	_ =	sdelay $0x3  }
0x96: {  	_ =	strace s2  }
0x97: {  	_ =	strace $0x8FFFFFFF  }
0x98: {  	s20 =	sld [smem:$0x3FDB];
	_ =	sdelay $0x1  }
0x99: {  	s4 =	simm.s32 $_scs_section_size  }
0x9a: {  	s5 =	simm.s32 $_size__tile_overlayer_lowered;
	s6 =	simm.s32 $_tile_overlayer_lowered  }
0x9b: {  	s7 =	simm.s32 $0x1BFF;
	s21 =	sshll.u32 s6, $0x1;
	s4 =	sadd.s32 s4, s20  }
0x9c: {  	s22 =	simm.s32 $0x0;
	s5 =	sshll.u32 s5, $0x1;
	s6 =	sadd.s32 s21, s4  }
0x9d: {  	[timem:s22], [sflag:s7] =	dma.local [hbm:s6], s5  }
0x9e: {  	_ =	swait.ge [sflag:s7], s5  }
0x9f: {  	s5 =	ssub.s32 $0x0, s5;
	[sflag:s7] =	ssyncset.done $0x0  }
0xa0: {  	[sflag:s7] =	ssyncadd.s32 s5;
	_ =	sdelay $0x1  }
0xa1: {  	s23 =	simm.s32 $0x1B8B  }
0xa2: {  	_ =	swait.ge [sflag:s23], $0x1  }
0xa3: {  	[sflag:s23] =	ssyncset.done $0x0  }
0xa4: {  	[sflag:s23] =	ssyncadd.s32 $0xFFFFFFFF  }
0xa5: {  	s5 =	sld [smem:$0x0]  }
0xa6: {  	s6 =	sand.u32 $0xFFFFFFFE, s1  }
0xa7: {  	p0 =	sne.s32 s1, s6  }
0xa8: {  	s6 =	sshll.u32 @p0 s6, $0xE  }
0xa9: {  	s6 =	sadd.s32 @p0 $0x11B8D, s6;
	s7 =	sshll.u32 @p0 s5, $0x11  }
0xaa: {  	s6 =	sor.u32 @p0 s7, s6  }
0xab: {  	[sflag:s6] =	ssyncadd.remote.s32 @p0 $0x1;
	_ =	sdelay $0x1  }
0xac: {  	s6 =	simm.s32 @p0 $0x1B8D  }
0xad: {  	_ =	swait.eq @p0 [sflag:s6], $0x1  }
0xae: {  	[sflag:s6] =	ssyncadd.s32 @p0 $0xFFFFFFFF  }
0xaf: {  	s7 =	sshll.u32 @!p0 s1, $0xE  }
0xb0: {  	s7 =	sor.u32 @!p0 $0x4000, s7;
	s6 =	simm.s32 @!p0 $0x1B8D  }
0xb1: {  	s5 =	sshll.u32 @!p0 s5, $0x11;
	s7 =	sadd.s32 @!p0 $0x11B8D, s7;
	_ =	swait.eq @!p0 [sflag:s6], $0x1  }
0xb2: {  	s5 =	sor.u32 @!p0 s5, s7;
	[sflag:s6] =	ssyncadd.s32 @!p0 $0xFFFFFFFF  }
0xb3: {  	s25 =	simm.s32 $0x1B8E;
	s24 =	sld [smem:$0x3FFE];
	[sflag:s5] =	ssyncadd.remote.s32 @!p0 $0x1  }
0xb4: {  	s26 =	simm.s32 $execute0_lowered;
	[smem:$0x3FD2] =	sst s25  }
0xb5: {  	s6 =	sshll.u32 s26, $0x1;
	_ =	strace $0x8000004F;
	[dreg:$0x1] =	wrdreg $0xFFFFFFFF  }
0xb6: {  	s28 =	simm.s32 $_size_execute0_lowered;
	s4 =	sadd.s32 s4, s6;
	[dreg:$0x0] =	wrdreg $0x0  }
0xb7: {  	s6 =	sshll.u32 s28, $0x1;
	[dreg:$0x2] =	wrdreg s4  }
0xb8: {  	[dreg:$0x3] =	wrdreg s6  }
0xb9: {  	[dreg:$0x4] =	wrdreg $0xC0  }
0xba: {  	_ =	task [dreg:s22], $0x5FFFF  }
0xbb: {  	[dreg:$0x1] =	wrdreg $0xFFFFFFFF  }
0xbc: {  	[dreg:$0x0] =	wrdreg $0x60  }
0xbd: {  	[dreg:$0x2] =	wrdreg s18  }
0xbe: {  	[dreg:$0x3] =	wrdreg s24  }
0xbf: {  	[dreg:$0x4] =	wrdreg $0xC  }
0xc0: {  	_ =	task.clear_ibuf [dreg:s22], $0x5FFFF;
	_ =	strace $0x9000004F  }
0xc1: {  	s29 =	simm.s32 $0xC;
	_ =	strace $0x80000051  }
0xc2: {  	_ =	swait.ge [sflag:s29], $0x1  }
0xc3: {  	[sflag:s29] =	ssyncadd.s32 $0xFFFFFFFF  }
0xc4: {  	_ =	strace $0x90000051  }
0xc5: {  	_ =	sfence  }
0xc6: {  	s30 =	sld [smem:$0x0];
	_ =	sdelay $0x2  }
0xc7: {  	s31 =	sshll.u32 s1, $0xD;
	s1 =	sshrl.u32 s1, $0x2  }
0xc8: {  	s4 =	sand.u32 $0x4000, s31;
	s1 =	sadd.s32 s1, s30  }
0xc9: {  	s0 =	sor.u32 s4, s0;
	s1 =	sshll.u32 s1, $0x11  }
0xca: {  	s0 =	sor.u32 s1, s0  }
0xcb: {  	s0 =	sadd.s32 $0x8F2B, s0  }
0xcc: {  	[sflag:s0] =	ssyncadd.remote.s32 $0x1  }
0xcd: {  	_ =	sfence.sel $0xFFFF  }
0xce: {  	[dreg:$0x0] =	wrdreg $0xFFFFFFFF;
	(pc) =	sbr.abs _section_cstart, $3  }
0xcf: {  	[dreg:$0x1] =	wrdreg $0xFFFFFFFF  }
0xd0: {  	_ =	task.clear_ibuf [dreg:s22], $0x2FFFF;
	_ =	strace $0x9FFFFFFF  }
0xd1: {  	(tm) =	ssettm $0x7FFFFFFF  }
tec
execute0_lowered:
.L_overlay_start_1:
0x0: {  	(tag) =	ssettag $0x1  }
0x1: {  	s0 =	srdreg.scid  }
0x2: {  	s2 =	rddreg [dreg:$0x0];
	s3 =	stileid.u32  }
0x3: {  	s1 =	rddreg [dreg:$0x1];
	s15 =	simm.s32 $0x900;
	s16 =	simm.s32 $0x1100  }
0x4: {  	s17 =	simm.s32 $0x1900;
	s18 =	simm.s32 $0x2100;
	s19 =	simm.s32 $0x2900  }
0x5: {  	s20 =	simm.s32 $0x3100;
	s21 =	simm.s32 $0x3900;
	s22 =	simm.s32 $0x4100  }
0x6: {  	s28 =	simm.s32 $0x6900;
	s29 =	simm.s32 $0x7100;
	s30 =	simm.s32 $0x7900  }
0x7: {  	s31 =	simm.s32 $0x8100;
	s9 =	simm.s32 $0xA100;
	s10 =	simm.s32 $0xB100  }
0x8: {  	s11 =	simm.s32 $0xB900;
	s12 =	simm.s32 $0xC100;
	s0 =	sand.u32 $0x1, s0  }
0x9: {  	s4 =	sshll.u32 s3, $0x6;
	s3 =	simm.s32 $0x0;
	s5 =	sshll.u32 s0, $0x5  }
0xa: {  	s13 =	simm.s32 $0x1;
	[smem:$0x7FF] =	sst s3;
	s4 =	sor.u32 s5, s4  }
0xb: {  	s0 =	ssub.s32 $0x2, s0;
	_ =	strace $0x80000050;
	s5 =	smul.u32 $0x300, s4  }
0xc: {  	s25 =	sshrl.u32 s0, $0x1;
	s6 =	smul.u32 $0x1800, s4;
	s4 =	sadd.s32 s4, s1  }
0xd: {  	s1 =	sadd.s32 $0x242400, s1;
	s0 =	ssub.s32 s0, s25;
	s25 =	simm.s32 $0x5900  }
0xe: {  	s4 =	sadd.s32 $0xC2000, s4;
	s8 =	smax.u32 s0, $0x1;
	s7 =	sadd.s32 s1, s5  }
0xf: {  	s23 =	sshrl.u32 s6, $0x3;
	[dreg:$0x3] =	wrdreg s4;
	s5 =	sadd.s32 $0x100, s2  }
0x10: {  	[dreg:$0x7] =	wrdreg s7;
	s24 =	sadd.s32 $0x1800, s7;
	s1 =	sadd.s32 s1, s23  }
0x11: {  	v2 =	vlaneseq.u32;
	s6 =	sadd.s32 $0x200, s2;
	[dreg:$0x4] =	wrdreg s24;
	s26 =	sadd.s32 $0x3000, s1  }
0x12: {  	vm0 =	vmmov $0xffff;
	v1 =	vshrl.u32 v2, $0x3;
	s23 =	simm.s32 $0x4900;
	s1 =	sadd.s32 $0x4800, s1;
	[dreg:$0x5] =	wrdreg s26  }
0x13: {  	v0 =	vand.u32 $0x7, v2;
	v2 =	vor.u32 $0x8, v2;
	v1 =	vmul.u32 $0x8, v1;
	s24 =	simm.s32 $0x5100;
	[dreg:$0x6] =	wrdreg s1;
	s26 =	simm.s32 $0x6100  }
.LBB2_1:
0x14: {  	s14 =	rddreg [dreg:$0x3];
	s0 =	simm.s32 $0x5  }
0x15: {  	[tilespmem:s3], [sflag:$0x5] =	stream.linear.gather [hbm4b:s14+s3], $0x100, $0x38;
	[tilespmem:$0x18100] =	vst v63  }
0x16: {  	_ =	swait.ge [sflag:s0], $0x100  }
0x17: {  	[sflag:s0] =	ssyncset.done $0x0  }
0x18: {  	[sflag:s0] =	ssyncadd.s32 $0xFFFFFF00  }
0x19: {  	v3 =	vld [tilespmem:$0x0];
	_ =	sdelay $0x4  }
0x1a: {  	v4 =	vshrl.u32 v3, $0x3  }
0x1b: {  	v4 =	vmul.u32 $0x30, v4  }
0x1c: {  	v3 =	vand.u32 $0x7, v3  }
0x1d: {  	v3 =	vor.u32 v3, v4  }
0x1e: {  	v4 =	vperm.xlane v3, v0;
	_ =	sdelay $0x1  }
0x1f: {  	v4 =	vadd.s32 v1, v4;
	_ =	sdelay $0x3  }
0x20: {  	s1 =	simm.s32 $0x100;
	v3 =	vperm.xlane v3, v2  }
0x21: {  	[tilespmem:s1], [sflag:$0x1] =	stream.indirect_vreg.gather [hbm4b:s2+s3], $0x80, v4, vm0, $0xb8;
	[tilespmem:$0x18100] =	vst v63  }
0x22: {  	v3 =	vadd.s32 v1, v3  }
0x23: {  	[tilespmem:s15], [sflag:$0x1] =	stream.indirect_vreg.gather [hbm4b:s5+s3], $0x80, v4, vm0, $0xb8;
	[tilespmem:$0x18100] =	vst v63  }
0x24: {  	_ = 	snop  }
0x25: {  	[tilespmem:s16], [sflag:$0x1] =	stream.indirect_vreg.gather [hbm4b:s6+s3], $0x80, v4, vm0, $0xb8;
	[tilespmem:$0x18100] =	vst v63  }
0x26: {  	_ = 	snop  }
0x27: {  	[tilespmem:s17], [sflag:$0x1] =	stream.indirect_vreg.gather [hbm4b:s2+s3], $0x80, v3, vm0, $0xb8;
	[tilespmem:$0x18100] =	vst v63  }
0x28: {  	_ = 	snop  }
0x29: {  	[tilespmem:s18], [sflag:$0x1] =	stream.indirect_vreg.gather [hbm4b:s5+s3], $0x80, v3, vm0, $0xb8;
	[tilespmem:$0x18100] =	vst v63  }
0x2a: {  	_ = 	snop  }
0x2b: {  	[tilespmem:s19], [sflag:$0x1] =	stream.indirect_vreg.gather [hbm4b:s6+s3], $0x80, v3, vm0, $0xb8;
	[tilespmem:$0x18100] =	vst v63  }
0x2c: {  	v3 =	vld [tilespmem:$0x10];
	_ =	sdelay $0x4  }
0x2d: {  	v49 =	vshrl.u32 v3, $0x3  }
0x2e: {  	v4 =	vmul.u32 $0x30, v49  }
0x2f: {  	v3 =	vand.u32 $0x7, v3  }
0x30: {  	v3 =	vor.u32 v3, v4  }
0x31: {  	v4 =	vperm.xlane v3, v0;
	_ =	sdelay $0x1  }
0x32: {  	v4 =	vadd.s32 v1, v4;
	_ =	sdelay $0x3  }
0x33: {  	v3 =	vperm.xlane v3, v2  }
0x34: {  	[tilespmem:s20], [sflag:$0x1] =	stream.indirect_vreg.gather [hbm4b:s2+s3], $0x80, v4, vm0, $0xb8;
	[tilespmem:$0x18100] =	vst v63  }
0x35: {  	v3 =	vadd.s32 v1, v3  }
0x36: {  	[tilespmem:s21], [sflag:$0x1] =	stream.indirect_vreg.gather [hbm4b:s5+s3], $0x80, v4, vm0, $0xb8;
	[tilespmem:$0x18100] =	vst v63  }
0x37: {  	_ = 	snop  }
0x38: {  	[tilespmem:s22], [sflag:$0x1] =	stream.indirect_vreg.gather [hbm4b:s6+s3], $0x80, v4, vm0, $0xb8;
	[tilespmem:$0x18100] =	vst v63  }
0x39: {  	_ = 	snop  }
0x3a: {  	[tilespmem:s23], [sflag:$0x1] =	stream.indirect_vreg.gather [hbm4b:s2+s3], $0x80, v3, vm0, $0xb8;
	[tilespmem:$0x18100] =	vst v63  }
0x3b: {  	_ = 	snop  }
0x3c: {  	[tilespmem:s24], [sflag:$0x1] =	stream.indirect_vreg.gather [hbm4b:s5+s3], $0x80, v3, vm0, $0xb8;
	[tilespmem:$0x18100] =	vst v63  }
0x3d: {  	_ = 	snop  }
0x3e: {  	[tilespmem:s25], [sflag:$0x1] =	stream.indirect_vreg.gather [hbm4b:s6+s3], $0x80, v3, vm0, $0xb8;
	[tilespmem:$0x18100] =	vst v63  }
0x3f: {  	v3 =	vld [tilespmem:$0x20];
	_ =	sdelay $0x4  }
0x40: {  	v50 =	vshrl.u32 v3, $0x3  }
0x41: {  	v4 =	vmul.u32 $0x30, v50  }
0x42: {  	v3 =	vand.u32 $0x7, v3  }
0x43: {  	v3 =	vor.u32 v3, v4  }
0x44: {  	v4 =	vperm.xlane v3, v0;
	_ =	sdelay $0x1  }
0x45: {  	v4 =	vadd.s32 v1, v4;
	_ =	sdelay $0x3  }
0x46: {  	v3 =	vperm.xlane v3, v2  }
0x47: {  	[tilespmem:s26], [sflag:$0x1] =	stream.indirect_vreg.gather [hbm4b:s2+s3], $0x80, v4, vm0, $0xb8;
	[tilespmem:$0x18100] =	vst v63  }
0x48: {  	v3 =	vadd.s32 v1, v3  }
0x49: {  	[tilespmem:s28], [sflag:$0x1] =	stream.indirect_vreg.gather [hbm4b:s5+s3], $0x80, v4, vm0, $0xb8;
	[tilespmem:$0x18100] =	vst v63  }
0x4a: {  	_ = 	snop  }
0x4b: {  	[tilespmem:s29], [sflag:$0x1] =	stream.indirect_vreg.gather [hbm4b:s6+s3], $0x80, v4, vm0, $0xb8;
	[tilespmem:$0x18100] =	vst v63  }
0x4c: {  	_ = 	snop  }
0x4d: {  	[tilespmem:s30], [sflag:$0x1] =	stream.indirect_vreg.gather [hbm4b:s2+s3], $0x80, v3, vm0, $0xb8;
	[tilespmem:$0x18100] =	vst v63  }
0x4e: {  	_ = 	snop  }
0x4f: {  	[tilespmem:s31], [sflag:$0x1] =	stream.indirect_vreg.gather [hbm4b:s5+s3], $0x80, v3, vm0, $0xb8;
	[tilespmem:$0x18100] =	vst v63  }
0x50: {  	s1 =	simm.s32 $0x8900  }
0x51: {  	[tilespmem:s1], [sflag:$0x1] =	stream.indirect_vreg.gather [hbm4b:s6+s3], $0x80, v3, vm0, $0xb8;
	[tilespmem:$0x18100] =	vst v63  }
0x52: {  	v3 =	vld [tilespmem:$0x30];
	_ =	sdelay $0x4  }
0x53: {  	v51 =	vshrl.u32 v3, $0x3  }
0x54: {  	v4 =	vmul.u32 $0x30, v51  }
0x55: {  	v3 =	vand.u32 $0x7, v3  }
0x56: {  	v3 =	vor.u32 v3, v4  }
0x57: {  	v4 =	vperm.xlane v3, v0;
	_ =	sdelay $0x1  }
0x58: {  	v4 =	vadd.s32 v1, v4;
	_ =	sdelay $0x3  }
0x59: {  	s4 =	simm.s32 $0x9100;
	v3 =	vperm.xlane v3, v2  }
0x5a: {  	[tilespmem:s4], [sflag:$0x1] =	stream.indirect_vreg.gather [hbm4b:s2+s3], $0x80, v4, vm0, $0xb8;
	[tilespmem:$0x18100] =	vst v63  }
0x5b: {  	s7 =	simm.s32 $0x9900;
	v3 =	vadd.s32 v1, v3  }
0x5c: {  	[tilespmem:s7], [sflag:$0x1] =	stream.indirect_vreg.gather [hbm4b:s5+s3], $0x80, v4, vm0, $0xb8;
	[tilespmem:$0x18100] =	vst v63  }
0x5d: {  	_ = 	snop  }
0x5e: {  	[tilespmem:s9], [sflag:$0x1] =	stream.indirect_vreg.gather [hbm4b:s6+s3], $0x80, v4, vm0, $0xb8;
	[tilespmem:$0x18100] =	vst v63  }
0x5f: {  	s4 =	simm.s32 $0xA900  }
0x60: {  	[tilespmem:s4], [sflag:$0x1] =	stream.indirect_vreg.gather [hbm4b:s2+s3], $0x80, v3, vm0, $0xb8;
	[tilespmem:$0x18100] =	vst v63  }
0x61: {  	_ = 	snop  }
0x62: {  	[tilespmem:s10], [sflag:$0x1] =	stream.indirect_vreg.gather [hbm4b:s5+s3], $0x80, v3, vm0, $0xb8;
	[tilespmem:$0x18100] =	vst v63  }
0x63: {  	_ = 	snop  }
0x64: {  	[tilespmem:s11], [sflag:$0x1] =	stream.indirect_vreg.gather [hbm4b:s6+s3], $0x80, v3, vm0, $0xb8;
	[tilespmem:$0x18100] =	vst v63  }
0x65: {  	v3 =	vld [tilespmem:$0x40];
	_ =	sdelay $0x4  }
0x66: {  	v52 =	vshrl.u32 v3, $0x3  }
0x67: {  	v4 =	vmul.u32 $0x30, v52  }
0x68: {  	v3 =	vand.u32 $0x7, v3  }
0x69: {  	v3 =	vor.u32 v3, v4  }
0x6a: {  	v4 =	vperm.xlane v3, v0;
	_ =	sdelay $0x1  }
0x6b: {  	v4 =	vadd.s32 v1, v4;
	_ =	sdelay $0x3  }
0x6c: {  	v3 =	vperm.xlane v3, v2  }
0x6d: {  	[tilespmem:s12], [sflag:$0x2] =	stream.indirect_vreg.gather [hbm4b:s2+s3], $0x80, v4, vm0, $0xb8;
	[tilespmem:$0x18100] =	vst v63  }
0x6e: {  	s14 =	simm.s32 $0xC900;
	v3 =	vadd.s32 v1, v3  }
0x6f: {  	[tilespmem:s14], [sflag:$0x2] =	stream.indirect_vreg.gather [hbm4b:s5+s3], $0x80, v4, vm0, $0xb8;
	[tilespmem:$0x18100] =	vst v63  }
0x70: {  	s7 =	simm.s32 $0xD100  }
0x71: {  	[tilespmem:s7], [sflag:$0x2] =	stream.indirect_vreg.gather [hbm4b:s6+s3], $0x80, v4, vm0, $0xb8;
	[tilespmem:$0x18100] =	vst v63  }
0x72: {  	s14 =	simm.s32 $0xD900  }
0x73: {  	[tilespmem:s14], [sflag:$0x2] =	stream.indirect_vreg.gather [hbm4b:s2+s3], $0x80, v3, vm0, $0xb8;
	[tilespmem:$0x18100] =	vst v63  }
0x74: {  	s7 =	simm.s32 $0xE100  }
0x75: {  	[tilespmem:s7], [sflag:$0x2] =	stream.indirect_vreg.gather [hbm4b:s5+s3], $0x80, v3, vm0, $0xb8;
	[tilespmem:$0x18100] =	vst v63  }
0x76: {  	s14 =	simm.s32 $0xE900  }
0x77: {  	[tilespmem:s14], [sflag:$0x2] =	stream.indirect_vreg.gather [hbm4b:s6+s3], $0x80, v3, vm0, $0xb8;
	[tilespmem:$0x18100] =	vst v63  }
0x78: {  	v3 =	vld [tilespmem:$0x50];
	_ =	sdelay $0x4  }
0x79: {  	v53 =	vshrl.u32 v3, $0x3  }
0x7a: {  	v4 =	vmul.u32 $0x30, v53  }
0x7b: {  	v3 =	vand.u32 $0x7, v3  }
0x7c: {  	v3 =	vor.u32 v3, v4  }
0x7d: {  	v4 =	vperm.xlane v3, v0;
	_ =	sdelay $0x1  }
0x7e: {  	v4 =	vadd.s32 v1, v4;
	_ =	sdelay $0x3  }
0x7f: {  	s7 =	simm.s32 $0xF100;
	v3 =	vperm.xlane v3, v2  }
0x80: {  	[tilespmem:s7], [sflag:$0x2] =	stream.indirect_vreg.gather [hbm4b:s2+s3], $0x80, v4, vm0, $0xb8;
	[tilespmem:$0x18100] =	vst v63  }
0x81: {  	s14 =	simm.s32 $0xF900;
	v3 =	vadd.s32 v1, v3  }
0x82: {  	[tilespmem:s14], [sflag:$0x2] =	stream.indirect_vreg.gather [hbm4b:s5+s3], $0x80, v4, vm0, $0xb8;
	[tilespmem:$0x18100] =	vst v63  }
0x83: {  	s7 =	simm.s32 $0x10100  }
0x84: {  	[tilespmem:s7], [sflag:$0x2] =	stream.indirect_vreg.gather [hbm4b:s6+s3], $0x80, v4, vm0, $0xb8;
	[tilespmem:$0x18100] =	vst v63  }
0x85: {  	s14 =	simm.s32 $0x10900  }
0x86: {  	[tilespmem:s14], [sflag:$0x2] =	stream.indirect_vreg.gather [hbm4b:s2+s3], $0x80, v3, vm0, $0xb8;
	[tilespmem:$0x18100] =	vst v63  }
0x87: {  	s7 =	simm.s32 $0x11100  }
0x88: {  	[tilespmem:s7], [sflag:$0x2] =	stream.indirect_vreg.gather [hbm4b:s5+s3], $0x80, v3, vm0, $0xb8;
	[tilespmem:$0x18100] =	vst v63  }
0x89: {  	s14 =	simm.s32 $0x11900  }
0x8a: {  	[tilespmem:s14], [sflag:$0x2] =	stream.indirect_vreg.gather [hbm4b:s6+s3], $0x80, v3, vm0, $0xb8;
	[tilespmem:$0x18100] =	vst v63  }
0x8b: {  	v3 =	vld [tilespmem:$0x60];
	_ =	sdelay $0x4  }
0x8c: {  	v54 =	vshrl.u32 v3, $0x3  }
0x8d: {  	v4 =	vmul.u32 $0x30, v54  }
0x8e: {  	v3 =	vand.u32 $0x7, v3  }
0x8f: {  	v3 =	vor.u32 v3, v4  }
0x90: {  	v4 =	vperm.xlane v3, v0;
	_ =	sdelay $0x1  }
0x91: {  	v4 =	vadd.s32 v1, v4;
	_ =	sdelay $0x3  }
0x92: {  	s7 =	simm.s32 $0x12100;
	v3 =	vperm.xlane v3, v2  }
0x93: {  	[tilespmem:s7], [sflag:$0x2] =	stream.indirect_vreg.gather [hbm4b:s2+s3], $0x80, v4, vm0, $0xb8;
	[tilespmem:$0x18100] =	vst v63  }
0x94: {  	s14 =	simm.s32 $0x12900;
	v3 =	vadd.s32 v1, v3  }
0x95: {  	[tilespmem:s14], [sflag:$0x2] =	stream.indirect_vreg.gather [hbm4b:s5+s3], $0x80, v4, vm0, $0xb8;
	[tilespmem:$0x18100] =	vst v63  }
0x96: {  	s7 =	simm.s32 $0x13100  }
0x97: {  	[tilespmem:s7], [sflag:$0x2] =	stream.indirect_vreg.gather [hbm4b:s6+s3], $0x80, v4, vm0, $0xb8;
	[tilespmem:$0x18100] =	vst v63  }
0x98: {  	s14 =	simm.s32 $0x13900  }
0x99: {  	[tilespmem:s14], [sflag:$0x2] =	stream.indirect_vreg.gather [hbm4b:s2+s3], $0x80, v3, vm0, $0xb8;
	[tilespmem:$0x18100] =	vst v63  }
0x9a: {  	s7 =	simm.s32 $0x14100  }
0x9b: {  	[tilespmem:s7], [sflag:$0x2] =	stream.indirect_vreg.gather [hbm4b:s5+s3], $0x80, v3, vm0, $0xb8;
	[tilespmem:$0x18100] =	vst v63  }
0x9c: {  	s14 =	simm.s32 $0x14900  }
0x9d: {  	[tilespmem:s14], [sflag:$0x2] =	stream.indirect_vreg.gather [hbm4b:s6+s3], $0x80, v3, vm0, $0xb8;
	[tilespmem:$0x18100] =	vst v63  }
0x9e: {  	v3 =	vld [tilespmem:$0x70];
	_ =	sdelay $0x4  }
0x9f: {  	v55 =	vshrl.u32 v3, $0x3  }
0xa0: {  	v4 =	vmul.u32 $0x30, v55  }
0xa1: {  	v3 =	vand.u32 $0x7, v3  }
0xa2: {  	v3 =	vor.u32 v3, v4  }
0xa3: {  	v4 =	vperm.xlane v3, v0;
	_ =	sdelay $0x1  }
0xa4: {  	v4 =	vadd.s32 v1, v4;
	_ =	sdelay $0x3  }
0xa5: {  	s7 =	simm.s32 $0x15100;
	v3 =	vperm.xlane v3, v2  }
0xa6: {  	[tilespmem:s7], [sflag:$0x2] =	stream.indirect_vreg.gather [hbm4b:s2+s3], $0x80, v4, vm0, $0xb8;
	[tilespmem:$0x18100] =	vst v63  }
0xa7: {  	s14 =	simm.s32 $0x15900;
	v3 =	vadd.s32 v1, v3  }
0xa8: {  	[tilespmem:s14], [sflag:$0x2] =	stream.indirect_vreg.gather [hbm4b:s5+s3], $0x80, v4, vm0, $0xb8;
	[tilespmem:$0x18100] =	vst v63  }
0xa9: {  	s7 =	simm.s32 $0x16100  }
0xaa: {  	[tilespmem:s7], [sflag:$0x2] =	stream.indirect_vreg.gather [hbm4b:s6+s3], $0x80, v4, vm0, $0xb8;
	[tilespmem:$0x18100] =	vst v63  }
0xab: {  	s14 =	simm.s32 $0x16900  }
0xac: {  	[tilespmem:s14], [sflag:$0x2] =	stream.indirect_vreg.gather [hbm4b:s2+s3], $0x80, v3, vm0, $0xb8;
	[tilespmem:$0x18100] =	vst v63  }
0xad: {  	s7 =	simm.s32 $0x17100  }
0xae: {  	[tilespmem:s7], [sflag:$0x2] =	stream.indirect_vreg.gather [hbm4b:s5+s3], $0x80, v3, vm0, $0xb8;
	[tilespmem:$0x18100] =	vst v63  }
0xaf: {  	s14 =	simm.s32 $0x17900  }
0xb0: {  	[tilespmem:s14], [sflag:$0x2] =	stream.indirect_vreg.gather [hbm4b:s6+s3], $0x80, v3, vm0, $0xb8;
	[tilespmem:$0x18100] =	vst v63  }
0xb1: {  	_ =	swait.ge [sflag:s13], $0xC000  }
0xb2: {  	[sflag:s13] =	ssyncset.done $0x0  }
0xb3: {  	s7 =	simm.s32 $0x100;
	s0 =	rddreg [dreg:$0x7];
	[sflag:s13] =	ssyncadd.s32 $0xFFFF4000  }
0xb4: {  	[hbm4b:s0+s3] =	stream.linear.scatter [tilespmem:s7], [sflag:$0x3], $0xC000, $0x38;
	[tilespmem:$0x18100] =	vst v63  }
0xb5: {  	s0 =	simm.s32 $0x3  }
0xb6: {  	_ =	swait.ge [sflag:s0], $0xC000  }
0xb7: {  	[sflag:s0] =	ssyncset.done $0x0  }
0xb8: {  	[sflag:s0] =	ssyncadd.s32 $0xFFFF4000  }
0xb9: {  	v3 =	vld [tilespmem:$0x80];
	_ =	sdelay $0x4  }
0xba: {  	v56 =	vshrl.u32 v3, $0x3  }
0xbb: {  	v4 =	vmul.u32 $0x30, v56  }
0xbc: {  	v3 =	vand.u32 $0x7, v3  }
0xbd: {  	v3 =	vor.u32 v3, v4  }
0xbe: {  	v4 =	vperm.xlane v3, v0;
	_ =	sdelay $0x1  }
0xbf: {  	v4 =	vadd.s32 v1, v4;
	_ =	sdelay $0x3  }
0xc0: {  	v3 =	vperm.xlane v3, v2  }
0xc1: {  	[tilespmem:s7], [sflag:$0x1] =	stream.indirect_vreg.gather [hbm4b:s2+s3], $0x80, v4, vm0, $0xb8;
	[tilespmem:$0x18100] =	vst v63  }
0xc2: {  	v3 =	vadd.s32 v1, v3  }
0xc3: {  	[tilespmem:s15], [sflag:$0x1] =	stream.indirect_vreg.gather [hbm4b:s5+s3], $0x80, v4, vm0, $0xb8;
	[tilespmem:$0x18100] =	vst v63  }
0xc4: {  	_ = 	snop  }
0xc5: {  	[tilespmem:s16], [sflag:$0x1] =	stream.indirect_vreg.gather [hbm4b:s6+s3], $0x80, v4, vm0, $0xb8;
	[tilespmem:$0x18100] =	vst v63  }
0xc6: {  	_ = 	snop  }
0xc7: {  	[tilespmem:s17], [sflag:$0x1] =	stream.indirect_vreg.gather [hbm4b:s2+s3], $0x80, v3, vm0, $0xb8;
	[tilespmem:$0x18100] =	vst v63  }
0xc8: {  	_ = 	snop  }
0xc9: {  	[tilespmem:s18], [sflag:$0x1] =	stream.indirect_vreg.gather [hbm4b:s5+s3], $0x80, v3, vm0, $0xb8;
	[tilespmem:$0x18100] =	vst v63  }
0xca: {  	_ = 	snop  }
0xcb: {  	[tilespmem:s19], [sflag:$0x1] =	stream.indirect_vreg.gather [hbm4b:s6+s3], $0x80, v3, vm0, $0xb8;
	[tilespmem:$0x18100] =	vst v63  }
0xcc: {  	v3 =	vld [tilespmem:$0x90];
	_ =	sdelay $0x4  }
0xcd: {  	v57 =	vshrl.u32 v3, $0x3  }
0xce: {  	v4 =	vmul.u32 $0x30, v57  }
0xcf: {  	v3 =	vand.u32 $0x7, v3  }
0xd0: {  	v3 =	vor.u32 v3, v4  }
0xd1: {  	v4 =	vperm.xlane v3, v0;
	_ =	sdelay $0x1  }
0xd2: {  	v4 =	vadd.s32 v1, v4;
	_ =	sdelay $0x3  }
0xd3: {  	v3 =	vperm.xlane v3, v2  }
0xd4: {  	[tilespmem:s20], [sflag:$0x1] =	stream.indirect_vreg.gather [hbm4b:s2+s3], $0x80, v4, vm0, $0xb8;
	[tilespmem:$0x18100] =	vst v63  }
0xd5: {  	v3 =	vadd.s32 v1, v3  }
0xd6: {  	[tilespmem:s21], [sflag:$0x1] =	stream.indirect_vreg.gather [hbm4b:s5+s3], $0x80, v4, vm0, $0xb8;
	[tilespmem:$0x18100] =	vst v63  }
0xd7: {  	_ = 	snop  }
0xd8: {  	[tilespmem:s22], [sflag:$0x1] =	stream.indirect_vreg.gather [hbm4b:s6+s3], $0x80, v4, vm0, $0xb8;
	[tilespmem:$0x18100] =	vst v63  }
0xd9: {  	_ = 	snop  }
0xda: {  	[tilespmem:s23], [sflag:$0x1] =	stream.indirect_vreg.gather [hbm4b:s2+s3], $0x80, v3, vm0, $0xb8;
	[tilespmem:$0x18100] =	vst v63  }
0xdb: {  	_ = 	snop  }
0xdc: {  	[tilespmem:s24], [sflag:$0x1] =	stream.indirect_vreg.gather [hbm4b:s5+s3], $0x80, v3, vm0, $0xb8;
	[tilespmem:$0x18100] =	vst v63  }
0xdd: {  	_ = 	snop  }
0xde: {  	[tilespmem:s25], [sflag:$0x1] =	stream.indirect_vreg.gather [hbm4b:s6+s3], $0x80, v3, vm0, $0xb8;
	[tilespmem:$0x18100] =	vst v63  }
0xdf: {  	v3 =	vld [tilespmem:$0xA0];
	_ =	sdelay $0x4  }
0xe0: {  	v58 =	vshrl.u32 v3, $0x3  }
0xe1: {  	v4 =	vmul.u32 $0x30, v58  }
0xe2: {  	v3 =	vand.u32 $0x7, v3  }
0xe3: {  	v3 =	vor.u32 v3, v4  }
0xe4: {  	v4 =	vperm.xlane v3, v0;
	_ =	sdelay $0x1  }
0xe5: {  	v4 =	vadd.s32 v1, v4;
	_ =	sdelay $0x3  }
0xe6: {  	v3 =	vperm.xlane v3, v2  }
0xe7: {  	[tilespmem:s26], [sflag:$0x1] =	stream.indirect_vreg.gather [hbm4b:s2+s3], $0x80, v4, vm0, $0xb8;
	[tilespmem:$0x18100] =	vst v63  }
0xe8: {  	v3 =	vadd.s32 v1, v3  }
0xe9: {  	[tilespmem:s28], [sflag:$0x1] =	stream.indirect_vreg.gather [hbm4b:s5+s3], $0x80, v4, vm0, $0xb8;
	[tilespmem:$0x18100] =	vst v63  }
0xea: {  	_ = 	snop  }
0xeb: {  	[tilespmem:s29], [sflag:$0x1] =	stream.indirect_vreg.gather [hbm4b:s6+s3], $0x80, v4, vm0, $0xb8;
	[tilespmem:$0x18100] =	vst v63  }
0xec: {  	_ = 	snop  }
0xed: {  	[tilespmem:s30], [sflag:$0x1] =	stream.indirect_vreg.gather [hbm4b:s2+s3], $0x80, v3, vm0, $0xb8;
	[tilespmem:$0x18100] =	vst v63  }
0xee: {  	_ = 	snop  }
0xef: {  	[tilespmem:s31], [sflag:$0x1] =	stream.indirect_vreg.gather [hbm4b:s5+s3], $0x80, v3, vm0, $0xb8;
	[tilespmem:$0x18100] =	vst v63  }
0xf0: {  	_ = 	snop  }
0xf1: {  	[tilespmem:s1], [sflag:$0x1] =	stream.indirect_vreg.gather [hbm4b:s6+s3], $0x80, v3, vm0, $0xb8;
	[tilespmem:$0x18100] =	vst v63  }
0xf2: {  	v3 =	vld [tilespmem:$0xB0];
	_ =	sdelay $0x4  }
0xf3: {  	v59 =	vshrl.u32 v3, $0x3  }
0xf4: {  	v4 =	vmul.u32 $0x30, v59  }
0xf5: {  	v3 =	vand.u32 $0x7, v3  }
0xf6: {  	v3 =	vor.u32 v3, v4  }
0xf7: {  	v4 =	vperm.xlane v3, v0;
	_ =	sdelay $0x1  }
0xf8: {  	v4 =	vadd.s32 v1, v4;
	_ =	sdelay $0x3  }
0xf9: {  	s7 =	simm.s32 $0x9100;
	v3 =	vperm.xlane v3, v2  }
0xfa: {  	[tilespmem:s7], [sflag:$0x1] =	stream.indirect_vreg.gather [hbm4b:s2+s3], $0x80, v4, vm0, $0xb8;
	[tilespmem:$0x18100] =	vst v63  }
0xfb: {  	s14 =	simm.s32 $0x9900;
	v3 =	vadd.s32 v1, v3  }
0xfc: {  	[tilespmem:s14], [sflag:$0x1] =	stream.indirect_vreg.gather [hbm4b:s5+s3], $0x80, v4, vm0, $0xb8;
	[tilespmem:$0x18100] =	vst v63  }
0xfd: {  	_ = 	snop  }
0xfe: {  	[tilespmem:s9], [sflag:$0x1] =	stream.indirect_vreg.gather [hbm4b:s6+s3], $0x80, v4, vm0, $0xb8;
	[tilespmem:$0x18100] =	vst v63  }
0xff: {  	_ = 	snop  }
0x100: {  	[tilespmem:s4], [sflag:$0x1] =	stream.indirect_vreg.gather [hbm4b:s2+s3], $0x80, v3, vm0, $0xb8;
	[tilespmem:$0x18100] =	vst v63  }
0x101: {  	_ = 	snop  }
0x102: {  	[tilespmem:s10], [sflag:$0x1] =	stream.indirect_vreg.gather [hbm4b:s5+s3], $0x80, v3, vm0, $0xb8;
	[tilespmem:$0x18100] =	vst v63  }
0x103: {  	s1 =	simm.s32 $0x2  }
0x104: {  	[tilespmem:s11], [sflag:$0x1] =	stream.indirect_vreg.gather [hbm4b:s6+s3], $0x80, v3, vm0, $0xb8;
	[tilespmem:$0x18100] =	vst v63  }
0x105: {  	_ =	swait.ge [sflag:s1], $0xC000  }
0x106: {  	[sflag:s1] =	ssyncset.done $0x0  }
0x107: {  	s4 =	simm.s32 $0x4;
	s7 =	rddreg [dreg:$0x4];
	[sflag:s1] =	ssyncadd.s32 $0xFFFF4000  }
0x108: {  	[hbm4b:s7+s3] =	stream.linear.scatter [tilespmem:s12], [sflag:$0x4], $0xC000, $0x38;
	[tilespmem:$0x18100] =	vst v63  }
0x109: {  	_ =	swait.ge [sflag:s4], $0xC000  }
0x10a: {  	[sflag:s4] =	ssyncset.done $0x0  }
0x10b: {  	[sflag:s4] =	ssyncadd.s32 $0xFFFF4000  }
0x10c: {  	v3 =	vld [tilespmem:$0xC0];
	_ =	sdelay $0x4  }
0x10d: {  	v60 =	vshrl.u32 v3, $0x3  }
0x10e: {  	v4 =	vmul.u32 $0x30, v60  }
0x10f: {  	v3 =	vand.u32 $0x7, v3  }
0x110: {  	v3 =	vor.u32 v3, v4  }
0x111: {  	v4 =	vperm.xlane v3, v0;
	_ =	sdelay $0x1  }
0x112: {  	v4 =	vadd.s32 v1, v4;
	_ =	sdelay $0x3  }
0x113: {  	v3 =	vperm.xlane v3, v2  }
0x114: {  	[tilespmem:s12], [sflag:$0x2] =	stream.indirect_vreg.gather [hbm4b:s2+s3], $0x80, v4, vm0, $0xb8;
	[tilespmem:$0x18100] =	vst v63  }
0x115: {  	s14 =	simm.s32 $0xC900;
	v3 =	vadd.s32 v1, v3  }
0x116: {  	[tilespmem:s14], [sflag:$0x2] =	stream.indirect_vreg.gather [hbm4b:s5+s3], $0x80, v4, vm0, $0xb8;
	[tilespmem:$0x18100] =	vst v63  }
0x117: {  	s14 =	simm.s32 $0xD100  }
0x118: {  	[tilespmem:s14], [sflag:$0x2] =	stream.indirect_vreg.gather [hbm4b:s6+s3], $0x80, v4, vm0, $0xb8;
	[tilespmem:$0x18100] =	vst v63  }
0x119: {  	s14 =	simm.s32 $0xD900  }
0x11a: {  	[tilespmem:s14], [sflag:$0x2] =	stream.indirect_vreg.gather [hbm4b:s2+s3], $0x80, v3, vm0, $0xb8;
	[tilespmem:$0x18100] =	vst v63  }
0x11b: {  	s14 =	simm.s32 $0xE100  }
0x11c: {  	[tilespmem:s14], [sflag:$0x2] =	stream.indirect_vreg.gather [hbm4b:s5+s3], $0x80, v3, vm0, $0xb8;
	[tilespmem:$0x18100] =	vst v63  }
0x11d: {  	s14 =	simm.s32 $0xE900  }
0x11e: {  	[tilespmem:s14], [sflag:$0x2] =	stream.indirect_vreg.gather [hbm4b:s6+s3], $0x80, v3, vm0, $0xb8;
	[tilespmem:$0x18100] =	vst v63  }
0x11f: {  	v3 =	vld [tilespmem:$0xD0];
	_ =	sdelay $0x4  }
0x120: {  	v61 =	vshrl.u32 v3, $0x3  }
0x121: {  	v4 =	vmul.u32 $0x30, v61  }
0x122: {  	v3 =	vand.u32 $0x7, v3  }
0x123: {  	v3 =	vor.u32 v3, v4  }
0x124: {  	v4 =	vperm.xlane v3, v0;
	_ =	sdelay $0x1  }
0x125: {  	v4 =	vadd.s32 v1, v4;
	_ =	sdelay $0x3  }
0x126: {  	s14 =	simm.s32 $0xF100;
	v3 =	vperm.xlane v3, v2  }
0x127: {  	[tilespmem:s14], [sflag:$0x2] =	stream.indirect_vreg.gather [hbm4b:s2+s3], $0x80, v4, vm0, $0xb8;
	[tilespmem:$0x18100] =	vst v63  }
0x128: {  	v3 =	vadd.s32 v1, v3;
	s14 =	simm.s32 $0xF900  }
0x129: {  	[tilespmem:s14], [sflag:$0x2] =	stream.indirect_vreg.gather [hbm4b:s5+s3], $0x80, v4, vm0, $0xb8;
	[tilespmem:$0x18100] =	vst v63  }
0x12a: {  	s14 =	simm.s32 $0x10100  }
0x12b: {  	[tilespmem:s14], [sflag:$0x2] =	stream.indirect_vreg.gather [hbm4b:s6+s3], $0x80, v4, vm0, $0xb8;
	[tilespmem:$0x18100] =	vst v63  }
0x12c: {  	s14 =	simm.s32 $0x10900  }
0x12d: {  	[tilespmem:s14], [sflag:$0x2] =	stream.indirect_vreg.gather [hbm4b:s2+s3], $0x80, v3, vm0, $0xb8;
	[tilespmem:$0x18100] =	vst v63  }
0x12e: {  	s14 =	simm.s32 $0x11100  }
0x12f: {  	[tilespmem:s14], [sflag:$0x2] =	stream.indirect_vreg.gather [hbm4b:s5+s3], $0x80, v3, vm0, $0xb8;
	[tilespmem:$0x18100] =	vst v63  }
0x130: {  	s14 =	simm.s32 $0x11900  }
0x131: {  	[tilespmem:s14], [sflag:$0x2] =	stream.indirect_vreg.gather [hbm4b:s6+s3], $0x80, v3, vm0, $0xb8;
	[tilespmem:$0x18100] =	vst v63  }
0x132: {  	v3 =	vld [tilespmem:$0xE0];
	_ =	sdelay $0x4  }
0x133: {  	v62 =	vshrl.u32 v3, $0x3  }
0x134: {  	v4 =	vmul.u32 $0x30, v62  }
0x135: {  	v3 =	vand.u32 $0x7, v3  }
0x136: {  	v3 =	vor.u32 v3, v4  }
0x137: {  	v4 =	vperm.xlane v3, v0;
	_ =	sdelay $0x1  }
0x138: {  	v4 =	vadd.s32 v1, v4;
	_ =	sdelay $0x3  }
0x139: {  	s14 =	simm.s32 $0x12100;
	v3 =	vperm.xlane v3, v2  }
0x13a: {  	[tilespmem:s14], [sflag:$0x2] =	stream.indirect_vreg.gather [hbm4b:s2+s3], $0x80, v4, vm0, $0xb8;
	[tilespmem:$0x18100] =	vst v63  }
0x13b: {  	v3 =	vadd.s32 v1, v3;
	s14 =	simm.s32 $0x12900  }
0x13c: {  	[tilespmem:s14], [sflag:$0x2] =	stream.indirect_vreg.gather [hbm4b:s5+s3], $0x80, v4, vm0, $0xb8;
	[tilespmem:$0x18100] =	vst v63  }
0x13d: {  	s14 =	simm.s32 $0x13100  }
0x13e: {  	[tilespmem:s14], [sflag:$0x2] =	stream.indirect_vreg.gather [hbm4b:s6+s3], $0x80, v4, vm0, $0xb8;
	[tilespmem:$0x18100] =	vst v63  }
0x13f: {  	s14 =	simm.s32 $0x13900  }
0x140: {  	[tilespmem:s14], [sflag:$0x2] =	stream.indirect_vreg.gather [hbm4b:s2+s3], $0x80, v3, vm0, $0xb8;
	[tilespmem:$0x18100] =	vst v63  }
0x141: {  	s14 =	simm.s32 $0x14100  }
0x142: {  	[tilespmem:s14], [sflag:$0x2] =	stream.indirect_vreg.gather [hbm4b:s5+s3], $0x80, v3, vm0, $0xb8;
	[tilespmem:$0x18100] =	vst v63  }
0x143: {  	s14 =	simm.s32 $0x14900  }
0x144: {  	[tilespmem:s14], [sflag:$0x2] =	stream.indirect_vreg.gather [hbm4b:s6+s3], $0x80, v3, vm0, $0xb8;
	[tilespmem:$0x18100] =	vst v63  }
0x145: {  	v3 =	vld [tilespmem:$0xF0];
	_ =	sdelay $0x4  }
0x146: {  	v63 =	vshrl.u32 v3, $0x3  }
0x147: {  	v4 =	vmul.u32 $0x30, v63  }
0x148: {  	v3 =	vand.u32 $0x7, v3  }
0x149: {  	v3 =	vor.u32 v3, v4  }
0x14a: {  	v4 =	vperm.xlane v3, v0;
	_ =	sdelay $0x1  }
0x14b: {  	v4 =	vadd.s32 v1, v4;
	_ =	sdelay $0x3  }
0x14c: {  	s14 =	simm.s32 $0x15100;
	v3 =	vperm.xlane v3, v2  }
0x14d: {  	[tilespmem:s14], [sflag:$0x2] =	stream.indirect_vreg.gather [hbm4b:s2+s3], $0x80, v4, vm0, $0xb8;
	[tilespmem:$0x18100] =	vst v63  }
0x14e: {  	v3 =	vadd.s32 v1, v3;
	s14 =	simm.s32 $0x15900  }
0x14f: {  	[tilespmem:s14], [sflag:$0x2] =	stream.indirect_vreg.gather [hbm4b:s5+s3], $0x80, v4, vm0, $0xb8;
	[tilespmem:$0x18100] =	vst v63  }
0x150: {  	s14 =	simm.s32 $0x16100  }
0x151: {  	[tilespmem:s14], [sflag:$0x2] =	stream.indirect_vreg.gather [hbm4b:s6+s3], $0x80, v4, vm0, $0xb8;
	[tilespmem:$0x18100] =	vst v63  }
0x152: {  	s14 =	simm.s32 $0x16900  }
0x153: {  	[tilespmem:s14], [sflag:$0x2] =	stream.indirect_vreg.gather [hbm4b:s2+s3], $0x80, v3, vm0, $0xb8;
	[tilespmem:$0x18100] =	vst v63  }
0x154: {  	s14 =	simm.s32 $0x17100  }
0x155: {  	[tilespmem:s14], [sflag:$0x2] =	stream.indirect_vreg.gather [hbm4b:s5+s3], $0x80, v3, vm0, $0xb8;
	[tilespmem:$0x18100] =	vst v63  }
0x156: {  	s14 =	simm.s32 $0x17900  }
0x157: {  	[tilespmem:s14], [sflag:$0x2] =	stream.indirect_vreg.gather [hbm4b:s6+s3], $0x80, v3, vm0, $0xb8;
	[tilespmem:$0x18100] =	vst v63  }
0x158: {  	_ =	swait.ge [sflag:s13], $0xC000  }
0x159: {  	[sflag:s13] =	ssyncset.done $0x0  }
0x15a: {  	s7 =	simm.s32 $0x100;
	s14 =	rddreg [dreg:$0x5];
	[sflag:s13] =	ssyncadd.s32 $0xFFFF4000  }
0x15b: {  	[hbm4b:s14+s3] =	stream.linear.scatter [tilespmem:s7], [sflag:$0x3], $0xC000, $0x38;
	[tilespmem:$0x18100] =	vst v63  }
0x15c: {  	_ =	swait.ge [sflag:s1], $0xC000  }
0x15d: {  	[sflag:s1] =	ssyncset.done $0x0  }
0x15e: {  	s7 =	rddreg [dreg:$0x6];
	[sflag:s1] =	ssyncadd.s32 $0xFFFF4000  }
0x15f: {  	[hbm4b:s7+s3] =	stream.linear.scatter [tilespmem:s12], [sflag:$0x4], $0xC000, $0x38;
	[tilespmem:$0x18100] =	vst v63  }
0x160: {  	p0 =	sne.s32 s8, $0x1;
	_ =	swait.ge [sflag:s0], $0xC000  }
.Ltmp0:
0x161: {  	[sflag:s0] =	ssyncset.done $0x0;
	(pc) =	sbr.rel @p0 .LBB2_1-.Ltmp0, $4  }
0x162: {  	[sflag:s0] =	ssyncadd.s32 $0xFFFF4000  }
0x163: {  	_ =	swait.ge [sflag:s4], $0xC000  }
0x164: {  	[sflag:s4] =	ssyncset.done $0x0  }
0x165: {  	s8 =	sadd.s32 $0xFFFFFFFF, s8;
	[sflag:s4] =	ssyncadd.s32 $0xFFFF4000  }
0x166: {  	_ =	sfence.sel $0x180000  }
0x167: {  	[bflag:$0x0] =	sbarrier.arrive $0xFFFF  }
0x168: {  	_ =	strace $0x90000050  }
0x169: {  	s0 =	stileid.u32;
	[bflag:$0x2] =	sbarrier.arrive $0xFFFF  }
0x16a: {  	p0 =	sne.s32 s0, $0x0;
	s0 =	rddreg [dreg:$0x2]  }
0x16b: {  	s0 =	sadd.s32 @!p0 $0x100000, s0  }
0x16c: {  	[sflag:s0] =	ssyncadd.tile.s32 @!p0 $0x1;
	_ =	shalt  }
.Lfunc_end2:
_tile_overlayer_lowered:
.L_overlay_start_2:
0x16d: {  	(tag) =	ssettag $0x2  }
0x16e: {  	s0 =	rddreg [dreg:$0x0];
	s2 =	stileid.u32  }
0x16f: {  	s1 =	rddreg [dreg:$0x1];
	p0 =	sne.s32 s2, $0x0  }
0x170: {  	s3 =	rddreg [dreg:$0x2];
	[bflag:$0x3] =	sbarrier.arrive $0xFFFF;
	s2 =	simm.s32 @!p0 $0x1C05  }
0x171: {  	[timem:s3], [sflag:s2] =	dma.local @!p0 [hbm:s0], s1  }
0x172: {  	s0 =	simm.s32 @!p0 $0x5  }
0x173: {  	_ =	swait.ge @!p0 [sflag:s0], s1  }
0x174: {  	s1 =	ssub.s32 @!p0 $0x0, s1;
	[sflag:s0] =	ssyncset.done @!p0 $0x0  }
0x175: {  	[sflag:s0] =	ssyncadd.s32 @!p0 s1  }
0x176: {  	[bflag:$0x3] =	sbarrier.arrive $0xFFFF  }
0x177: {  	_ =	shalt  }

</sc_bundles>
